<compile_context>
chip_gen: v7x
topology: tpu7x:2x2x1
jax: 0.10.2.dev20260603
libtpu: 0.0.44.dev20260713+nightly
codegen_flags: <defaults>
</compile_context>

<pallas_src>
import functools

import jax
import jax.numpy as jnp
from jax import lax
from jax.experimental import pallas as pl
from jax.experimental.pallas import tpu as pltpu
from jax.experimental.pallas import tpu_sc as plsc

N = 10000
E = 320000
H = 256
HH = 128
G = 64
L = 3

NS = 16
C = 80
NCH = 250
EPC = NCH * C
EPAD = NS * EPC
NGARB = 0
ACCR = N + NGARB
ROWS = 624
ZR = 16
NSTG = 4

RB = 1000
NB = N // RB



def _make_sc_agg():
    mesh = plsc.VectorSubcoreMesh(core_axis_name="c", subcore_axis_name="s")

    @functools.partial(
        pl.kernel,
        mesh=mesh,
        out_type=jax.ShapeDtypeStruct((2 * N, HH), jnp.float32),
        scratch_types=[
            pltpu.VMEM((C,), jnp.int32),
            pltpu.VMEM((C,), jnp.int32),
            pltpu.VMEM((C,), jnp.int32),
            pltpu.VMEM((C,), jnp.int32),
            pltpu.VMEM((C,), jnp.int32),
            pltpu.VMEM((C,), jnp.int32),
            pltpu.VMEM((C,), jnp.int32),
            pltpu.VMEM((C,), jnp.int32),
            pltpu.VMEM((C, HH), jnp.float32),
            pltpu.VMEM((C, HH), jnp.float32),
            pltpu.VMEM((ZR, HH), jnp.float32),
            pltpu.VMEM_SHARED((ACCR, HH), jnp.float32),
            pltpu.SemaphoreType.DMA,
            pltpu.SemaphoreType.DMA,
            pltpu.SemaphoreType.DMA,
            pltpu.SemaphoreType.DMA,
            pltpu.SemaphoreType.DMA,
            pltpu.SemaphoreType.DMA,
            pltpu.SemaphoreType.DMA,
            pltpu.SemaphoreType.DMA,
        ],
    )
    def sc_agg(src2_hbm, dst_hbm, h_hbm, out_hbm,
               srcb0, srcb1, srcb2, srcb3, dstb0, dstb1, dstb2, dstb3,
               stage0, stage1, zbuf, acc,
               semg0, semg1, sems0, sems1, semi0, semi1, semi2, semi3):
        cid = lax.axis_index("c")
        sid = lax.axis_index("s")
        srcb = (srcb0, srcb1, srcb2, srcb3)
        dstb = (dstb0, dstb1, dstb2, dstb3)
        stage = (stage0, stage1)
        semg = (semg0, semg1)
        sems = (sems0, sems1)
        semi = (semi0, semi1, semi2, semi3)

        def zrow(i, _):
            def zcol(j, _):
                zbuf[i, pl.ds(j * 16, 16)] = jnp.zeros((16,), jnp.float32)
                return 0
            return lax.fori_loop(0, HH // 16, zcol, 0)
        lax.fori_loop(0, ZR, zrow, 0)

        def zcp(t, _):
            pltpu.make_async_copy(
                zbuf, acc.at[pl.ds(sid * ROWS + t * ZR, ZR)], sems0).start()
            return 0
        lax.fori_loop(0, ROWS // ZR, zcp, 0)

        @pl.when(sid == NS - 1)
        def _():
            pltpu.make_async_copy(
                zbuf, acc.at[pl.ds(NS * ROWS, N - NS * ROWS)], sems0).start()

        def zwait(t, _):
            pltpu.make_async_copy(
                zbuf, acc.at[pl.ds(0, ZR)], sems0).wait()
            return 0
        lax.fori_loop(0, ROWS // ZR, zwait, 0)

        @pl.when(sid == NS - 1)
        def _():
            pltpu.make_async_copy(
                zbuf, acc.at[pl.ds(0, N - NS * ROWS)], sems0).wait()

        plsc.subcore_barrier()


        def start_idx(k, q):
            kk = jnp.minimum(k, NCH - 1)
            base = sid * EPC + kk * C
            pltpu.make_async_copy(
                src2_hbm.at[pl.ds(cid * EPAD + base, C)], srcb[q], semi[q]).start()
            pltpu.make_async_copy(
                dst_hbm.at[pl.ds(base, C)], dstb[q], semi[q]).start()

        def wait_idx(q):
            pltpu.make_async_copy(
                src2_hbm.at[pl.ds(0, C)], srcb[q], semi[q]).wait()
            pltpu.make_async_copy(
                dst_hbm.at[pl.ds(0, C)], dstb[q], semi[q]).wait()

        def g_desc(q, b):
            return pltpu.make_async_copy(h_hbm.at[srcb[q]], stage[b], semg[b])

        def s_desc(q, b):
            return pltpu.make_async_copy(stage[b], acc.at[dstb[q]], sems[b])

        start_idx(0, 0)
        wait_idx(0)
        g_desc(0, 0).start()
        start_idx(1, 1)

        def pair(k2, _):
            for b in (0, 1):
                k = 2 * k2 + b
                g_desc(b, b).wait()
                wait_idx(1 - b)
                g_desc(1 - b, 1 - b).start()
                pltpu.sync_copy(stage[b], acc.at[dstb[b]], add=True)
                start_idx(k + 2, b)
            return 0
        lax.fori_loop(0, NCH // 2, pair, 0)

        g_desc(0, 0).wait()
        wait_idx(1)
        plsc.subcore_barrier()

        pltpu.sync_copy(
            acc.at[pl.ds(sid * ROWS, ROWS)],
            out_hbm.at[pl.ds(cid * N + sid * ROWS, ROWS)],
        )

        @pl.when(sid == NS - 1)
        def _():
            pltpu.sync_copy(
                acc.at[pl.ds(NS * ROWS, N - NS * ROWS)],
                out_hbm.at[pl.ds(cid * N + NS * ROWS, N - NS * ROWS)],
            )

    return sc_agg


_SC_AGG_CACHE = []


def _sc_agg(src2, dst, h):
    if not _SC_AGG_CACHE:
        _SC_AGG_CACHE.append(_make_sc_agg())
    return _SC_AGG_CACHE[0](src2, dst, h)



def _enc_body(xp_ref, w0_ref, b0_ref, w1c_ref, b1c_ref, out_ref):
    t = jnp.maximum(xp_ref[...] @ w0_ref[...] + b0_ref[...], 0.0)
    out_ref[...] = t @ w1c_ref[0] + b1c_ref[0]


def _encoder(xp, w0, b0, w1c, b1c):
    return pl.pallas_call(
        _enc_body,
        grid=(2 * NB,),
        in_specs=[
            pl.BlockSpec((RB, H), lambda j: (j % NB, 0)),
            pl.BlockSpec((H, H), lambda j: (0, 0)),
            pl.BlockSpec((1, H), lambda j: (0, 0)),
            pl.BlockSpec((1, H, HH), lambda j: (j // NB, 0, 0)),
            pl.BlockSpec((1, 1, HH), lambda j: (j // NB, 0, 0)),
        ],
        out_specs=pl.BlockSpec((RB, HH), lambda j: (j, 0)),
        out_shape=jax.ShapeDtypeStruct((2 * N, HH), jnp.float32),
    )(xp, w0, b0, w1c, b1c)


def _mlp_body(a0_ref, a1_ref, h0_ref, h1_ref, wa_ref, ba_ref, wbc_ref, bbc_ref, out_ref):
    z0 = a0_ref[...] + h0_ref[...]
    z1 = a1_ref[...] + h1_ref[...]
    t = jnp.maximum(z0 @ wa_ref[:HH, :] + z1 @ wa_ref[HH:, :] + ba_ref[...], 0.0)
    out_ref[...] = jnp.maximum(t @ wbc_ref[0] + bbc_ref[0], 0.0)


def _gin_mlp(agg, h, wa, ba, wbc, bbc):
    return pl.pallas_call(
        _mlp_body,
        grid=(2 * NB,),
        in_specs=[
            pl.BlockSpec((RB, HH), lambda j: (j % NB, 0)),
            pl.BlockSpec((RB, HH), lambda j: (j % NB + NB, 0)),
            pl.BlockSpec((RB, HH), lambda j: (j % NB, 0)),
            pl.BlockSpec((RB, HH), lambda j: (j % NB + NB, 0)),
            pl.BlockSpec((H, H), lambda j: (0, 0)),
            pl.BlockSpec((1, H), lambda j: (0, 0)),
            pl.BlockSpec((1, H, HH), lambda j: (j // NB, 0, 0)),
            pl.BlockSpec((1, 1, HH), lambda j: (j // NB, 0, 0)),
        ],
        out_specs=pl.BlockSpec((RB, HH), lambda j: (j, 0)),
        out_shape=jax.ShapeDtypeStruct((2 * N, HH), jnp.float32),
    )(agg, agg, h, h, wa, ba, wbc, bbc)


def _readout_body(a0_ref, a1_ref, h0_ref, h1_ref, wa_ref, ba_ref, wb_ref, bb_ref,
                  l1_ref, b1_ref, l2_ref, b2_ref, batch_ref, out_ref):
    j = pl.program_id(0)
    z0 = a0_ref[...] + h0_ref[...]
    z1 = a1_ref[...] + h1_ref[...]
    t = jnp.maximum(z0 @ wa_ref[:HH, :] + z1 @ wa_ref[HH:, :] + ba_ref[...], 0.0)
    hf = jnp.maximum(t @ wb_ref[...] + bb_ref[...], 0.0)
    r = jnp.maximum(hf[:, :HH] @ l1_ref[:HH, :] + hf[:, HH:] @ l1_ref[HH:, :] + b1_ref[...], 0.0)
    y = r @ l2_ref[...] + b2_ref[...]
    b = batch_ref[0, 0, :]
    oh = (b[:, None] == lax.broadcasted_iota(jnp.int32, (RB, G), 1)).astype(jnp.float32)
    contrib = lax.dot_general(oh, y, (((0,), (0,)), ((), ())))

    @pl.when(j == 0)
    def _():
        out_ref[...] = jnp.zeros_like(out_ref)

    out_ref[...] += contrib


def _readout(agg, h, wa, ba, wb, bb, l1, b1, l2, b2, batch3):
    return pl.pallas_call(
        _readout_body,
        grid=(NB,),
        in_specs=[
            pl.BlockSpec((RB, HH), lambda j: (j, 0)),
            pl.BlockSpec((RB, HH), lambda j: (j + NB, 0)),
            pl.BlockSpec((RB, HH), lambda j: (j, 0)),
            pl.BlockSpec((RB, HH), lambda j: (j + NB, 0)),
            pl.BlockSpec((H, H), lambda j: (0, 0)),
            pl.BlockSpec((1, H), lambda j: (0, 0)),
            pl.BlockSpec((H, H), lambda j: (0, 0)),
            pl.BlockSpec((1, H), lambda j: (0, 0)),
            pl.BlockSpec((H, HH), lambda j: (0, 0)),
            pl.BlockSpec((1, HH), lambda j: (0, 0)),
            pl.BlockSpec((HH, HH), lambda j: (0, 0)),
            pl.BlockSpec((1, HH), lambda j: (0, 0)),
            pl.BlockSpec((1, 1, RB), lambda j: (j, 0, 0)),
        ],
        out_specs=pl.BlockSpec((G, HH), lambda j: (0, 0)),
        out_shape=jax.ShapeDtypeStruct((G, HH), jnp.float32),
    )(agg, agg, h, h, wa, ba, wb, bb, l1, b1, l2, b2, batch3)



def kernel(x, pos, edge_index, batch, node_W0, node_b0, node_W1, node_b1,
           mlp_Wa, mlp_ba, mlp_Wb, mlp_bb, lin1_W, lin1_b, lin2_W, lin2_b):
    f32 = jnp.float32
    pad = H - (x.shape[1] + pos.shape[1])
    xp = jnp.concatenate([x, pos, jnp.zeros((N, pad), f32)], axis=1)
    w0 = jnp.concatenate([node_W0, jnp.zeros((pad, H), f32)], axis=0)
    w1c = node_W1.reshape(H, 2, HH).transpose(1, 0, 2)
    b0 = node_b0.reshape(1, H)
    b1c = node_b1.reshape(2, 1, HH)

    src = edge_index[0]
    dst = edge_index[1]
    npad = EPAD - E
    if npad:
        spad = jnp.concatenate([src, jnp.zeros((npad,), jnp.int32)])
        dpad = jnp.concatenate([dst, N + (jnp.arange(npad, dtype=jnp.int32) % NGARB)])
    else:
        spad, dpad = src, dst
    src2 = jnp.concatenate([spad, spad + N])
    batch3 = batch.reshape(NB, 1, RB)

    h = _encoder(xp, w0, b0, w1c, b1c)
    for i in range(L - 1):
        agg = _sc_agg(src2, dpad, h)
        wbc = mlp_Wb[i].reshape(H, 2, HH).transpose(1, 0, 2)
        bbc = mlp_bb[i].reshape(2, 1, HH)
        h = _gin_mlp(agg, h, mlp_Wa[i], mlp_ba[i].reshape(1, H), wbc, bbc)

    agg = _sc_agg(src2, dpad, h)
    return _readout(agg, h, mlp_Wa[L - 1], mlp_ba[L - 1].reshape(1, H),
                    mlp_Wb[L - 1], mlp_bb[L - 1].reshape(1, H),
                    lin1_W, lin1_b.reshape(1, HH), lin2_W, lin2_b.reshape(1, HH),
                    batch3)

# --- scband reference (transcript-rebuilt; emitter-appended) ---
"""Pipeline reference for scband-ginnet-34995393528534 (READ-ONLY COPY).

The authoritative reference and input builder live on the scoring server;
editing this copy changes nothing except your own understanding.
"""

import jax, jax.numpy as jnp
import numpy as np

N = 10000
E = 320000
IN = 128
H = 256
OUT = 128
G = 64
L = 3


def _xavier(key, shape):
    fan_in, fan_out = shape[-2], shape[-1]
    limit = float(np.sqrt(6.0 / (fan_in + fan_out)))
    return jax.random.uniform(key, shape, jnp.float32, -limit, limit)


def setup_inputs(seed: int = 0) -> dict:
    key = jax.random.key(seed)
    ks = jax.random.split(key, 16)
    x = jax.random.normal(ks[0], (N, IN), jnp.float32)
    pos = jax.random.normal(ks[1], (N, 3), jnp.float32)
    edge_index = jax.random.randint(ks[2], (2, E), 0, N, dtype=jnp.int32)
    batch = jnp.sort(jax.random.randint(ks[3], (N,), 0, G, dtype=jnp.int32))
    node_W0 = _xavier(ks[4], (IN + 3, H))
    node_b0 = jnp.zeros((H,), jnp.float32)
    node_W1 = _xavier(ks[5], (H, H))
    node_b1 = jnp.zeros((H,), jnp.float32)
    mlp_Wa = jnp.stack([_xavier(jax.random.fold_in(ks[6], i), (H, H)) for i in range(L)])
    mlp_ba = jnp.zeros((L, H), jnp.float32)
    mlp_Wb = jnp.stack([_xavier(jax.random.fold_in(ks[7], i), (H, H)) for i in range(L)])
    mlp_bb = jnp.zeros((L, H), jnp.float32)
    lin1_W = _xavier(ks[8], (H, H // 2))
    lin1_b = jnp.zeros((H // 2,), jnp.float32)
    lin2_W = _xavier(ks[9], (H // 2, OUT))
    lin2_b = jnp.zeros((OUT,), jnp.float32)
    return {
        "x": x, "pos": pos, "edge_index": edge_index, "batch": batch,
        "node_W0": node_W0, "node_b0": node_b0, "node_W1": node_W1, "node_b1": node_b1,
        "mlp_Wa": mlp_Wa, "mlp_ba": mlp_ba, "mlp_Wb": mlp_Wb, "mlp_bb": mlp_bb,
        "lin1_W": lin1_W, "lin1_b": lin1_b, "lin2_W": lin2_W, "lin2_b": lin2_b,
    }


def reference(x, pos, edge_index, batch, node_W0, node_b0, node_W1, node_b1,
              mlp_Wa, mlp_ba, mlp_Wb, mlp_bb, lin1_W, lin1_b, lin2_W, lin2_b):
    eps = 0.0
    h = jnp.concatenate([x, pos], axis=1)
    h = jax.nn.relu(h @ node_W0 + node_b0)
    h = h @ node_W1 + node_b1
    src = edge_index[0]
    dst = edge_index[1]
    for i in range(L):
        # GINConv: aggr='add' over messages x_j gathered from src nodes
        agg = jax.ops.segment_sum(h[src], dst, num_segments=h.shape[0])
        out = agg + (1.0 + eps) * h
        out = jax.nn.relu(out @ mlp_Wa[i] + mlp_ba[i])
        out = out @ mlp_Wb[i] + mlp_bb[i]
        h = jax.nn.relu(out)
    h = jax.nn.relu(h @ lin1_W + lin1_b)
    h = h @ lin2_W + lin2_b
    # readout='add': scatter-add node outputs per graph id
    return jax.ops.segment_sum(h, batch, num_segments=G)

if __name__ == "__main__":
    import jax
    _d = setup_inputs()
    print(jax.jit(kernel)(*tuple(_d.values())))

</pallas_src>

<mosaic_0001>
#map = affine_map<(d0, d1) -> (0)>
#map1 = affine_map<(d0, d1) -> (0, 0)>
module attributes {stable_mosaic.version = 14 : i64} {
  func.func @sc_agg(%arg0: i32, %arg1: i32, %arg2: memref<640000xi32, #tpu.memory_space<hbm>>, %arg3: memref<320000xi32, #tpu.memory_space<hbm>>, %arg4: memref<20000x128xf32, #tpu.memory_space<hbm>>, %arg5: memref<20000x128xf32, #tpu.memory_space<hbm>>, %arg6: memref<80xi32, #tpu.memory_space<vmem>>, %arg7: memref<80xi32, #tpu.memory_space<vmem>>, %arg8: memref<80xi32, #tpu.memory_space<vmem>>, %arg9: memref<80xi32, #tpu.memory_space<vmem>>, %arg10: memref<80xi32, #tpu.memory_space<vmem>>, %arg11: memref<80xi32, #tpu.memory_space<vmem>>, %arg12: memref<80xi32, #tpu.memory_space<vmem>>, %arg13: memref<80xi32, #tpu.memory_space<vmem>>, %arg14: memref<80x128xf32, #tpu.memory_space<vmem>>, %arg15: memref<80x128xf32, #tpu.memory_space<vmem>>, %arg16: memref<16x128xf32, #tpu.memory_space<vmem>>, %arg17: memref<10000x128xf32, #tpu.memory_space<vmem_shared>>, %arg18: memref<!tpu.dma_semaphore, #tpu.memory_space<semaphore_mem>>, %arg19: memref<!tpu.dma_semaphore, #tpu.memory_space<semaphore_mem>>, %arg20: memref<!tpu.dma_semaphore, #tpu.memory_space<semaphore_mem>>, %arg21: memref<!tpu.dma_semaphore, #tpu.memory_space<semaphore_mem>>, %arg22: memref<!tpu.dma_semaphore, #tpu.memory_space<semaphore_mem>>, %arg23: memref<!tpu.dma_semaphore, #tpu.memory_space<semaphore_mem>>, %arg24: memref<!tpu.dma_semaphore, #tpu.memory_space<semaphore_mem>>, %arg25: memref<!tpu.dma_semaphore, #tpu.memory_space<semaphore_mem>>) attributes {dimension_semantics = [#tpu.dimension_semantics<core_parallel>, #tpu.dimension_semantics<subcore_parallel>], iteration_bounds = array<i64: 2, 16>, scalar_prefetch = 0 : i64, scratch_operands = 20 : i64, tpu.core_type = #tpu.core_type<sc_vector_subcore>, window_params = [{transform_indices = #map}, {transform_indices = #map}, {transform_indices = #map1}, {transform_indices = #map1}]} {
    %scan3A = arith.constant 0 : i32
    %scan3A_0 = arith.constant 0 : i32
    %scan3A_1 = arith.constant 16 : i32
    %scan3A_2 = arith.addi %scan3A_0, %scan3A_1 : i32
    %scan3A_3 = arith.constant 1 : i32
    %scan3A_4 = scf.for %scan3A_94 = %scan3A_0 to %scan3A_2 step %scan3A_3 iter_args(%scan3A_95 = %scan3A) -> (i32)  : i32 {
      %scan3A_96 = arith.constant 0 : i32
      %scan3A_97 = arith.constant 0 : i32
      %scan3A_98 = arith.constant 8 : i32
      %scan3A_99 = arith.addi %scan3A_97, %scan3A_98 : i32
      %scan3A_100 = arith.constant 1 : i32
      %scan3A_101 = scf.for %scan3A_103 = %scan3A_97 to %scan3A_99 step %scan3A_100 iter_args(%scan3A_104 = %scan3A_96) -> (i32)  : i32 {
        %broadcast_in_dim3A = arith.constant 0.000000e+00 : f32
        %broadcast_in_dim3A_105 = vector.broadcast %broadcast_in_dim3A : f32 to vector<16xf32>
        %mul3A_106 = arith.constant 16 : i32
        %mul3A_107 = arith.muli %scan3A_103, %mul3A_106 : i32
        %swap3A = arith.index_cast %scan3A_94 : i32 to index
        %swap3A_108 = arith.index_cast %mul3A_107 : i32 to index
        %swap3A_109 = tpu.vector_load %arg16[%swap3A, %swap3A_108] {strides = array<i32>} : memref<16x128xf32, #tpu.memory_space<vmem>>, vector<1x16xf32>,
        %swap3A_110 = vector.shape_cast %swap3A_109 : vector<1x16xf32> to vector<16xf32>
        %swap3A_111 = vector.shape_cast %broadcast_in_dim3A_105 : vector<16xf32> to vector<1x16xf32>
        tpu.vector_store %arg16[%swap3A, %swap3A_108], %swap3A_111 {strides = array<i32>} : memref<16x128xf32, #tpu.memory_space<vmem>>, vector<1x16xf32>,
        %scan3A_112 = arith.constant 0 : i32
        scf.yield %scan3A_112 : i32
      }
      %scan3A_102 = arith.constant 8 : i32
      scf.yield %scan3A_101 : i32
    }
    %scan3A_5 = arith.constant 16 : i32
    %scan3A_6 = arith.constant 0 : i32
    %scan3A_7 = arith.constant 0 : i32
    %scan3A_8 = arith.constant 39 : i32
    %scan3A_9 = arith.addi %scan3A_7, %scan3A_8 : i32
    %scan3A_10 = arith.constant 1 : i32
    %scan3A_11 = scf.for %scan3A_94 = %scan3A_7 to %scan3A_9 step %scan3A_10 iter_args(%scan3A_95 = %scan3A_6) -> (i32)  : i32 {
      %mul3A_96 = arith.constant 624 : i32
      %mul3A_97 = arith.muli %arg1, %mul3A_96 : i32
      %mul3A_98 = arith.constant 16 : i32
      %mul3A_99 = arith.muli %scan3A_94, %mul3A_98 : i32
      %add3A_100 = arith.addi %mul3A_97, %mul3A_99 : i32
      %dma_start3A_101 = arith.constant 0 : i32
      %dma_start3A_102 = tpu.memref_slice %arg17[%add3A_100, %dma_start3A_101] : memref<10000x128xf32, #tpu.memory_space<vmem_shared>> -> memref<16x128xf32, #tpu.memory_space<vmem_shared>>
      %dma_start3A_103 = arith.constant 0 : i32
      %dma_start3A_104 = tpu.memref_slice %arg17[%add3A_100, %dma_start3A_103] : memref<10000x128xf32, #tpu.memory_space<vmem_shared>> -> memref<16x128xf32, #tpu.memory_space<vmem_shared>>
      tpu.enqueue_dma source(%arg16 : memref<16x128xf32, #tpu.memory_space<vmem>>) target(%dma_start3A_104 : memref<16x128xf32, #tpu.memory_space<vmem_shared>>) target_semaphore(%arg20 : memref<!tpu.dma_semaphore, #tpu.memory_space<semaphore_mem>>)
      %scan3A_105 = arith.constant 0 : i32
      scf.yield %scan3A_105 : i32
    }
    %scan3A_12 = arith.constant 39 : i32
    %eq3A = arith.constant 15 : i32
    %eq3A_13 = arith.cmpi eq, %arg1, %eq3A : i32
    %convert_element_type3A = arith.extui %eq3A_13 : i1 to i32
    %cond3A = arith.constant 0 : i32
    %cond3A_14 = arith.cmpi ne, %convert_element_type3A, %cond3A : i32
    scf.if %cond3A_14 {
      %dma_start3A_94 = arith.constant 9984 : i32
      %dma_start3A_95 = arith.constant 0 : i32
      %dma_start3A_96 = tpu.memref_slice %arg17[%dma_start3A_94, %dma_start3A_95] : memref<10000x128xf32, #tpu.memory_space<vmem_shared>> -> memref<16x128xf32, #tpu.memory_space<vmem_shared>>
      %dma_start3A_97 = arith.constant 9984 : i32
      %dma_start3A_98 = arith.constant 0 : i32
      %dma_start3A_99 = tpu.memref_slice %arg17[%dma_start3A_97, %dma_start3A_98] : memref<10000x128xf32, #tpu.memory_space<vmem_shared>> -> memref<16x128xf32, #tpu.memory_space<vmem_shared>>
      tpu.enqueue_dma source(%arg16 : memref<16x128xf32, #tpu.memory_space<vmem>>) target(%dma_start3A_99 : memref<16x128xf32, #tpu.memory_space<vmem_shared>>) target_semaphore(%arg20 : memref<!tpu.dma_semaphore, #tpu.memory_space<semaphore_mem>>)
    } else {
    }
    %scan3A_15 = arith.constant 0 : i32
    %scan3A_16 = arith.constant 0 : i32
    %scan3A_17 = arith.constant 39 : i32
    %scan3A_18 = arith.addi %scan3A_16, %scan3A_17 : i32
    %scan3A_19 = arith.constant 1 : i32
    %scan3A_20 = scf.for %scan3A_94 = %scan3A_16 to %scan3A_18 step %scan3A_19 iter_args(%scan3A_95 = %scan3A_15) -> (i32)  : i32 {
      %dma_wait3A_96 = arith.constant 0 : i32
      %dma_wait3A_97 = arith.constant 0 : i32
      %dma_wait3A_98 = tpu.memref_slice %arg17[%dma_wait3A_96, %dma_wait3A_97] : memref<10000x128xf32, #tpu.memory_space<vmem_shared>> -> memref<16x128xf32, #tpu.memory_space<vmem_shared>>
      %dma_wait3A_99 = arith.constant 0 : i32
      %dma_wait3A_100 = arith.constant 0 : i32
      %dma_wait3A_101 = tpu.memref_slice %arg17[%dma_wait3A_99, %dma_wait3A_100] : memref<10000x128xf32, #tpu.memory_space<vmem_shared>> -> memref<16x128xf32, #tpu.memory_space<vmem_shared>>
      tpu.wait_dma2 semaphore(%arg20 : memref<!tpu.dma_semaphore, #tpu.memory_space<semaphore_mem>>) src(%arg16 : memref<16x128xf32, #tpu.memory_space<vmem>>) dst(%dma_wait3A_101 : memref<16x128xf32, #tpu.memory_space<vmem_shared>>)
      %scan3A_102 = arith.constant 0 : i32
      scf.yield %scan3A_102 : i32
    }
    %scan3A_21 = arith.constant 39 : i32
    %eq3A_22 = arith.constant 15 : i32
    %eq3A_23 = arith.cmpi eq, %arg1, %eq3A_22 : i32
    %convert_element_type3A_24 = arith.extui %eq3A_23 : i1 to i32
    %cond3A_25 = arith.constant 0 : i32
    %cond3A_26 = arith.cmpi ne, %convert_element_type3A_24, %cond3A_25 : i32
    scf.if %cond3A_26 {
      %dma_wait3A_94 = arith.constant 0 : i32
      %dma_wait3A_95 = arith.constant 0 : i32
      %dma_wait3A_96 = tpu.memref_slice %arg17[%dma_wait3A_94, %dma_wait3A_95] : memref<10000x128xf32, #tpu.memory_space<vmem_shared>> -> memref<16x128xf32, #tpu.memory_space<vmem_shared>>
      %dma_wait3A_97 = arith.constant 0 : i32
      %dma_wait3A_98 = arith.constant 0 : i32
      %dma_wait3A_99 = tpu.memref_slice %arg17[%dma_wait3A_97, %dma_wait3A_98] : memref<10000x128xf32, #tpu.memory_space<vmem_shared>> -> memref<16x128xf32, #tpu.memory_space<vmem_shared>>
      tpu.wait_dma2 semaphore(%arg20 : memref<!tpu.dma_semaphore, #tpu.memory_space<semaphore_mem>>) src(%arg16 : memref<16x128xf32, #tpu.memory_space<vmem>>) dst(%dma_wait3A_99 : memref<16x128xf32, #tpu.memory_space<vmem_shared>>)
    } else {
    }
    %barrier3A = arith.constant 0 : index
    tpu.barrier barrier_id(%barrier3A)
    %min3A = arith.constant 0 : i32
    %min3A_27 = arith.constant 249 : i32
    %min3A_28 = arith.minsi %min3A, %min3A_27 : i32
    %mul3A = arith.constant 20000 : i32
    %mul3A_29 = arith.muli %arg1, %mul3A : i32
    %mul3A_30 = arith.constant 80 : i32
    %mul3A_31 = arith.muli %min3A_28, %mul3A_30 : i32
    %add3A = arith.addi %mul3A_29, %mul3A_31 : i32
    %mul3A_32 = arith.constant 320000 : i32
    %mul3A_33 = arith.muli %arg0, %mul3A_32 : i32
    %add3A_34 = arith.addi %mul3A_33, %add3A : i32
    %dma_start3A = tpu.memref_slice %arg2[%add3A_34] : memref<640000xi32, #tpu.memory_space<hbm>> -> memref<80xi32, #tpu.memory_space<hbm>>
    %dma_start3A_35 = tpu.memref_slice %arg2[%add3A_34] : memref<640000xi32, #tpu.memory_space<hbm>> -> memref<80xi32, #tpu.memory_space<hbm>>
    tpu.enqueue_dma source(%dma_start3A_35 : memref<80xi32, #tpu.memory_space<hbm>>) target(%arg6 : memref<80xi32, #tpu.memory_space<vmem>>) target_semaphore(%arg22 : memref<!tpu.dma_semaphore, #tpu.memory_space<semaphore_mem>>)
    %dma_start3A_36 = tpu.memref_slice %arg3[%add3A] : memref<320000xi32, #tpu.memory_space<hbm>> -> memref<80xi32, #tpu.memory_space<hbm>>
    %dma_start3A_37 = tpu.memref_slice %arg3[%add3A] : memref<320000xi32, #tpu.memory_space<hbm>> -> memref<80xi32, #tpu.memory_space<hbm>>
    tpu.enqueue_dma source(%dma_start3A_37 : memref<80xi32, #tpu.memory_space<hbm>>) target(%arg10 : memref<80xi32, #tpu.memory_space<vmem>>) target_semaphore(%arg22 : memref<!tpu.dma_semaphore, #tpu.memory_space<semaphore_mem>>)
    %dma_wait3A = arith.constant 0 : i32
    %dma_wait3A_38 = tpu.memref_slice %arg2[%dma_wait3A] : memref<640000xi32, #tpu.memory_space<hbm>> -> memref<80xi32, #tpu.memory_space<hbm>>
    %dma_wait3A_39 = arith.constant 0 : i32
    %dma_wait3A_40 = tpu.memref_slice %arg2[%dma_wait3A_39] : memref<640000xi32, #tpu.memory_space<hbm>> -> memref<80xi32, #tpu.memory_space<hbm>>
    tpu.wait_dma2 semaphore(%arg22 : memref<!tpu.dma_semaphore, #tpu.memory_space<semaphore_mem>>) src(%dma_wait3A_40 : memref<80xi32, #tpu.memory_space<hbm>>) dst(%arg6 : memref<80xi32, #tpu.memory_space<vmem>>)
    %dma_wait3A_41 = arith.constant 0 : i32
    %dma_wait3A_42 = tpu.memref_slice %arg3[%dma_wait3A_41] : memref<320000xi32, #tpu.memory_space<hbm>> -> memref<80xi32, #tpu.memory_space<hbm>>
    %dma_wait3A_43 = arith.constant 0 : i32
    %dma_wait3A_44 = tpu.memref_slice %arg3[%dma_wait3A_43] : memref<320000xi32, #tpu.memory_space<hbm>> -> memref<80xi32, #tpu.memory_space<hbm>>
    tpu.wait_dma2 semaphore(%arg22 : memref<!tpu.dma_semaphore, #tpu.memory_space<semaphore_mem>>) src(%dma_wait3A_44 : memref<80xi32, #tpu.memory_space<hbm>>) dst(%arg10 : memref<80xi32, #tpu.memory_space<vmem>>)
    %dma_start3A_45 = arith.constant 0 : i32
    %dma_start3A_46 = arith.constant 0 : i32
    %dma_start3A_47 = tpu.memref_slice %arg4[%dma_start3A_45, %dma_start3A_46] : memref<20000x128xf32, #tpu.memory_space<hbm>> -> memref<20000x128xf32, #tpu.memory_space<hbm>>
    tpu.enqueue_indirect_dma source(%dma_start3A_47 : memref<20000x128xf32, #tpu.memory_space<hbm>>) target(%arg14 : memref<80x128xf32, #tpu.memory_space<vmem>>) offsets(%arg6 : memref<80xi32, #tpu.memory_space<vmem>>) semaphore(%arg18 : memref<!tpu.dma_semaphore, #tpu.memory_space<semaphore_mem>>)
    %min3A_48 = arith.constant 1 : i32
    %min3A_49 = arith.constant 249 : i32
    %min3A_50 = arith.minsi %min3A_48, %min3A_49 : i32
    %mul3A_51 = arith.constant 20000 : i32
    %mul3A_52 = arith.muli %arg1, %mul3A_51 : i32
    %mul3A_53 = arith.constant 80 : i32
    %mul3A_54 = arith.muli %min3A_50, %mul3A_53 : i32
    %add3A_55 = arith.addi %mul3A_52, %mul3A_54 : i32
    %mul3A_56 = arith.constant 320000 : i32
    %mul3A_57 = arith.muli %arg0, %mul3A_56 : i32
    %add3A_58 = arith.addi %mul3A_57, %add3A_55 : i32
    %dma_start3A_59 = tpu.memref_slice %arg2[%add3A_58] : memref<640000xi32, #tpu.memory_space<hbm>> -> memref<80xi32, #tpu.memory_space<hbm>>
    %dma_start3A_60 = tpu.memref_slice %arg2[%add3A_58] : memref<640000xi32, #tpu.memory_space<hbm>> -> memref<80xi32, #tpu.memory_space<hbm>>
    tpu.enqueue_dma source(%dma_start3A_60 : memref<80xi32, #tpu.memory_space<hbm>>) target(%arg7 : memref<80xi32, #tpu.memory_space<vmem>>) target_semaphore(%arg23 : memref<!tpu.dma_semaphore, #tpu.memory_space<semaphore_mem>>)
    %dma_start3A_61 = tpu.memref_slice %arg3[%add3A_55] : memref<320000xi32, #tpu.memory_space<hbm>> -> memref<80xi32, #tpu.memory_space<hbm>>
    %dma_start3A_62 = tpu.memref_slice %arg3[%add3A_55] : memref<320000xi32, #tpu.memory_space<hbm>> -> memref<80xi32, #tpu.memory_space<hbm>>
    tpu.enqueue_dma source(%dma_start3A_62 : memref<80xi32, #tpu.memory_space<hbm>>) target(%arg11 : memref<80xi32, #tpu.memory_space<vmem>>) target_semaphore(%arg23 : memref<!tpu.dma_semaphore, #tpu.memory_space<semaphore_mem>>)
    %scan3A_63 = arith.constant 0 : i32
    %scan3A_64 = arith.constant 0 : i32
    %scan3A_65 = arith.constant 125 : i32
    %scan3A_66 = arith.addi %scan3A_64, %scan3A_65 : i32
    %scan3A_67 = arith.constant 1 : i32
    %scan3A_68 = scf.for %scan3A_94 = %scan3A_64 to %scan3A_66 step %scan3A_67 iter_args(%scan3A_95 = %scan3A_63) -> (i32)  : i32 {
      %mul3A_96 = arith.constant 2 : i32
      %mul3A_97 = arith.muli %mul3A_96, %scan3A_94 : i32
      %add3A_98 = arith.constant 0 : i32
      %add3A_99 = arith.addi %mul3A_97, %add3A_98 : i32
      %dma_wait3A_100 = arith.constant 0 : i32
      %dma_wait3A_101 = arith.constant 0 : i32
      %dma_wait3A_102 = tpu.memref_slice %arg4[%dma_wait3A_100, %dma_wait3A_101] : memref<20000x128xf32, #tpu.memory_space<hbm>> -> memref<20000x128xf32, #tpu.memory_space<hbm>>
      tpu.wait_indirect_dma semaphore(%arg18 : memref<!tpu.dma_semaphore, #tpu.memory_space<semaphore_mem>>) src(%dma_wait3A_102 : memref<20000x128xf32, #tpu.memory_space<hbm>>) dst(%arg14 : memref<80x128xf32, #tpu.memory_space<vmem>>)
      %dma_wait3A_103 = arith.constant 0 : i32
      %dma_wait3A_104 = tpu.memref_slice %arg2[%dma_wait3A_103] : memref<640000xi32, #tpu.memory_space<hbm>> -> memref<80xi32, #tpu.memory_space<hbm>>
      %dma_wait3A_105 = arith.constant 0 : i32
      %dma_wait3A_106 = tpu.memref_slice %arg2[%dma_wait3A_105] : memref<640000xi32, #tpu.memory_space<hbm>> -> memref<80xi32, #tpu.memory_space<hbm>>
      tpu.wait_dma2 semaphore(%arg23 : memref<!tpu.dma_semaphore, #tpu.memory_space<semaphore_mem>>) src(%dma_wait3A_106 : memref<80xi32, #tpu.memory_space<hbm>>) dst(%arg7 : memref<80xi32, #tpu.memory_space<vmem>>)
      %dma_wait3A_107 = arith.constant 0 : i32
      %dma_wait3A_108 = tpu.memref_slice %arg3[%dma_wait3A_107] : memref<320000xi32, #tpu.memory_space<hbm>> -> memref<80xi32, #tpu.memory_space<hbm>>
      %dma_wait3A_109 = arith.constant 0 : i32
      %dma_wait3A_110 = tpu.memref_slice %arg3[%dma_wait3A_109] : memref<320000xi32, #tpu.memory_space<hbm>> -> memref<80xi32, #tpu.memory_space<hbm>>
      tpu.wait_dma2 semaphore(%arg23 : memref<!tpu.dma_semaphore, #tpu.memory_space<semaphore_mem>>) src(%dma_wait3A_110 : memref<80xi32, #tpu.memory_space<hbm>>) dst(%arg11 : memref<80xi32, #tpu.memory_space<vmem>>)
      %dma_start3A_111 = arith.constant 0 : i32
      %dma_start3A_112 = arith.constant 0 : i32
      %dma_start3A_113 = tpu.memref_slice %arg4[%dma_start3A_111, %dma_start3A_112] : memref<20000x128xf32, #tpu.memory_space<hbm>> -> memref<20000x128xf32, #tpu.memory_space<hbm>>
      tpu.enqueue_indirect_dma source(%dma_start3A_113 : memref<20000x128xf32, #tpu.memory_space<hbm>>) target(%arg15 : memref<80x128xf32, #tpu.memory_space<vmem>>) offsets(%arg7 : memref<80xi32, #tpu.memory_space<vmem>>) semaphore(%arg19 : memref<!tpu.dma_semaphore, #tpu.memory_space<semaphore_mem>>)
      "tpu.region"() ({
        %run_scoped3A = tpu.sem_alloc : memref<!tpu.dma_semaphore, #tpu.memory_space<semaphore_mem>>
        %dma_start3A_165 = arith.constant 0 : i32
        %dma_start3A_166 = arith.constant 0 : i32
        %dma_start3A_167 = tpu.memref_slice %arg17[%dma_start3A_165, %dma_start3A_166] : memref<10000x128xf32, #tpu.memory_space<vmem_shared>> -> memref<10000x128xf32, #tpu.memory_space<vmem_shared>>
        tpu.enqueue_indirect_dma source(%arg14 : memref<80x128xf32, #tpu.memory_space<vmem>>) target(%dma_start3A_167 : memref<10000x128xf32, #tpu.memory_space<vmem_shared>>) offsets(%arg10 : memref<80xi32, #tpu.memory_space<vmem>>) semaphore(%run_scoped3A : memref<!tpu.dma_semaphore, #tpu.memory_space<semaphore_mem>>) {add = true}
        %dma_wait3A_168 = arith.constant 0 : i32
        %dma_wait3A_169 = arith.constant 0 : i32
        %dma_wait3A_170 = tpu.memref_slice %arg17[%dma_wait3A_168, %dma_wait3A_169] : memref<10000x128xf32, #tpu.memory_space<vmem_shared>> -> memref<10000x128xf32, #tpu.memory_space<vmem_shared>>
        tpu.wait_indirect_dma semaphore(%run_scoped3A : memref<!tpu.dma_semaphore, #tpu.memory_space<semaphore_mem>>) src(%arg14 : memref<80x128xf32, #tpu.memory_space<vmem>>) dst(%dma_wait3A_170 : memref<10000x128xf32, #tpu.memory_space<vmem_shared>>)
        tpu.yield
      }) : () -> ()
      %add3A_114 = arith.constant 2 : i32
      %add3A_115 = arith.addi %add3A_99, %add3A_114 : i32
      %min3A_116 = arith.constant 249 : i32
      %min3A_117 = arith.minsi %add3A_115, %min3A_116 : i32
      %mul3A_118 = arith.constant 20000 : i32
      %mul3A_119 = arith.muli %arg1, %mul3A_118 : i32
      %mul3A_120 = arith.constant 80 : i32
      %mul3A_121 = arith.muli %min3A_117, %mul3A_120 : i32
      %add3A_122 = arith.addi %mul3A_119, %mul3A_121 : i32
      %mul3A_123 = arith.constant 320000 : i32
      %mul3A_124 = arith.muli %arg0, %mul3A_123 : i32
      %add3A_125 = arith.addi %mul3A_124, %add3A_122 : i32
      %dma_start3A_126 = tpu.memref_slice %arg2[%add3A_125] : memref<640000xi32, #tpu.memory_space<hbm>> -> memref<80xi32, #tpu.memory_space<hbm>>
      %dma_start3A_127 = tpu.memref_slice %arg2[%add3A_125] : memref<640000xi32, #tpu.memory_space<hbm>> -> memref<80xi32, #tpu.memory_space<hbm>>
      tpu.enqueue_dma source(%dma_start3A_127 : memref<80xi32, #tpu.memory_space<hbm>>) target(%arg6 : memref<80xi32, #tpu.memory_space<vmem>>) target_semaphore(%arg22 : memref<!tpu.dma_semaphore, #tpu.memory_space<semaphore_mem>>)
      %dma_start3A_128 = tpu.memref_slice %arg3[%add3A_122] : memref<320000xi32, #tpu.memory_space<hbm>> -> memref<80xi32, #tpu.memory_space<hbm>>
      %dma_start3A_129 = tpu.memref_slice %arg3[%add3A_122] : memref<320000xi32, #tpu.memory_space<hbm>> -> memref<80xi32, #tpu.memory_space<hbm>>
      tpu.enqueue_dma source(%dma_start3A_129 : memref<80xi32, #tpu.memory_space<hbm>>) target(%arg10 : memref<80xi32, #tpu.memory_space<vmem>>) target_semaphore(%arg22 : memref<!tpu.dma_semaphore, #tpu.memory_space<semaphore_mem>>)
      %mul3A_130 = arith.constant 2 : i32
      %mul3A_131 = arith.muli %mul3A_130, %scan3A_94 : i32
      %add3A_132 = arith.constant 1 : i32
      %add3A_133 = arith.addi %mul3A_131, %add3A_132 : i32
      %dma_wait3A_134 = arith.constant 0 : i32
      %dma_wait3A_135 = arith.constant 0 : i32
      %dma_wait3A_136 = tpu.memref_slice %arg4[%dma_wait3A_134, %dma_wait3A_135] : memref<20000x128xf32, #tpu.memory_space<hbm>> -> memref<20000x128xf32, #tpu.memory_space<hbm>>
      tpu.wait_indirect_dma semaphore(%arg19 : memref<!tpu.dma_semaphore, #tpu.memory_space<semaphore_mem>>) src(%dma_wait3A_136 : memref<20000x128xf32, #tpu.memory_space<hbm>>) dst(%arg15 : memref<80x128xf32, #tpu.memory_space<vmem>>)
      %dma_wait3A_137 = arith.constant 0 : i32
      %dma_wait3A_138 = tpu.memref_slice %arg2[%dma_wait3A_137] : memref<640000xi32, #tpu.memory_space<hbm>> -> memref<80xi32, #tpu.memory_space<hbm>>
      %dma_wait3A_139 = arith.constant 0 : i32
      %dma_wait3A_140 = tpu.memref_slice %arg2[%dma_wait3A_139] : memref<640000xi32, #tpu.memory_space<hbm>> -> memref<80xi32, #tpu.memory_space<hbm>>
      tpu.wait_dma2 semaphore(%arg22 : memref<!tpu.dma_semaphore, #tpu.memory_space<semaphore_mem>>) src(%dma_wait3A_140 : memref<80xi32, #tpu.memory_space<hbm>>) dst(%arg6 : memref<80xi32, #tpu.memory_space<vmem>>)
      %dma_wait3A_141 = arith.constant 0 : i32
      %dma_wait3A_142 = tpu.memref_slice %arg3[%dma_wait3A_141] : memref<320000xi32, #tpu.memory_space<hbm>> -> memref<80xi32, #tpu.memory_space<hbm>>
      %dma_wait3A_143 = arith.constant 0 : i32
      %dma_wait3A_144 = tpu.memref_slice %arg3[%dma_wait3A_143] : memref<320000xi32, #tpu.memory_space<hbm>> -> memref<80xi32, #tpu.memory_space<hbm>>
      tpu.wait_dma2 semaphore(%arg22 : memref<!tpu.dma_semaphore, #tpu.memory_space<semaphore_mem>>) src(%dma_wait3A_144 : memref<80xi32, #tpu.memory_space<hbm>>) dst(%arg10 : memref<80xi32, #tpu.memory_space<vmem>>)
      %dma_start3A_145 = arith.constant 0 : i32
      %dma_start3A_146 = arith.constant 0 : i32
      %dma_start3A_147 = tpu.memref_slice %arg4[%dma_start3A_145, %dma_start3A_146] : memref<20000x128xf32, #tpu.memory_space<hbm>> -> memref<20000x128xf32, #tpu.memory_space<hbm>>
      tpu.enqueue_indirect_dma source(%dma_start3A_147 : memref<20000x128xf32, #tpu.memory_space<hbm>>) target(%arg14 : memref<80x128xf32, #tpu.memory_space<vmem>>) offsets(%arg6 : memref<80xi32, #tpu.memory_space<vmem>>) semaphore(%arg18 : memref<!tpu.dma_semaphore, #tpu.memory_space<semaphore_mem>>)
      "tpu.region"() ({
        %run_scoped3A = tpu.sem_alloc : memref<!tpu.dma_semaphore, #tpu.memory_space<semaphore_mem>>
        %dma_start3A_165 = arith.constant 0 : i32
        %dma_start3A_166 = arith.constant 0 : i32
        %dma_start3A_167 = tpu.memref_slice %arg17[%dma_start3A_165, %dma_start3A_166] : memref<10000x128xf32, #tpu.memory_space<vmem_shared>> -> memref<10000x128xf32, #tpu.memory_space<vmem_shared>>
        tpu.enqueue_indirect_dma source(%arg15 : memref<80x128xf32, #tpu.memory_space<vmem>>) target(%dma_start3A_167 : memref<10000x128xf32, #tpu.memory_space<vmem_shared>>) offsets(%arg11 : memref<80xi32, #tpu.memory_space<vmem>>) semaphore(%run_scoped3A : memref<!tpu.dma_semaphore, #tpu.memory_space<semaphore_mem>>) {add = true}
        %dma_wait3A_168 = arith.constant 0 : i32
        %dma_wait3A_169 = arith.constant 0 : i32
        %dma_wait3A_170 = tpu.memref_slice %arg17[%dma_wait3A_168, %dma_wait3A_169] : memref<10000x128xf32, #tpu.memory_space<vmem_shared>> -> memref<10000x128xf32, #tpu.memory_space<vmem_shared>>
        tpu.wait_indirect_dma semaphore(%run_scoped3A : memref<!tpu.dma_semaphore, #tpu.memory_space<semaphore_mem>>) src(%arg15 : memref<80x128xf32, #tpu.memory_space<vmem>>) dst(%dma_wait3A_170 : memref<10000x128xf32, #tpu.memory_space<vmem_shared>>)
        tpu.yield
      }) : () -> ()
      %add3A_148 = arith.constant 2 : i32
      %add3A_149 = arith.addi %add3A_133, %add3A_148 : i32
      %min3A_150 = arith.constant 249 : i32
      %min3A_151 = arith.minsi %add3A_149, %min3A_150 : i32
      %mul3A_152 = arith.constant 20000 : i32
      %mul3A_153 = arith.muli %arg1, %mul3A_152 : i32
      %mul3A_154 = arith.constant 80 : i32
      %mul3A_155 = arith.muli %min3A_151, %mul3A_154 : i32
      %add3A_156 = arith.addi %mul3A_153, %mul3A_155 : i32
      %mul3A_157 = arith.constant 320000 : i32
      %mul3A_158 = arith.muli %arg0, %mul3A_157 : i32
      %add3A_159 = arith.addi %mul3A_158, %add3A_156 : i32
      %dma_start3A_160 = tpu.memref_slice %arg2[%add3A_159] : memref<640000xi32, #tpu.memory_space<hbm>> -> memref<80xi32, #tpu.memory_space<hbm>>
      %dma_start3A_161 = tpu.memref_slice %arg2[%add3A_159] : memref<640000xi32, #tpu.memory_space<hbm>> -> memref<80xi32, #tpu.memory_space<hbm>>
      tpu.enqueue_dma source(%dma_start3A_161 : memref<80xi32, #tpu.memory_space<hbm>>) target(%arg7 : memref<80xi32, #tpu.memory_space<vmem>>) target_semaphore(%arg23 : memref<!tpu.dma_semaphore, #tpu.memory_space<semaphore_mem>>)
      %dma_start3A_162 = tpu.memref_slice %arg3[%add3A_156] : memref<320000xi32, #tpu.memory_space<hbm>> -> memref<80xi32, #tpu.memory_space<hbm>>
      %dma_start3A_163 = tpu.memref_slice %arg3[%add3A_156] : memref<320000xi32, #tpu.memory_space<hbm>> -> memref<80xi32, #tpu.memory_space<hbm>>
      tpu.enqueue_dma source(%dma_start3A_163 : memref<80xi32, #tpu.memory_space<hbm>>) target(%arg11 : memref<80xi32, #tpu.memory_space<vmem>>) target_semaphore(%arg23 : memref<!tpu.dma_semaphore, #tpu.memory_space<semaphore_mem>>)
      %scan3A_164 = arith.constant 0 : i32
      scf.yield %scan3A_164 : i32
    }
    %scan3A_69 = arith.constant 125 : i32
    %dma_wait3A_70 = arith.constant 0 : i32
    %dma_wait3A_71 = arith.constant 0 : i32
    %dma_wait3A_72 = tpu.memref_slice %arg4[%dma_wait3A_70, %dma_wait3A_71] : memref<20000x128xf32, #tpu.memory_space<hbm>> -> memref<20000x128xf32, #tpu.memory_space<hbm>>
    tpu.wait_indirect_dma semaphore(%arg18 : memref<!tpu.dma_semaphore, #tpu.memory_space<semaphore_mem>>) src(%dma_wait3A_72 : memref<20000x128xf32, #tpu.memory_space<hbm>>) dst(%arg14 : memref<80x128xf32, #tpu.memory_space<vmem>>)
    %dma_wait3A_73 = arith.constant 0 : i32
    %dma_wait3A_74 = tpu.memref_slice %arg2[%dma_wait3A_73] : memref<640000xi32, #tpu.memory_space<hbm>> -> memref<80xi32, #tpu.memory_space<hbm>>
    %dma_wait3A_75 = arith.constant 0 : i32
    %dma_wait3A_76 = tpu.memref_slice %arg2[%dma_wait3A_75] : memref<640000xi32, #tpu.memory_space<hbm>> -> memref<80xi32, #tpu.memory_space<hbm>>
    tpu.wait_dma2 semaphore(%arg23 : memref<!tpu.dma_semaphore, #tpu.memory_space<semaphore_mem>>) src(%dma_wait3A_76 : memref<80xi32, #tpu.memory_space<hbm>>) dst(%arg7 : memref<80xi32, #tpu.memory_space<vmem>>)
    %dma_wait3A_77 = arith.constant 0 : i32
    %dma_wait3A_78 = tpu.memref_slice %arg3[%dma_wait3A_77] : memref<320000xi32, #tpu.memory_space<hbm>> -> memref<80xi32, #tpu.memory_space<hbm>>
    %dma_wait3A_79 = arith.constant 0 : i32
    %dma_wait3A_80 = tpu.memref_slice %arg3[%dma_wait3A_79] : memref<320000xi32, #tpu.memory_space<hbm>> -> memref<80xi32, #tpu.memory_space<hbm>>
    tpu.wait_dma2 semaphore(%arg23 : memref<!tpu.dma_semaphore, #tpu.memory_space<semaphore_mem>>) src(%dma_wait3A_80 : memref<80xi32, #tpu.memory_space<hbm>>) dst(%arg11 : memref<80xi32, #tpu.memory_space<vmem>>)
    %barrier3A_81 = arith.constant 0 : index
    tpu.barrier barrier_id(%barrier3A_81)
    %mul3A_82 = arith.constant 624 : i32
    %mul3A_83 = arith.muli %arg1, %mul3A_82 : i32
    %mul3A_84 = arith.constant 10000 : i32
    %mul3A_85 = arith.muli %arg0, %mul3A_84 : i32
    %mul3A_86 = arith.constant 624 : i32
    %mul3A_87 = arith.muli %arg1, %mul3A_86 : i32
    %add3A_88 = arith.addi %mul3A_85, %mul3A_87 : i32
    "tpu.region"() ({
      %run_scoped3A = tpu.sem_alloc : memref<!tpu.dma_semaphore, #tpu.memory_space<semaphore_mem>>
      %dma_start3A_94 = arith.constant 0 : i32
      %dma_start3A_95 = tpu.memref_slice %arg5[%add3A_88, %dma_start3A_94] : memref<20000x128xf32, #tpu.memory_space<hbm>> -> memref<624x128xf32, #tpu.memory_space<hbm>>
      %dma_start3A_96 = arith.constant 0 : i32
      %dma_start3A_97 = tpu.memref_slice %arg17[%mul3A_83, %dma_start3A_96] : memref<10000x128xf32, #tpu.memory_space<vmem_shared>> -> memref<624x128xf32, #tpu.memory_space<vmem_shared>>
      tpu.enqueue_dma source(%dma_start3A_97 : memref<624x128xf32, #tpu.memory_space<vmem_shared>>) target(%dma_start3A_95 : memref<624x128xf32, #tpu.memory_space<hbm>>) target_semaphore(%run_scoped3A : memref<!tpu.dma_semaphore, #tpu.memory_space<semaphore_mem>>)
      %dma_wait3A_98 = arith.constant 0 : i32
      %dma_wait3A_99 = tpu.memref_slice %arg5[%add3A_88, %dma_wait3A_98] : memref<20000x128xf32, #tpu.memory_space<hbm>> -> memref<624x128xf32, #tpu.memory_space<hbm>>
      %dma_wait3A_100 = arith.constant 0 : i32
      %dma_wait3A_101 = tpu.memref_slice %arg17[%mul3A_83, %dma_wait3A_100] : memref<10000x128xf32, #tpu.memory_space<vmem_shared>> -> memref<624x128xf32, #tpu.memory_space<vmem_shared>>
      tpu.wait_dma2 semaphore(%run_scoped3A : memref<!tpu.dma_semaphore, #tpu.memory_space<semaphore_mem>>) src(%dma_wait3A_101 : memref<624x128xf32, #tpu.memory_space<vmem_shared>>) dst(%dma_wait3A_99 : memref<624x128xf32, #tpu.memory_space<hbm>>)
      tpu.yield
    }) : () -> ()
    %eq3A_89 = arith.constant 15 : i32
    %eq3A_90 = arith.cmpi eq, %arg1, %eq3A_89 : i32
    %convert_element_type3A_91 = arith.extui %eq3A_90 : i1 to i32
    %cond3A_92 = arith.constant 0 : i32
    %cond3A_93 = arith.cmpi ne, %convert_element_type3A_91, %cond3A_92 : i32
    scf.if %cond3A_93 {
      %mul3A_94 = arith.constant 10000 : i32
      %mul3A_95 = arith.muli %arg0, %mul3A_94 : i32
      %add3A_96 = arith.constant 9984 : i32
      %add3A_97 = arith.addi %mul3A_95, %add3A_96 : i32
      "tpu.region"() ({
        %run_scoped3A = tpu.sem_alloc : memref<!tpu.dma_semaphore, #tpu.memory_space<semaphore_mem>>
        %dma_start3A_98 = arith.constant 0 : i32
        %dma_start3A_99 = tpu.memref_slice %arg5[%add3A_97, %dma_start3A_98] : memref<20000x128xf32, #tpu.memory_space<hbm>> -> memref<16x128xf32, #tpu.memory_space<hbm>>
        %dma_start3A_100 = arith.constant 9984 : i32
        %dma_start3A_101 = arith.constant 0 : i32
        %dma_start3A_102 = tpu.memref_slice %arg17[%dma_start3A_100, %dma_start3A_101] : memref<10000x128xf32, #tpu.memory_space<vmem_shared>> -> memref<16x128xf32, #tpu.memory_space<vmem_shared>>
        tpu.enqueue_dma source(%dma_start3A_102 : memref<16x128xf32, #tpu.memory_space<vmem_shared>>) target(%dma_start3A_99 : memref<16x128xf32, #tpu.memory_space<hbm>>) target_semaphore(%run_scoped3A : memref<!tpu.dma_semaphore, #tpu.memory_space<semaphore_mem>>)
        %dma_wait3A_103 = arith.constant 0 : i32
        %dma_wait3A_104 = tpu.memref_slice %arg5[%add3A_97, %dma_wait3A_103] : memref<20000x128xf32, #tpu.memory_space<hbm>> -> memref<16x128xf32, #tpu.memory_space<hbm>>
        %dma_wait3A_105 = arith.constant 9984 : i32
        %dma_wait3A_106 = arith.constant 0 : i32
        %dma_wait3A_107 = tpu.memref_slice %arg17[%dma_wait3A_105, %dma_wait3A_106] : memref<10000x128xf32, #tpu.memory_space<vmem_shared>> -> memref<16x128xf32, #tpu.memory_space<vmem_shared>>
        tpu.wait_dma2 semaphore(%run_scoped3A : memref<!tpu.dma_semaphore, #tpu.memory_space<semaphore_mem>>) src(%dma_wait3A_107 : memref<16x128xf32, #tpu.memory_space<vmem_shared>>) dst(%dma_wait3A_104 : memref<16x128xf32, #tpu.memory_space<hbm>>)
        tpu.yield
      }) : () -> ()
    } else {
    }
    return
  }
}

#map = affine_map<(d0, d1) -> (0)>
#map1 = affine_map<(d0, d1) -> (0, 0)>
module attributes {stable_mosaic.version = 14 : i64} {
  func.func @sc_agg(%arg0: i32, %arg1: i32, %arg2: memref<640000xi32, #tpu.memory_space<hbm>>, %arg3: memref<320000xi32, #tpu.memory_space<hbm>>, %arg4: memref<20000x128xf32, #tpu.memory_space<hbm>>, %arg5: memref<20000x128xf32, #tpu.memory_space<hbm>>, %arg6: memref<80xi32, #tpu.memory_space<vmem>>, %arg7: memref<80xi32, #tpu.memory_space<vmem>>, %arg8: memref<80xi32, #tpu.memory_space<vmem>>, %arg9: memref<80xi32, #tpu.memory_space<vmem>>, %arg10: memref<80xi32, #tpu.memory_space<vmem>>, %arg11: memref<80xi32, #tpu.memory_space<vmem>>, %arg12: memref<80xi32, #tpu.memory_space<vmem>>, %arg13: memref<80xi32, #tpu.memory_space<vmem>>, %arg14: memref<80x128xf32, #tpu.memory_space<vmem>>, %arg15: memref<80x128xf32, #tpu.memory_space<vmem>>, %arg16: memref<16x128xf32, #tpu.memory_space<vmem>>, %arg17: memref<10000x128xf32, #tpu.memory_space<vmem_shared>>, %arg18: memref<!tpu.dma_semaphore, #tpu.memory_space<semaphore_mem>>, %arg19: memref<!tpu.dma_semaphore, #tpu.memory_space<semaphore_mem>>, %arg20: memref<!tpu.dma_semaphore, #tpu.memory_space<semaphore_mem>>, %arg21: memref<!tpu.dma_semaphore, #tpu.memory_space<semaphore_mem>>, %arg22: memref<!tpu.dma_semaphore, #tpu.memory_space<semaphore_mem>>, %arg23: memref<!tpu.dma_semaphore, #tpu.memory_space<semaphore_mem>>, %arg24: memref<!tpu.dma_semaphore, #tpu.memory_space<semaphore_mem>>, %arg25: memref<!tpu.dma_semaphore, #tpu.memory_space<semaphore_mem>>) attributes {dimension_semantics = [#tpu.dimension_semantics<core_parallel>, #tpu.dimension_semantics<subcore_parallel>], iteration_bounds = array<i64: 2, 16>, scalar_prefetch = 0 : i64, scratch_operands = 20 : i64, tpu.core_type = #tpu.core_type<sc_vector_subcore>, window_params = [{transform_indices = #map}, {transform_indices = #map}, {transform_indices = #map1}, {transform_indices = #map1}]} {
    %scan3A = arith.constant 0 : i32
    %scan3A_0 = arith.constant 0 : i32
    %scan3A_1 = arith.constant 16 : i32
    %scan3A_2 = arith.addi %scan3A_0, %scan3A_1 : i32
    %scan3A_3 = arith.constant 1 : i32
    %scan3A_4 = scf.for %scan3A_94 = %scan3A_0 to %scan3A_2 step %scan3A_3 iter_args(%scan3A_95 = %scan3A) -> (i32)  : i32 {
      %scan3A_96 = arith.constant 0 : i32
      %scan3A_97 = arith.constant 0 : i32
      %scan3A_98 = arith.constant 8 : i32
      %scan3A_99 = arith.addi %scan3A_97, %scan3A_98 : i32
      %scan3A_100 = arith.constant 1 : i32
      %scan3A_101 = scf.for %scan3A_103 = %scan3A_97 to %scan3A_99 step %scan3A_100 iter_args(%scan3A_104 = %scan3A_96) -> (i32)  : i32 {
        %broadcast_in_dim3A = arith.constant 0.000000e+00 : f32
        %broadcast_in_dim3A_105 = vector.broadcast %broadcast_in_dim3A : f32 to vector<16xf32>
        %mul3A_106 = arith.constant 16 : i32
        %mul3A_107 = arith.muli %scan3A_103, %mul3A_106 : i32
        %swap3A = arith.index_cast %scan3A_94 : i32 to index
        %swap3A_108 = arith.index_cast %mul3A_107 : i32 to index
        %swap3A_109 = tpu.vector_load %arg16[%swap3A, %swap3A_108] {strides = array<i32>} : memref<16x128xf32, #tpu.memory_space<vmem>>, vector<1x16xf32>,
        %swap3A_110 = vector.shape_cast %swap3A_109 : vector<1x16xf32> to vector<16xf32>
        %swap3A_111 = vector.shape_cast %broadcast_in_dim3A_105 : vector<16xf32> to vector<1x16xf32>
        tpu.vector_store %arg16[%swap3A, %swap3A_108], %swap3A_111 {strides = array<i32>} : memref<16x128xf32, #tpu.memory_space<vmem>>, vector<1x16xf32>,
        %scan3A_112 = arith.constant 0 : i32
        scf.yield %scan3A_112 : i32
      }
      %scan3A_102 = arith.constant 8 : i32
      scf.yield %scan3A_101 : i32
    }
    %scan3A_5 = arith.constant 16 : i32
    %scan3A_6 = arith.constant 0 : i32
    %scan3A_7 = arith.constant 0 : i32
    %scan3A_8 = arith.constant 39 : i32
    %scan3A_9 = arith.addi %scan3A_7, %scan3A_8 : i32
    %scan3A_10 = arith.constant 1 : i32
    %scan3A_11 = scf.for %scan3A_94 = %scan3A_7 to %scan3A_9 step %scan3A_10 iter_args(%scan3A_95 = %scan3A_6) -> (i32)  : i32 {
      %mul3A_96 = arith.constant 624 : i32
      %mul3A_97 = arith.muli %arg1, %mul3A_96 : i32
      %mul3A_98 = arith.constant 16 : i32
      %mul3A_99 = arith.muli %scan3A_94, %mul3A_98 : i32
      %add3A_100 = arith.addi %mul3A_97, %mul3A_99 : i32
      %dma_start3A_101 = arith.constant 0 : i32
      %dma_start3A_102 = tpu.memref_slice %arg17[%add3A_100, %dma_start3A_101] : memref<10000x128xf32, #tpu.memory_space<vmem_shared>> -> memref<16x128xf32, #tpu.memory_space<vmem_shared>>
      %dma_start3A_103 = arith.constant 0 : i32
      %dma_start3A_104 = tpu.memref_slice %arg17[%add3A_100, %dma_start3A_103] : memref<10000x128xf32, #tpu.memory_space<vmem_shared>> -> memref<16x128xf32, #tpu.memory_space<vmem_shared>>
      tpu.enqueue_dma source(%arg16 : memref<16x128xf32, #tpu.memory_space<vmem>>) target(%dma_start3A_104 : memref<16x128xf32, #tpu.memory_space<vmem_shared>>) target_semaphore(%arg20 : memref<!tpu.dma_semaphore, #tpu.memory_space<semaphore_mem>>)
      %scan3A_105 = arith.constant 0 : i32
      scf.yield %scan3A_105 : i32
    }
    %scan3A_12 = arith.constant 39 : i32
    %eq3A = arith.constant 15 : i32
    %eq3A_13 = arith.cmpi eq, %arg1, %eq3A : i32
    %convert_element_type3A = arith.extui %eq3A_13 : i1 to i32
    %cond3A = arith.constant 0 : i32
    %cond3A_14 = arith.cmpi ne, %convert_element_type3A, %cond3A : i32
    scf.if %cond3A_14 {
      %dma_start3A_94 = arith.constant 9984 : i32
      %dma_start3A_95 = arith.constant 0 : i32
      %dma_start3A_96 = tpu.memref_slice %arg17[%dma_start3A_94, %dma_start3A_95] : memref<10000x128xf32, #tpu.memory_space<vmem_shared>> -> memref<16x128xf32, #tpu.memory_space<vmem_shared>>
      %dma_start3A_97 = arith.constant 9984 : i32
      %dma_start3A_98 = arith.constant 0 : i32
      %dma_start3A_99 = tpu.memref_slice %arg17[%dma_start3A_97, %dma_start3A_98] : memref<10000x128xf32, #tpu.memory_space<vmem_shared>> -> memref<16x128xf32, #tpu.memory_space<vmem_shared>>
      tpu.enqueue_dma source(%arg16 : memref<16x128xf32, #tpu.memory_space<vmem>>) target(%dma_start3A_99 : memref<16x128xf32, #tpu.memory_space<vmem_shared>>) target_semaphore(%arg20 : memref<!tpu.dma_semaphore, #tpu.memory_space<semaphore_mem>>)
    } else {
    }
    %scan3A_15 = arith.constant 0 : i32
    %scan3A_16 = arith.constant 0 : i32
    %scan3A_17 = arith.constant 39 : i32
    %scan3A_18 = arith.addi %scan3A_16, %scan3A_17 : i32
    %scan3A_19 = arith.constant 1 : i32
    %scan3A_20 = scf.for %scan3A_94 = %scan3A_16 to %scan3A_18 step %scan3A_19 iter_args(%scan3A_95 = %scan3A_15) -> (i32)  : i32 {
      %dma_wait3A_96 = arith.constant 0 : i32
      %dma_wait3A_97 = arith.constant 0 : i32
      %dma_wait3A_98 = tpu.memref_slice %arg17[%dma_wait3A_96, %dma_wait3A_97] : memref<10000x128xf32, #tpu.memory_space<vmem_shared>> -> memref<16x128xf32, #tpu.memory_space<vmem_shared>>
      %dma_wait3A_99 = arith.constant 0 : i32
      %dma_wait3A_100 = arith.constant 0 : i32
      %dma_wait3A_101 = tpu.memref_slice %arg17[%dma_wait3A_99, %dma_wait3A_100] : memref<10000x128xf32, #tpu.memory_space<vmem_shared>> -> memref<16x128xf32, #tpu.memory_space<vmem_shared>>
      tpu.wait_dma2 semaphore(%arg20 : memref<!tpu.dma_semaphore, #tpu.memory_space<semaphore_mem>>) src(%arg16 : memref<16x128xf32, #tpu.memory_space<vmem>>) dst(%dma_wait3A_101 : memref<16x128xf32, #tpu.memory_space<vmem_shared>>)
      %scan3A_102 = arith.constant 0 : i32
      scf.yield %scan3A_102 : i32
    }
    %scan3A_21 = arith.constant 39 : i32
    %eq3A_22 = arith.constant 15 : i32
    %eq3A_23 = arith.cmpi eq, %arg1, %eq3A_22 : i32
    %convert_element_type3A_24 = arith.extui %eq3A_23 : i1 to i32
    %cond3A_25 = arith.constant 0 : i32
    %cond3A_26 = arith.cmpi ne, %convert_element_type3A_24, %cond3A_25 : i32
    scf.if %cond3A_26 {
      %dma_wait3A_94 = arith.constant 0 : i32
      %dma_wait3A_95 = arith.constant 0 : i32
      %dma_wait3A_96 = tpu.memref_slice %arg17[%dma_wait3A_94, %dma_wait3A_95] : memref<10000x128xf32, #tpu.memory_space<vmem_shared>> -> memref<16x128xf32, #tpu.memory_space<vmem_shared>>
      %dma_wait3A_97 = arith.constant 0 : i32
      %dma_wait3A_98 = arith.constant 0 : i32
      %dma_wait3A_99 = tpu.memref_slice %arg17[%dma_wait3A_97, %dma_wait3A_98] : memref<10000x128xf32, #tpu.memory_space<vmem_shared>> -> memref<16x128xf32, #tpu.memory_space<vmem_shared>>
      tpu.wait_dma2 semaphore(%arg20 : memref<!tpu.dma_semaphore, #tpu.memory_space<semaphore_mem>>) src(%arg16 : memref<16x128xf32, #tpu.memory_space<vmem>>) dst(%dma_wait3A_99 : memref<16x128xf32, #tpu.memory_space<vmem_shared>>)
    } else {
    }
    %barrier3A = arith.constant 0 : index
    tpu.barrier barrier_id(%barrier3A)
    %min3A = arith.constant 0 : i32
    %min3A_27 = arith.constant 249 : i32
    %min3A_28 = arith.minsi %min3A, %min3A_27 : i32
    %mul3A = arith.constant 20000 : i32
    %mul3A_29 = arith.muli %arg1, %mul3A : i32
    %mul3A_30 = arith.constant 80 : i32
    %mul3A_31 = arith.muli %min3A_28, %mul3A_30 : i32
    %add3A = arith.addi %mul3A_29, %mul3A_31 : i32
    %mul3A_32 = arith.constant 320000 : i32
    %mul3A_33 = arith.muli %arg0, %mul3A_32 : i32
    %add3A_34 = arith.addi %mul3A_33, %add3A : i32
    %dma_start3A = tpu.memref_slice %arg2[%add3A_34] : memref<640000xi32, #tpu.memory_space<hbm>> -> memref<80xi32, #tpu.memory_space<hbm>>
    %dma_start3A_35 = tpu.memref_slice %arg2[%add3A_34] : memref<640000xi32, #tpu.memory_space<hbm>> -> memref<80xi32, #tpu.memory_space<hbm>>
    tpu.enqueue_dma source(%dma_start3A_35 : memref<80xi32, #tpu.memory_space<hbm>>) target(%arg6 : memref<80xi32, #tpu.memory_space<vmem>>) target_semaphore(%arg22 : memref<!tpu.dma_semaphore, #tpu.memory_space<semaphore_mem>>)
    %dma_start3A_36 = tpu.memref_slice %arg3[%add3A] : memref<320000xi32, #tpu.memory_space<hbm>> -> memref<80xi32, #tpu.memory_space<hbm>>
    %dma_start3A_37 = tpu.memref_slice %arg3[%add3A] : memref<320000xi32, #tpu.memory_space<hbm>> -> memref<80xi32, #tpu.memory_space<hbm>>
    tpu.enqueue_dma source(%dma_start3A_37 : memref<80xi32, #tpu.memory_space<hbm>>) target(%arg10 : memref<80xi32, #tpu.memory_space<vmem>>) target_semaphore(%arg22 : memref<!tpu.dma_semaphore, #tpu.memory_space<semaphore_mem>>)
    %dma_wait3A = arith.constant 0 : i32
    %dma_wait3A_38 = tpu.memref_slice %arg2[%dma_wait3A] : memref<640000xi32, #tpu.memory_space<hbm>> -> memref<80xi32, #tpu.memory_space<hbm>>
    %dma_wait3A_39 = arith.constant 0 : i32
    %dma_wait3A_40 = tpu.memref_slice %arg2[%dma_wait3A_39] : memref<640000xi32, #tpu.memory_space<hbm>> -> memref<80xi32, #tpu.memory_space<hbm>>
    tpu.wait_dma2 semaphore(%arg22 : memref<!tpu.dma_semaphore, #tpu.memory_space<semaphore_mem>>) src(%dma_wait3A_40 : memref<80xi32, #tpu.memory_space<hbm>>) dst(%arg6 : memref<80xi32, #tpu.memory_space<vmem>>)
    %dma_wait3A_41 = arith.constant 0 : i32
    %dma_wait3A_42 = tpu.memref_slice %arg3[%dma_wait3A_41] : memref<320000xi32, #tpu.memory_space<hbm>> -> memref<80xi32, #tpu.memory_space<hbm>>
    %dma_wait3A_43 = arith.constant 0 : i32
    %dma_wait3A_44 = tpu.memref_slice %arg3[%dma_wait3A_43] : memref<320000xi32, #tpu.memory_space<hbm>> -> memref<80xi32, #tpu.memory_space<hbm>>
    tpu.wait_dma2 semaphore(%arg22 : memref<!tpu.dma_semaphore, #tpu.memory_space<semaphore_mem>>) src(%dma_wait3A_44 : memref<80xi32, #tpu.memory_space<hbm>>) dst(%arg10 : memref<80xi32, #tpu.memory_space<vmem>>)
    %dma_start3A_45 = arith.constant 0 : i32
    %dma_start3A_46 = arith.constant 0 : i32
    %dma_start3A_47 = tpu.memref_slice %arg4[%dma_start3A_45, %dma_start3A_46] : memref<20000x128xf32, #tpu.memory_space<hbm>> -> memref<20000x128xf32, #tpu.memory_space<hbm>>
    tpu.enqueue_indirect_dma source(%dma_start3A_47 : memref<20000x128xf32, #tpu.memory_space<hbm>>) target(%arg14 : memref<80x128xf32, #tpu.memory_space<vmem>>) offsets(%arg6 : memref<80xi32, #tpu.memory_space<vmem>>) semaphore(%arg18 : memref<!tpu.dma_semaphore, #tpu.memory_space<semaphore_mem>>)
    %min3A_48 = arith.constant 1 : i32
    %min3A_49 = arith.constant 249 : i32
    %min3A_50 = arith.minsi %min3A_48, %min3A_49 : i32
    %mul3A_51 = arith.constant 20000 : i32
    %mul3A_52 = arith.muli %arg1, %mul3A_51 : i32
    %mul3A_53 = arith.constant 80 : i32
    %mul3A_54 = arith.muli %min3A_50, %mul3A_53 : i32
    %add3A_55 = arith.addi %mul3A_52, %mul3A_54 : i32
    %mul3A_56 = arith.constant 320000 : i32
    %mul3A_57 = arith.muli %arg0, %mul3A_56 : i32
    %add3A_58 = arith.addi %mul3A_57, %add3A_55 : i32
    %dma_start3A_59 = tpu.memref_slice %arg2[%add3A_58] : memref<640000xi32, #tpu.memory_space<hbm>> -> memref<80xi32, #tpu.memory_space<hbm>>
    %dma_start3A_60 = tpu.memref_slice %arg2[%add3A_58] : memref<640000xi32, #tpu.memory_space<hbm>> -> memref<80xi32, #tpu.memory_space<hbm>>
    tpu.enqueue_dma source(%dma_start3A_60 : memref<80xi32, #tpu.memory_space<hbm>>) target(%arg7 : memref<80xi32, #tpu.memory_space<vmem>>) target_semaphore(%arg23 : memref<!tpu.dma_semaphore, #tpu.memory_space<semaphore_mem>>)
    %dma_start3A_61 = tpu.memref_slice %arg3[%add3A_55] : memref<320000xi32, #tpu.memory_space<hbm>> -> memref<80xi32, #tpu.memory_space<hbm>>
    %dma_start3A_62 = tpu.memref_slice %arg3[%add3A_55] : memref<320000xi32, #tpu.memory_space<hbm>> -> memref<80xi32, #tpu.memory_space<hbm>>
    tpu.enqueue_dma source(%dma_start3A_62 : memref<80xi32, #tpu.memory_space<hbm>>) target(%arg11 : memref<80xi32, #tpu.memory_space<vmem>>) target_semaphore(%arg23 : memref<!tpu.dma_semaphore, #tpu.memory_space<semaphore_mem>>)
    %scan3A_63 = arith.constant 0 : i32
    %scan3A_64 = arith.constant 0 : i32
    %scan3A_65 = arith.constant 125 : i32
    %scan3A_66 = arith.addi %scan3A_64, %scan3A_65 : i32
    %scan3A_67 = arith.constant 1 : i32
    %scan3A_68 = scf.for %scan3A_94 = %scan3A_64 to %scan3A_66 step %scan3A_67 iter_args(%scan3A_95 = %scan3A_63) -> (i32)  : i32 {
      %mul3A_96 = arith.constant 2 : i32
      %mul3A_97 = arith.muli %mul3A_96, %scan3A_94 : i32
      %add3A_98 = arith.constant 0 : i32
      %add3A_99 = arith.addi %mul3A_97, %add3A_98 : i32
      %dma_wait3A_100 = arith.constant 0 : i32
      %dma_wait3A_101 = arith.constant 0 : i32
      %dma_wait3A_102 = tpu.memref_slice %arg4[%dma_wait3A_100, %dma_wait3A_101] : memref<20000x128xf32, #tpu.memory_space<hbm>> -> memref<20000x128xf32, #tpu.memory_space<hbm>>
      tpu.wait_indirect_dma semaphore(%arg18 : memref<!tpu.dma_semaphore, #tpu.memory_space<semaphore_mem>>) src(%dma_wait3A_102 : memref<20000x128xf32, #tpu.memory_space<hbm>>) dst(%arg14 : memref<80x128xf32, #tpu.memory_space<vmem>>)
      %dma_wait3A_103 = arith.constant 0 : i32
      %dma_wait3A_104 = tpu.memref_slice %arg2[%dma_wait3A_103] : memref<640000xi32, #tpu.memory_space<hbm>> -> memref<80xi32, #tpu.memory_space<hbm>>
      %dma_wait3A_105 = arith.constant 0 : i32
      %dma_wait3A_106 = tpu.memref_slice %arg2[%dma_wait3A_105] : memref<640000xi32, #tpu.memory_space<hbm>> -> memref<80xi32, #tpu.memory_space<hbm>>
      tpu.wait_dma2 semaphore(%arg23 : memref<!tpu.dma_semaphore, #tpu.memory_space<semaphore_mem>>) src(%dma_wait3A_106 : memref<80xi32, #tpu.memory_space<hbm>>) dst(%arg7 : memref<80xi32, #tpu.memory_space<vmem>>)
      %dma_wait3A_107 = arith.constant 0 : i32
      %dma_wait3A_108 = tpu.memref_slice %arg3[%dma_wait3A_107] : memref<320000xi32, #tpu.memory_space<hbm>> -> memref<80xi32, #tpu.memory_space<hbm>>
      %dma_wait3A_109 = arith.constant 0 : i32
      %dma_wait3A_110 = tpu.memref_slice %arg3[%dma_wait3A_109] : memref<320000xi32, #tpu.memory_space<hbm>> -> memref<80xi32, #tpu.memory_space<hbm>>
      tpu.wait_dma2 semaphore(%arg23 : memref<!tpu.dma_semaphore, #tpu.memory_space<semaphore_mem>>) src(%dma_wait3A_110 : memref<80xi32, #tpu.memory_space<hbm>>) dst(%arg11 : memref<80xi32, #tpu.memory_space<vmem>>)
      %dma_start3A_111 = arith.constant 0 : i32
      %dma_start3A_112 = arith.constant 0 : i32
      %dma_start3A_113 = tpu.memref_slice %arg4[%dma_start3A_111, %dma_start3A_112] : memref<20000x128xf32, #tpu.memory_space<hbm>> -> memref<20000x128xf32, #tpu.memory_space<hbm>>
      tpu.enqueue_indirect_dma source(%dma_start3A_113 : memref<20000x128xf32, #tpu.memory_space<hbm>>) target(%arg15 : memref<80x128xf32, #tpu.memory_space<vmem>>) offsets(%arg7 : memref<80xi32, #tpu.memory_space<vmem>>) semaphore(%arg19 : memref<!tpu.dma_semaphore, #tpu.memory_space<semaphore_mem>>)
      "tpu.region"() ({
        %run_scoped3A = tpu.sem_alloc : memref<!tpu.dma_semaphore, #tpu.memory_space<semaphore_mem>>
        %dma_start3A_165 = arith.constant 0 : i32
        %dma_start3A_166 = arith.constant 0 : i32
        %dma_start3A_167 = tpu.memref_slice %arg17[%dma_start3A_165, %dma_start3A_166] : memref<10000x128xf32, #tpu.memory_space<vmem_shared>> -> memref<10000x128xf32, #tpu.memory_space<vmem_shared>>
        tpu.enqueue_indirect_dma source(%arg14 : memref<80x128xf32, #tpu.memory_space<vmem>>) target(%dma_start3A_167 : memref<10000x128xf32, #tpu.memory_space<vmem_shared>>) offsets(%arg10 : memref<80xi32, #tpu.memory_space<vmem>>) semaphore(%run_scoped3A : memref<!tpu.dma_semaphore, #tpu.memory_space<semaphore_mem>>) {add = true}
        %dma_wait3A_168 = arith.constant 0 : i32
        %dma_wait3A_169 = arith.constant 0 : i32
        %dma_wait3A_170 = tpu.memref_slice %arg17[%dma_wait3A_168, %dma_wait3A_169] : memref<10000x128xf32, #tpu.memory_space<vmem_shared>> -> memref<10000x128xf32, #tpu.memory_space<vmem_shared>>
        tpu.wait_indirect_dma semaphore(%run_scoped3A : memref<!tpu.dma_semaphore, #tpu.memory_space<semaphore_mem>>) src(%arg14 : memref<80x128xf32, #tpu.memory_space<vmem>>) dst(%dma_wait3A_170 : memref<10000x128xf32, #tpu.memory_space<vmem_shared>>)
        tpu.yield
      }) : () -> ()
      %add3A_114 = arith.constant 2 : i32
      %add3A_115 = arith.addi %add3A_99, %add3A_114 : i32
      %min3A_116 = arith.constant 249 : i32
      %min3A_117 = arith.minsi %add3A_115, %min3A_116 : i32
      %mul3A_118 = arith.constant 20000 : i32
      %mul3A_119 = arith.muli %arg1, %mul3A_118 : i32
      %mul3A_120 = arith.constant 80 : i32
      %mul3A_121 = arith.muli %min3A_117, %mul3A_120 : i32
      %add3A_122 = arith.addi %mul3A_119, %mul3A_121 : i32
      %mul3A_123 = arith.constant 320000 : i32
      %mul3A_124 = arith.muli %arg0, %mul3A_123 : i32
      %add3A_125 = arith.addi %mul3A_124, %add3A_122 : i32
      %dma_start3A_126 = tpu.memref_slice %arg2[%add3A_125] : memref<640000xi32, #tpu.memory_space<hbm>> -> memref<80xi32, #tpu.memory_space<hbm>>
      %dma_start3A_127 = tpu.memref_slice %arg2[%add3A_125] : memref<640000xi32, #tpu.memory_space<hbm>> -> memref<80xi32, #tpu.memory_space<hbm>>
      tpu.enqueue_dma source(%dma_start3A_127 : memref<80xi32, #tpu.memory_space<hbm>>) target(%arg6 : memref<80xi32, #tpu.memory_space<vmem>>) target_semaphore(%arg22 : memref<!tpu.dma_semaphore, #tpu.memory_space<semaphore_mem>>)
      %dma_start3A_128 = tpu.memref_slice %arg3[%add3A_122] : memref<320000xi32, #tpu.memory_space<hbm>> -> memref<80xi32, #tpu.memory_space<hbm>>
      %dma_start3A_129 = tpu.memref_slice %arg3[%add3A_122] : memref<320000xi32, #tpu.memory_space<hbm>> -> memref<80xi32, #tpu.memory_space<hbm>>
      tpu.enqueue_dma source(%dma_start3A_129 : memref<80xi32, #tpu.memory_space<hbm>>) target(%arg10 : memref<80xi32, #tpu.memory_space<vmem>>) target_semaphore(%arg22 : memref<!tpu.dma_semaphore, #tpu.memory_space<semaphore_mem>>)
      %mul3A_130 = arith.constant 2 : i32
      %mul3A_131 = arith.muli %mul3A_130, %scan3A_94 : i32
      %add3A_132 = arith.constant 1 : i32
      %add3A_133 = arith.addi %mul3A_131, %add3A_132 : i32
      %dma_wait3A_134 = arith.constant 0 : i32
      %dma_wait3A_135 = arith.constant 0 : i32
      %dma_wait3A_136 = tpu.memref_slice %arg4[%dma_wait3A_134, %dma_wait3A_135] : memref<20000x128xf32, #tpu.memory_space<hbm>> -> memref<20000x128xf32, #tpu.memory_space<hbm>>
      tpu.wait_indirect_dma semaphore(%arg19 : memref<!tpu.dma_semaphore, #tpu.memory_space<semaphore_mem>>) src(%dma_wait3A_136 : memref<20000x128xf32, #tpu.memory_space<hbm>>) dst(%arg15 : memref<80x128xf32, #tpu.memory_space<vmem>>)
      %dma_wait3A_137 = arith.constant 0 : i32
      %dma_wait3A_138 = tpu.memref_slice %arg2[%dma_wait3A_137] : memref<640000xi32, #tpu.memory_space<hbm>> -> memref<80xi32, #tpu.memory_space<hbm>>
      %dma_wait3A_139 = arith.constant 0 : i32
      %dma_wait3A_140 = tpu.memref_slice %arg2[%dma_wait3A_139] : memref<640000xi32, #tpu.memory_space<hbm>> -> memref<80xi32, #tpu.memory_space<hbm>>
      tpu.wait_dma2 semaphore(%arg22 : memref<!tpu.dma_semaphore, #tpu.memory_space<semaphore_mem>>) src(%dma_wait3A_140 : memref<80xi32, #tpu.memory_space<hbm>>) dst(%arg6 : memref<80xi32, #tpu.memory_space<vmem>>)
      %dma_wait3A_141 = arith.constant 0 : i32
      %dma_wait3A_142 = tpu.memref_slice %arg3[%dma_wait3A_141] : memref<320000xi32, #tpu.memory_space<hbm>> -> memref<80xi32, #tpu.memory_space<hbm>>
      %dma_wait3A_143 = arith.constant 0 : i32
      %dma_wait3A_144 = tpu.memref_slice %arg3[%dma_wait3A_143] : memref<320000xi32, #tpu.memory_space<hbm>> -> memref<80xi32, #tpu.memory_space<hbm>>
      tpu.wait_dma2 semaphore(%arg22 : memref<!tpu.dma_semaphore, #tpu.memory_space<semaphore_mem>>) src(%dma_wait3A_144 : memref<80xi32, #tpu.memory_space<hbm>>) dst(%arg10 : memref<80xi32, #tpu.memory_space<vmem>>)
      %dma_start3A_145 = arith.constant 0 : i32
      %dma_start3A_146 = arith.constant 0 : i32
      %dma_start3A_147 = tpu.memref_slice %arg4[%dma_start3A_145, %dma_start3A_146] : memref<20000x128xf32, #tpu.memory_space<hbm>> -> memref<20000x128xf32, #tpu.memory_space<hbm>>
      tpu.enqueue_indirect_dma source(%dma_start3A_147 : memref<20000x128xf32, #tpu.memory_space<hbm>>) target(%arg14 : memref<80x128xf32, #tpu.memory_space<vmem>>) offsets(%arg6 : memref<80xi32, #tpu.memory_space<vmem>>) semaphore(%arg18 : memref<!tpu.dma_semaphore, #tpu.memory_space<semaphore_mem>>)
      "tpu.region"() ({
        %run_scoped3A = tpu.sem_alloc : memref<!tpu.dma_semaphore, #tpu.memory_space<semaphore_mem>>
        %dma_start3A_165 = arith.constant 0 : i32
        %dma_start3A_166 = arith.constant 0 : i32
        %dma_start3A_167 = tpu.memref_slice %arg17[%dma_start3A_165, %dma_start3A_166] : memref<10000x128xf32, #tpu.memory_space<vmem_shared>> -> memref<10000x128xf32, #tpu.memory_space<vmem_shared>>
        tpu.enqueue_indirect_dma source(%arg15 : memref<80x128xf32, #tpu.memory_space<vmem>>) target(%dma_start3A_167 : memref<10000x128xf32, #tpu.memory_space<vmem_shared>>) offsets(%arg11 : memref<80xi32, #tpu.memory_space<vmem>>) semaphore(%run_scoped3A : memref<!tpu.dma_semaphore, #tpu.memory_space<semaphore_mem>>) {add = true}
        %dma_wait3A_168 = arith.constant 0 : i32
        %dma_wait3A_169 = arith.constant 0 : i32
        %dma_wait3A_170 = tpu.memref_slice %arg17[%dma_wait3A_168, %dma_wait3A_169] : memref<10000x128xf32, #tpu.memory_space<vmem_shared>> -> memref<10000x128xf32, #tpu.memory_space<vmem_shared>>
        tpu.wait_indirect_dma semaphore(%run_scoped3A : memref<!tpu.dma_semaphore, #tpu.memory_space<semaphore_mem>>) src(%arg15 : memref<80x128xf32, #tpu.memory_space<vmem>>) dst(%dma_wait3A_170 : memref<10000x128xf32, #tpu.memory_space<vmem_shared>>)
        tpu.yield
      }) : () -> ()
      %add3A_148 = arith.constant 2 : i32
      %add3A_149 = arith.addi %add3A_133, %add3A_148 : i32
      %min3A_150 = arith.constant 249 : i32
      %min3A_151 = arith.minsi %add3A_149, %min3A_150 : i32
      %mul3A_152 = arith.constant 20000 : i32
      %mul3A_153 = arith.muli %arg1, %mul3A_152 : i32
      %mul3A_154 = arith.constant 80 : i32
      %mul3A_155 = arith.muli %min3A_151, %mul3A_154 : i32
      %add3A_156 = arith.addi %mul3A_153, %mul3A_155 : i32
      %mul3A_157 = arith.constant 320000 : i32
      %mul3A_158 = arith.muli %arg0, %mul3A_157 : i32
      %add3A_159 = arith.addi %mul3A_158, %add3A_156 : i32
      %dma_start3A_160 = tpu.memref_slice %arg2[%add3A_159] : memref<640000xi32, #tpu.memory_space<hbm>> -> memref<80xi32, #tpu.memory_space<hbm>>
      %dma_start3A_161 = tpu.memref_slice %arg2[%add3A_159] : memref<640000xi32, #tpu.memory_space<hbm>> -> memref<80xi32, #tpu.memory_space<hbm>>
      tpu.enqueue_dma source(%dma_start3A_161 : memref<80xi32, #tpu.memory_space<hbm>>) target(%arg7 : memref<80xi32, #tpu.memory_space<vmem>>) target_semaphore(%arg23 : memref<!tpu.dma_semaphore, #tpu.memory_space<semaphore_mem>>)
      %dma_start3A_162 = tpu.memref_slice %arg3[%add3A_156] : memref<320000xi32, #tpu.memory_space<hbm>> -> memref<80xi32, #tpu.memory_space<hbm>>
      %dma_start3A_163 = tpu.memref_slice %arg3[%add3A_156] : memref<320000xi32, #tpu.memory_space<hbm>> -> memref<80xi32, #tpu.memory_space<hbm>>
      tpu.enqueue_dma source(%dma_start3A_163 : memref<80xi32, #tpu.memory_space<hbm>>) target(%arg11 : memref<80xi32, #tpu.memory_space<vmem>>) target_semaphore(%arg23 : memref<!tpu.dma_semaphore, #tpu.memory_space<semaphore_mem>>)
      %scan3A_164 = arith.constant 0 : i32
      scf.yield %scan3A_164 : i32
    }
    %scan3A_69 = arith.constant 125 : i32
    %dma_wait3A_70 = arith.constant 0 : i32
    %dma_wait3A_71 = arith.constant 0 : i32
    %dma_wait3A_72 = tpu.memref_slice %arg4[%dma_wait3A_70, %dma_wait3A_71] : memref<20000x128xf32, #tpu.memory_space<hbm>> -> memref<20000x128xf32, #tpu.memory_space<hbm>>
    tpu.wait_indirect_dma semaphore(%arg18 : memref<!tpu.dma_semaphore, #tpu.memory_space<semaphore_mem>>) src(%dma_wait3A_72 : memref<20000x128xf32, #tpu.memory_space<hbm>>) dst(%arg14 : memref<80x128xf32, #tpu.memory_space<vmem>>)
    %dma_wait3A_73 = arith.constant 0 : i32
    %dma_wait3A_74 = tpu.memref_slice %arg2[%dma_wait3A_73] : memref<640000xi32, #tpu.memory_space<hbm>> -> memref<80xi32, #tpu.memory_space<hbm>>
    %dma_wait3A_75 = arith.constant 0 : i32
    %dma_wait3A_76 = tpu.memref_slice %arg2[%dma_wait3A_75] : memref<640000xi32, #tpu.memory_space<hbm>> -> memref<80xi32, #tpu.memory_space<hbm>>
    tpu.wait_dma2 semaphore(%arg23 : memref<!tpu.dma_semaphore, #tpu.memory_space<semaphore_mem>>) src(%dma_wait3A_76 : memref<80xi32, #tpu.memory_space<hbm>>) dst(%arg7 : memref<80xi32, #tpu.memory_space<vmem>>)
    %dma_wait3A_77 = arith.constant 0 : i32
    %dma_wait3A_78 = tpu.memref_slice %arg3[%dma_wait3A_77] : memref<320000xi32, #tpu.memory_space<hbm>> -> memref<80xi32, #tpu.memory_space<hbm>>
    %dma_wait3A_79 = arith.constant 0 : i32
    %dma_wait3A_80 = tpu.memref_slice %arg3[%dma_wait3A_79] : memref<320000xi32, #tpu.memory_space<hbm>> -> memref<80xi32, #tpu.memory_space<hbm>>
    tpu.wait_dma2 semaphore(%arg23 : memref<!tpu.dma_semaphore, #tpu.memory_space<semaphore_mem>>) src(%dma_wait3A_80 : memref<80xi32, #tpu.memory_space<hbm>>) dst(%arg11 : memref<80xi32, #tpu.memory_space<vmem>>)
    %barrier3A_81 = arith.constant 0 : index
    tpu.barrier barrier_id(%barrier3A_81)
    %mul3A_82 = arith.constant 624 : i32
    %mul3A_83 = arith.muli %arg1, %mul3A_82 : i32
    %mul3A_84 = arith.constant 10000 : i32
    %mul3A_85 = arith.muli %arg0, %mul3A_84 : i32
    %mul3A_86 = arith.constant 624 : i32
    %mul3A_87 = arith.muli %arg1, %mul3A_86 : i32
    %add3A_88 = arith.addi %mul3A_85, %mul3A_87 : i32
    "tpu.region"() ({
      %run_scoped3A = tpu.sem_alloc : memref<!tpu.dma_semaphore, #tpu.memory_space<semaphore_mem>>
      %dma_start3A_94 = arith.constant 0 : i32
      %dma_start3A_95 = tpu.memref_slice %arg5[%add3A_88, %dma_start3A_94] : memref<20000x128xf32, #tpu.memory_space<hbm>> -> memref<624x128xf32, #tpu.memory_space<hbm>>
      %dma_start3A_96 = arith.constant 0 : i32
      %dma_start3A_97 = tpu.memref_slice %arg17[%mul3A_83, %dma_start3A_96] : memref<10000x128xf32, #tpu.memory_space<vmem_shared>> -> memref<624x128xf32, #tpu.memory_space<vmem_shared>>
      tpu.enqueue_dma source(%dma_start3A_97 : memref<624x128xf32, #tpu.memory_space<vmem_shared>>) target(%dma_start3A_95 : memref<624x128xf32, #tpu.memory_space<hbm>>) target_semaphore(%run_scoped3A : memref<!tpu.dma_semaphore, #tpu.memory_space<semaphore_mem>>)
      %dma_wait3A_98 = arith.constant 0 : i32
      %dma_wait3A_99 = tpu.memref_slice %arg5[%add3A_88, %dma_wait3A_98] : memref<20000x128xf32, #tpu.memory_space<hbm>> -> memref<624x128xf32, #tpu.memory_space<hbm>>
      %dma_wait3A_100 = arith.constant 0 : i32
      %dma_wait3A_101 = tpu.memref_slice %arg17[%mul3A_83, %dma_wait3A_100] : memref<10000x128xf32, #tpu.memory_space<vmem_shared>> -> memref<624x128xf32, #tpu.memory_space<vmem_shared>>
      tpu.wait_dma2 semaphore(%run_scoped3A : memref<!tpu.dma_semaphore, #tpu.memory_space<semaphore_mem>>) src(%dma_wait3A_101 : memref<624x128xf32, #tpu.memory_space<vmem_shared>>) dst(%dma_wait3A_99 : memref<624x128xf32, #tpu.memory_space<hbm>>)
      tpu.yield
    }) : () -> ()
    %eq3A_89 = arith.constant 15 : i32
    %eq3A_90 = arith.cmpi eq, %arg1, %eq3A_89 : i32
    %convert_element_type3A_91 = arith.extui %eq3A_90 : i1 to i32
    %cond3A_92 = arith.constant 0 : i32
    %cond3A_93 = arith.cmpi ne, %convert_element_type3A_91, %cond3A_92 : i32
    scf.if %cond3A_93 {
      %mul3A_94 = arith.constant 10000 : i32
      %mul3A_95 = arith.muli %arg0, %mul3A_94 : i32
      %add3A_96 = arith.constant 9984 : i32
      %add3A_97 = arith.addi %mul3A_95, %add3A_96 : i32
      "tpu.region"() ({
        %run_scoped3A = tpu.sem_alloc : memref<!tpu.dma_semaphore, #tpu.memory_space<semaphore_mem>>
        %dma_start3A_98 = arith.constant 0 : i32
        %dma_start3A_99 = tpu.memref_slice %arg5[%add3A_97, %dma_start3A_98] : memref<20000x128xf32, #tpu.memory_space<hbm>> -> memref<16x128xf32, #tpu.memory_space<hbm>>
        %dma_start3A_100 = arith.constant 9984 : i32
        %dma_start3A_101 = arith.constant 0 : i32
        %dma_start3A_102 = tpu.memref_slice %arg17[%dma_start3A_100, %dma_start3A_101] : memref<10000x128xf32, #tpu.memory_space<vmem_shared>> -> memref<16x128xf32, #tpu.memory_space<vmem_shared>>
        tpu.enqueue_dma source(%dma_start3A_102 : memref<16x128xf32, #tpu.memory_space<vmem_shared>>) target(%dma_start3A_99 : memref<16x128xf32, #tpu.memory_space<hbm>>) target_semaphore(%run_scoped3A : memref<!tpu.dma_semaphore, #tpu.memory_space<semaphore_mem>>)
        %dma_wait3A_103 = arith.constant 0 : i32
        %dma_wait3A_104 = tpu.memref_slice %arg5[%add3A_97, %dma_wait3A_103] : memref<20000x128xf32, #tpu.memory_space<hbm>> -> memref<16x128xf32, #tpu.memory_space<hbm>>
        %dma_wait3A_105 = arith.constant 9984 : i32
        %dma_wait3A_106 = arith.constant 0 : i32
        %dma_wait3A_107 = tpu.memref_slice %arg17[%dma_wait3A_105, %dma_wait3A_106] : memref<10000x128xf32, #tpu.memory_space<vmem_shared>> -> memref<16x128xf32, #tpu.memory_space<vmem_shared>>
        tpu.wait_dma2 semaphore(%run_scoped3A : memref<!tpu.dma_semaphore, #tpu.memory_space<semaphore_mem>>) src(%dma_wait3A_107 : memref<16x128xf32, #tpu.memory_space<vmem_shared>>) dst(%dma_wait3A_104 : memref<16x128xf32, #tpu.memory_space<hbm>>)
        tpu.yield
      }) : () -> ()
    } else {
    }
    return
  }
}

#map = affine_map<(d0, d1) -> (0)>
#map1 = affine_map<(d0, d1) -> (0, 0)>
module attributes {stable_mosaic.version = 14 : i64} {
  func.func @sc_agg(%arg0: i32, %arg1: i32, %arg2: memref<640000xi32, #tpu.memory_space<hbm>>, %arg3: memref<320000xi32, #tpu.memory_space<hbm>>, %arg4: memref<20000x128xf32, #tpu.memory_space<hbm>>, %arg5: memref<20000x128xf32, #tpu.memory_space<hbm>>, %arg6: memref<80xi32, #tpu.memory_space<vmem>>, %arg7: memref<80xi32, #tpu.memory_space<vmem>>, %arg8: memref<80xi32, #tpu.memory_space<vmem>>, %arg9: memref<80xi32, #tpu.memory_space<vmem>>, %arg10: memref<80xi32, #tpu.memory_space<vmem>>, %arg11: memref<80xi32, #tpu.memory_space<vmem>>, %arg12: memref<80xi32, #tpu.memory_space<vmem>>, %arg13: memref<80xi32, #tpu.memory_space<vmem>>, %arg14: memref<80x128xf32, #tpu.memory_space<vmem>>, %arg15: memref<80x128xf32, #tpu.memory_space<vmem>>, %arg16: memref<16x128xf32, #tpu.memory_space<vmem>>, %arg17: memref<10000x128xf32, #tpu.memory_space<vmem_shared>>, %arg18: memref<!tpu.dma_semaphore, #tpu.memory_space<semaphore_mem>>, %arg19: memref<!tpu.dma_semaphore, #tpu.memory_space<semaphore_mem>>, %arg20: memref<!tpu.dma_semaphore, #tpu.memory_space<semaphore_mem>>, %arg21: memref<!tpu.dma_semaphore, #tpu.memory_space<semaphore_mem>>, %arg22: memref<!tpu.dma_semaphore, #tpu.memory_space<semaphore_mem>>, %arg23: memref<!tpu.dma_semaphore, #tpu.memory_space<semaphore_mem>>, %arg24: memref<!tpu.dma_semaphore, #tpu.memory_space<semaphore_mem>>, %arg25: memref<!tpu.dma_semaphore, #tpu.memory_space<semaphore_mem>>) attributes {dimension_semantics = [#tpu.dimension_semantics<core_parallel>, #tpu.dimension_semantics<subcore_parallel>], iteration_bounds = array<i64: 2, 16>, scalar_prefetch = 0 : i64, scratch_operands = 20 : i64, tpu.core_type = #tpu.core_type<sc_vector_subcore>, window_params = [{transform_indices = #map}, {transform_indices = #map}, {transform_indices = #map1}, {transform_indices = #map1}]} {
    %scan3A = arith.constant 0 : i32
    %scan3A_0 = arith.constant 0 : i32
    %scan3A_1 = arith.constant 16 : i32
    %scan3A_2 = arith.addi %scan3A_0, %scan3A_1 : i32
    %scan3A_3 = arith.constant 1 : i32
    %scan3A_4 = scf.for %scan3A_94 = %scan3A_0 to %scan3A_2 step %scan3A_3 iter_args(%scan3A_95 = %scan3A) -> (i32)  : i32 {
      %scan3A_96 = arith.constant 0 : i32
      %scan3A_97 = arith.constant 0 : i32
      %scan3A_98 = arith.constant 8 : i32
      %scan3A_99 = arith.addi %scan3A_97, %scan3A_98 : i32
      %scan3A_100 = arith.constant 1 : i32
      %scan3A_101 = scf.for %scan3A_103 = %scan3A_97 to %scan3A_99 step %scan3A_100 iter_args(%scan3A_104 = %scan3A_96) -> (i32)  : i32 {
        %broadcast_in_dim3A = arith.constant 0.000000e+00 : f32
        %broadcast_in_dim3A_105 = vector.broadcast %broadcast_in_dim3A : f32 to vector<16xf32>
        %mul3A_106 = arith.constant 16 : i32
        %mul3A_107 = arith.muli %scan3A_103, %mul3A_106 : i32
        %swap3A = arith.index_cast %scan3A_94 : i32 to index
        %swap3A_108 = arith.index_cast %mul3A_107 : i32 to index
        %swap3A_109 = tpu.vector_load %arg16[%swap3A, %swap3A_108] {strides = array<i32>} : memref<16x128xf32, #tpu.memory_space<vmem>>, vector<1x16xf32>,
        %swap3A_110 = vector.shape_cast %swap3A_109 : vector<1x16xf32> to vector<16xf32>
        %swap3A_111 = vector.shape_cast %broadcast_in_dim3A_105 : vector<16xf32> to vector<1x16xf32>
        tpu.vector_store %arg16[%swap3A, %swap3A_108], %swap3A_111 {strides = array<i32>} : memref<16x128xf32, #tpu.memory_space<vmem>>, vector<1x16xf32>,
        %scan3A_112 = arith.constant 0 : i32
        scf.yield %scan3A_112 : i32
      }
      %scan3A_102 = arith.constant 8 : i32
      scf.yield %scan3A_101 : i32
    }
    %scan3A_5 = arith.constant 16 : i32
    %scan3A_6 = arith.constant 0 : i32
    %scan3A_7 = arith.constant 0 : i32
    %scan3A_8 = arith.constant 39 : i32
    %scan3A_9 = arith.addi %scan3A_7, %scan3A_8 : i32
    %scan3A_10 = arith.constant 1 : i32
    %scan3A_11 = scf.for %scan3A_94 = %scan3A_7 to %scan3A_9 step %scan3A_10 iter_args(%scan3A_95 = %scan3A_6) -> (i32)  : i32 {
      %mul3A_96 = arith.constant 624 : i32
      %mul3A_97 = arith.muli %arg1, %mul3A_96 : i32
      %mul3A_98 = arith.constant 16 : i32
      %mul3A_99 = arith.muli %scan3A_94, %mul3A_98 : i32
      %add3A_100 = arith.addi %mul3A_97, %mul3A_99 : i32
      %dma_start3A_101 = arith.constant 0 : i32
      %dma_start3A_102 = tpu.memref_slice %arg17[%add3A_100, %dma_start3A_101] : memref<10000x128xf32, #tpu.memory_space<vmem_shared>> -> memref<16x128xf32, #tpu.memory_space<vmem_shared>>
      %dma_start3A_103 = arith.constant 0 : i32
      %dma_start3A_104 = tpu.memref_slice %arg17[%add3A_100, %dma_start3A_103] : memref<10000x128xf32, #tpu.memory_space<vmem_shared>> -> memref<16x128xf32, #tpu.memory_space<vmem_shared>>
      tpu.enqueue_dma source(%arg16 : memref<16x128xf32, #tpu.memory_space<vmem>>) target(%dma_start3A_104 : memref<16x128xf32, #tpu.memory_space<vmem_shared>>) target_semaphore(%arg20 : memref<!tpu.dma_semaphore, #tpu.memory_space<semaphore_mem>>)
      %scan3A_105 = arith.constant 0 : i32
      scf.yield %scan3A_105 : i32
    }
    %scan3A_12 = arith.constant 39 : i32
    %eq3A = arith.constant 15 : i32
    %eq3A_13 = arith.cmpi eq, %arg1, %eq3A : i32
    %convert_element_type3A = arith.extui %eq3A_13 : i1 to i32
    %cond3A = arith.constant 0 : i32
    %cond3A_14 = arith.cmpi ne, %convert_element_type3A, %cond3A : i32
    scf.if %cond3A_14 {
      %dma_start3A_94 = arith.constant 9984 : i32
      %dma_start3A_95 = arith.constant 0 : i32
      %dma_start3A_96 = tpu.memref_slice %arg17[%dma_start3A_94, %dma_start3A_95] : memref<10000x128xf32, #tpu.memory_space<vmem_shared>> -> memref<16x128xf32, #tpu.memory_space<vmem_shared>>
      %dma_start3A_97 = arith.constant 9984 : i32
      %dma_start3A_98 = arith.constant 0 : i32
      %dma_start3A_99 = tpu.memref_slice %arg17[%dma_start3A_97, %dma_start3A_98] : memref<10000x128xf32, #tpu.memory_space<vmem_shared>> -> memref<16x128xf32, #tpu.memory_space<vmem_shared>>
      tpu.enqueue_dma source(%arg16 : memref<16x128xf32, #tpu.memory_space<vmem>>) target(%dma_start3A_99 : memref<16x128xf32, #tpu.memory_space<vmem_shared>>) target_semaphore(%arg20 : memref<!tpu.dma_semaphore, #tpu.memory_space<semaphore_mem>>)
    } else {
    }
    %scan3A_15 = arith.constant 0 : i32
    %scan3A_16 = arith.constant 0 : i32
    %scan3A_17 = arith.constant 39 : i32
    %scan3A_18 = arith.addi %scan3A_16, %scan3A_17 : i32
    %scan3A_19 = arith.constant 1 : i32
    %scan3A_20 = scf.for %scan3A_94 = %scan3A_16 to %scan3A_18 step %scan3A_19 iter_args(%scan3A_95 = %scan3A_15) -> (i32)  : i32 {
      %dma_wait3A_96 = arith.constant 0 : i32
      %dma_wait3A_97 = arith.constant 0 : i32
      %dma_wait3A_98 = tpu.memref_slice %arg17[%dma_wait3A_96, %dma_wait3A_97] : memref<10000x128xf32, #tpu.memory_space<vmem_shared>> -> memref<16x128xf32, #tpu.memory_space<vmem_shared>>
      %dma_wait3A_99 = arith.constant 0 : i32
      %dma_wait3A_100 = arith.constant 0 : i32
      %dma_wait3A_101 = tpu.memref_slice %arg17[%dma_wait3A_99, %dma_wait3A_100] : memref<10000x128xf32, #tpu.memory_space<vmem_shared>> -> memref<16x128xf32, #tpu.memory_space<vmem_shared>>
      tpu.wait_dma2 semaphore(%arg20 : memref<!tpu.dma_semaphore, #tpu.memory_space<semaphore_mem>>) src(%arg16 : memref<16x128xf32, #tpu.memory_space<vmem>>) dst(%dma_wait3A_101 : memref<16x128xf32, #tpu.memory_space<vmem_shared>>)
      %scan3A_102 = arith.constant 0 : i32
      scf.yield %scan3A_102 : i32
    }
    %scan3A_21 = arith.constant 39 : i32
    %eq3A_22 = arith.constant 15 : i32
    %eq3A_23 = arith.cmpi eq, %arg1, %eq3A_22 : i32
    %convert_element_type3A_24 = arith.extui %eq3A_23 : i1 to i32
    %cond3A_25 = arith.constant 0 : i32
    %cond3A_26 = arith.cmpi ne, %convert_element_type3A_24, %cond3A_25 : i32
    scf.if %cond3A_26 {
      %dma_wait3A_94 = arith.constant 0 : i32
      %dma_wait3A_95 = arith.constant 0 : i32
      %dma_wait3A_96 = tpu.memref_slice %arg17[%dma_wait3A_94, %dma_wait3A_95] : memref<10000x128xf32, #tpu.memory_space<vmem_shared>> -> memref<16x128xf32, #tpu.memory_space<vmem_shared>>
      %dma_wait3A_97 = arith.constant 0 : i32
      %dma_wait3A_98 = arith.constant 0 : i32
      %dma_wait3A_99 = tpu.memref_slice %arg17[%dma_wait3A_97, %dma_wait3A_98] : memref<10000x128xf32, #tpu.memory_space<vmem_shared>> -> memref<16x128xf32, #tpu.memory_space<vmem_shared>>
      tpu.wait_dma2 semaphore(%arg20 : memref<!tpu.dma_semaphore, #tpu.memory_space<semaphore_mem>>) src(%arg16 : memref<16x128xf32, #tpu.memory_space<vmem>>) dst(%dma_wait3A_99 : memref<16x128xf32, #tpu.memory_space<vmem_shared>>)
    } else {
    }
    %barrier3A = arith.constant 0 : index
    tpu.barrier barrier_id(%barrier3A)
    %min3A = arith.constant 0 : i32
    %min3A_27 = arith.constant 249 : i32
    %min3A_28 = arith.minsi %min3A, %min3A_27 : i32
    %mul3A = arith.constant 20000 : i32
    %mul3A_29 = arith.muli %arg1, %mul3A : i32
    %mul3A_30 = arith.constant 80 : i32
    %mul3A_31 = arith.muli %min3A_28, %mul3A_30 : i32
    %add3A = arith.addi %mul3A_29, %mul3A_31 : i32
    %mul3A_32 = arith.constant 320000 : i32
    %mul3A_33 = arith.muli %arg0, %mul3A_32 : i32
    %add3A_34 = arith.addi %mul3A_33, %add3A : i32
    %dma_start3A = tpu.memref_slice %arg2[%add3A_34] : memref<640000xi32, #tpu.memory_space<hbm>> -> memref<80xi32, #tpu.memory_space<hbm>>
    %dma_start3A_35 = tpu.memref_slice %arg2[%add3A_34] : memref<640000xi32, #tpu.memory_space<hbm>> -> memref<80xi32, #tpu.memory_space<hbm>>
    tpu.enqueue_dma source(%dma_start3A_35 : memref<80xi32, #tpu.memory_space<hbm>>) target(%arg6 : memref<80xi32, #tpu.memory_space<vmem>>) target_semaphore(%arg22 : memref<!tpu.dma_semaphore, #tpu.memory_space<semaphore_mem>>)
    %dma_start3A_36 = tpu.memref_slice %arg3[%add3A] : memref<320000xi32, #tpu.memory_space<hbm>> -> memref<80xi32, #tpu.memory_space<hbm>>
    %dma_start3A_37 = tpu.memref_slice %arg3[%add3A] : memref<320000xi32, #tpu.memory_space<hbm>> -> memref<80xi32, #tpu.memory_space<hbm>>
    tpu.enqueue_dma source(%dma_start3A_37 : memref<80xi32, #tpu.memory_space<hbm>>) target(%arg10 : memref<80xi32, #tpu.memory_space<vmem>>) target_semaphore(%arg22 : memref<!tpu.dma_semaphore, #tpu.memory_space<semaphore_mem>>)
    %dma_wait3A = arith.constant 0 : i32
    %dma_wait3A_38 = tpu.memref_slice %arg2[%dma_wait3A] : memref<640000xi32, #tpu.memory_space<hbm>> -> memref<80xi32, #tpu.memory_space<hbm>>
    %dma_wait3A_39 = arith.constant 0 : i32
    %dma_wait3A_40 = tpu.memref_slice %arg2[%dma_wait3A_39] : memref<640000xi32, #tpu.memory_space<hbm>> -> memref<80xi32, #tpu.memory_space<hbm>>
    tpu.wait_dma2 semaphore(%arg22 : memref<!tpu.dma_semaphore, #tpu.memory_space<semaphore_mem>>) src(%dma_wait3A_40 : memref<80xi32, #tpu.memory_space<hbm>>) dst(%arg6 : memref<80xi32, #tpu.memory_space<vmem>>)
    %dma_wait3A_41 = arith.constant 0 : i32
    %dma_wait3A_42 = tpu.memref_slice %arg3[%dma_wait3A_41] : memref<320000xi32, #tpu.memory_space<hbm>> -> memref<80xi32, #tpu.memory_space<hbm>>
    %dma_wait3A_43 = arith.constant 0 : i32
    %dma_wait3A_44 = tpu.memref_slice %arg3[%dma_wait3A_43] : memref<320000xi32, #tpu.memory_space<hbm>> -> memref<80xi32, #tpu.memory_space<hbm>>
    tpu.wait_dma2 semaphore(%arg22 : memref<!tpu.dma_semaphore, #tpu.memory_space<semaphore_mem>>) src(%dma_wait3A_44 : memref<80xi32, #tpu.memory_space<hbm>>) dst(%arg10 : memref<80xi32, #tpu.memory_space<vmem>>)
    %dma_start3A_45 = arith.constant 0 : i32
    %dma_start3A_46 = arith.constant 0 : i32
    %dma_start3A_47 = tpu.memref_slice %arg4[%dma_start3A_45, %dma_start3A_46] : memref<20000x128xf32, #tpu.memory_space<hbm>> -> memref<20000x128xf32, #tpu.memory_space<hbm>>
    tpu.enqueue_indirect_dma source(%dma_start3A_47 : memref<20000x128xf32, #tpu.memory_space<hbm>>) target(%arg14 : memref<80x128xf32, #tpu.memory_space<vmem>>) offsets(%arg6 : memref<80xi32, #tpu.memory_space<vmem>>) semaphore(%arg18 : memref<!tpu.dma_semaphore, #tpu.memory_space<semaphore_mem>>)
    %min3A_48 = arith.constant 1 : i32
    %min3A_49 = arith.constant 249 : i32
    %min3A_50 = arith.minsi %min3A_48, %min3A_49 : i32
    %mul3A_51 = arith.constant 20000 : i32
    %mul3A_52 = arith.muli %arg1, %mul3A_51 : i32
    %mul3A_53 = arith.constant 80 : i32
    %mul3A_54 = arith.muli %min3A_50, %mul3A_53 : i32
    %add3A_55 = arith.addi %mul3A_52, %mul3A_54 : i32
    %mul3A_56 = arith.constant 320000 : i32
    %mul3A_57 = arith.muli %arg0, %mul3A_56 : i32
    %add3A_58 = arith.addi %mul3A_57, %add3A_55 : i32
    %dma_start3A_59 = tpu.memref_slice %arg2[%add3A_58] : memref<640000xi32, #tpu.memory_space<hbm>> -> memref<80xi32, #tpu.memory_space<hbm>>
    %dma_start3A_60 = tpu.memref_slice %arg2[%add3A_58] : memref<640000xi32, #tpu.memory_space<hbm>> -> memref<80xi32, #tpu.memory_space<hbm>>
    tpu.enqueue_dma source(%dma_start3A_60 : memref<80xi32, #tpu.memory_space<hbm>>) target(%arg7 : memref<80xi32, #tpu.memory_space<vmem>>) target_semaphore(%arg23 : memref<!tpu.dma_semaphore, #tpu.memory_space<semaphore_mem>>)
    %dma_start3A_61 = tpu.memref_slice %arg3[%add3A_55] : memref<320000xi32, #tpu.memory_space<hbm>> -> memref<80xi32, #tpu.memory_space<hbm>>
    %dma_start3A_62 = tpu.memref_slice %arg3[%add3A_55] : memref<320000xi32, #tpu.memory_space<hbm>> -> memref<80xi32, #tpu.memory_space<hbm>>
    tpu.enqueue_dma source(%dma_start3A_62 : memref<80xi32, #tpu.memory_space<hbm>>) target(%arg11 : memref<80xi32, #tpu.memory_space<vmem>>) target_semaphore(%arg23 : memref<!tpu.dma_semaphore, #tpu.memory_space<semaphore_mem>>)
    %scan3A_63 = arith.constant 0 : i32
    %scan3A_64 = arith.constant 0 : i32
    %scan3A_65 = arith.constant 125 : i32
    %scan3A_66 = arith.addi %scan3A_64, %scan3A_65 : i32
    %scan3A_67 = arith.constant 1 : i32
    %scan3A_68 = scf.for %scan3A_94 = %scan3A_64 to %scan3A_66 step %scan3A_67 iter_args(%scan3A_95 = %scan3A_63) -> (i32)  : i32 {
      %mul3A_96 = arith.constant 2 : i32
      %mul3A_97 = arith.muli %mul3A_96, %scan3A_94 : i32
      %add3A_98 = arith.constant 0 : i32
      %add3A_99 = arith.addi %mul3A_97, %add3A_98 : i32
      %dma_wait3A_100 = arith.constant 0 : i32
      %dma_wait3A_101 = arith.constant 0 : i32
      %dma_wait3A_102 = tpu.memref_slice %arg4[%dma_wait3A_100, %dma_wait3A_101] : memref<20000x128xf32, #tpu.memory_space<hbm>> -> memref<20000x128xf32, #tpu.memory_space<hbm>>
      tpu.wait_indirect_dma semaphore(%arg18 : memref<!tpu.dma_semaphore, #tpu.memory_space<semaphore_mem>>) src(%dma_wait3A_102 : memref<20000x128xf32, #tpu.memory_space<hbm>>) dst(%arg14 : memref<80x128xf32, #tpu.memory_space<vmem>>)
      %dma_wait3A_103 = arith.constant 0 : i32
      %dma_wait3A_104 = tpu.memref_slice %arg2[%dma_wait3A_103] : memref<640000xi32, #tpu.memory_space<hbm>> -> memref<80xi32, #tpu.memory_space<hbm>>
      %dma_wait3A_105 = arith.constant 0 : i32
      %dma_wait3A_106 = tpu.memref_slice %arg2[%dma_wait3A_105] : memref<640000xi32, #tpu.memory_space<hbm>> -> memref<80xi32, #tpu.memory_space<hbm>>
      tpu.wait_dma2 semaphore(%arg23 : memref<!tpu.dma_semaphore, #tpu.memory_space<semaphore_mem>>) src(%dma_wait3A_106 : memref<80xi32, #tpu.memory_space<hbm>>) dst(%arg7 : memref<80xi32, #tpu.memory_space<vmem>>)
      %dma_wait3A_107 = arith.constant 0 : i32
      %dma_wait3A_108 = tpu.memref_slice %arg3[%dma_wait3A_107] : memref<320000xi32, #tpu.memory_space<hbm>> -> memref<80xi32, #tpu.memory_space<hbm>>
      %dma_wait3A_109 = arith.constant 0 : i32
      %dma_wait3A_110 = tpu.memref_slice %arg3[%dma_wait3A_109] : memref<320000xi32, #tpu.memory_space<hbm>> -> memref<80xi32, #tpu.memory_space<hbm>>
      tpu.wait_dma2 semaphore(%arg23 : memref<!tpu.dma_semaphore, #tpu.memory_space<semaphore_mem>>) src(%dma_wait3A_110 : memref<80xi32, #tpu.memory_space<hbm>>) dst(%arg11 : memref<80xi32, #tpu.memory_space<vmem>>)
      %dma_start3A_111 = arith.constant 0 : i32
      %dma_start3A_112 = arith.constant 0 : i32
      %dma_start3A_113 = tpu.memref_slice %arg4[%dma_start3A_111, %dma_start3A_112] : memref<20000x128xf32, #tpu.memory_space<hbm>> -> memref<20000x128xf32, #tpu.memory_space<hbm>>
      tpu.enqueue_indirect_dma source(%dma_start3A_113 : memref<20000x128xf32, #tpu.memory_space<hbm>>) target(%arg15 : memref<80x128xf32, #tpu.memory_space<vmem>>) offsets(%arg7 : memref<80xi32, #tpu.memory_space<vmem>>) semaphore(%arg19 : memref<!tpu.dma_semaphore, #tpu.memory_space<semaphore_mem>>)
      "tpu.region"() ({
        %run_scoped3A = tpu.sem_alloc : memref<!tpu.dma_semaphore, #tpu.memory_space<semaphore_mem>>
        %dma_start3A_165 = arith.constant 0 : i32
        %dma_start3A_166 = arith.constant 0 : i32
        %dma_start3A_167 = tpu.memref_slice %arg17[%dma_start3A_165, %dma_start3A_166] : memref<10000x128xf32, #tpu.memory_space<vmem_shared>> -> memref<10000x128xf32, #tpu.memory_space<vmem_shared>>
        tpu.enqueue_indirect_dma source(%arg14 : memref<80x128xf32, #tpu.memory_space<vmem>>) target(%dma_start3A_167 : memref<10000x128xf32, #tpu.memory_space<vmem_shared>>) offsets(%arg10 : memref<80xi32, #tpu.memory_space<vmem>>) semaphore(%run_scoped3A : memref<!tpu.dma_semaphore, #tpu.memory_space<semaphore_mem>>) {add = true}
        %dma_wait3A_168 = arith.constant 0 : i32
        %dma_wait3A_169 = arith.constant 0 : i32
        %dma_wait3A_170 = tpu.memref_slice %arg17[%dma_wait3A_168, %dma_wait3A_169] : memref<10000x128xf32, #tpu.memory_space<vmem_shared>> -> memref<10000x128xf32, #tpu.memory_space<vmem_shared>>
        tpu.wait_indirect_dma semaphore(%run_scoped3A : memref<!tpu.dma_semaphore, #tpu.memory_space<semaphore_mem>>) src(%arg14 : memref<80x128xf32, #tpu.memory_space<vmem>>) dst(%dma_wait3A_170 : memref<10000x128xf32, #tpu.memory_space<vmem_shared>>)
        tpu.yield
      }) : () -> ()
      %add3A_114 = arith.constant 2 : i32
      %add3A_115 = arith.addi %add3A_99, %add3A_114 : i32
      %min3A_116 = arith.constant 249 : i32
      %min3A_117 = arith.minsi %add3A_115, %min3A_116 : i32
      %mul3A_118 = arith.constant 20000 : i32
      %mul3A_119 = arith.muli %arg1, %mul3A_118 : i32
      %mul3A_120 = arith.constant 80 : i32
      %mul3A_121 = arith.muli %min3A_117, %mul3A_120 : i32
      %add3A_122 = arith.addi %mul3A_119, %mul3A_121 : i32
      %mul3A_123 = arith.constant 320000 : i32
      %mul3A_124 = arith.muli %arg0, %mul3A_123 : i32
      %add3A_125 = arith.addi %mul3A_124, %add3A_122 : i32
      %dma_start3A_126 = tpu.memref_slice %arg2[%add3A_125] : memref<640000xi32, #tpu.memory_space<hbm>> -> memref<80xi32, #tpu.memory_space<hbm>>
      %dma_start3A_127 = tpu.memref_slice %arg2[%add3A_125] : memref<640000xi32, #tpu.memory_space<hbm>> -> memref<80xi32, #tpu.memory_space<hbm>>
      tpu.enqueue_dma source(%dma_start3A_127 : memref<80xi32, #tpu.memory_space<hbm>>) target(%arg6 : memref<80xi32, #tpu.memory_space<vmem>>) target_semaphore(%arg22 : memref<!tpu.dma_semaphore, #tpu.memory_space<semaphore_mem>>)
      %dma_start3A_128 = tpu.memref_slice %arg3[%add3A_122] : memref<320000xi32, #tpu.memory_space<hbm>> -> memref<80xi32, #tpu.memory_space<hbm>>
      %dma_start3A_129 = tpu.memref_slice %arg3[%add3A_122] : memref<320000xi32, #tpu.memory_space<hbm>> -> memref<80xi32, #tpu.memory_space<hbm>>
      tpu.enqueue_dma source(%dma_start3A_129 : memref<80xi32, #tpu.memory_space<hbm>>) target(%arg10 : memref<80xi32, #tpu.memory_space<vmem>>) target_semaphore(%arg22 : memref<!tpu.dma_semaphore, #tpu.memory_space<semaphore_mem>>)
      %mul3A_130 = arith.constant 2 : i32
      %mul3A_131 = arith.muli %mul3A_130, %scan3A_94 : i32
      %add3A_132 = arith.constant 1 : i32
      %add3A_133 = arith.addi %mul3A_131, %add3A_132 : i32
      %dma_wait3A_134 = arith.constant 0 : i32
      %dma_wait3A_135 = arith.constant 0 : i32
      %dma_wait3A_136 = tpu.memref_slice %arg4[%dma_wait3A_134, %dma_wait3A_135] : memref<20000x128xf32, #tpu.memory_space<hbm>> -> memref<20000x128xf32, #tpu.memory_space<hbm>>
      tpu.wait_indirect_dma semaphore(%arg19 : memref<!tpu.dma_semaphore, #tpu.memory_space<semaphore_mem>>) src(%dma_wait3A_136 : memref<20000x128xf32, #tpu.memory_space<hbm>>) dst(%arg15 : memref<80x128xf32, #tpu.memory_space<vmem>>)
      %dma_wait3A_137 = arith.constant 0 : i32
      %dma_wait3A_138 = tpu.memref_slice %arg2[%dma_wait3A_137] : memref<640000xi32, #tpu.memory_space<hbm>> -> memref<80xi32, #tpu.memory_space<hbm>>
      %dma_wait3A_139 = arith.constant 0 : i32
      %dma_wait3A_140 = tpu.memref_slice %arg2[%dma_wait3A_139] : memref<640000xi32, #tpu.memory_space<hbm>> -> memref<80xi32, #tpu.memory_space<hbm>>
      tpu.wait_dma2 semaphore(%arg22 : memref<!tpu.dma_semaphore, #tpu.memory_space<semaphore_mem>>) src(%dma_wait3A_140 : memref<80xi32, #tpu.memory_space<hbm>>) dst(%arg6 : memref<80xi32, #tpu.memory_space<vmem>>)
      %dma_wait3A_141 = arith.constant 0 : i32
      %dma_wait3A_142 = tpu.memref_slice %arg3[%dma_wait3A_141] : memref<320000xi32, #tpu.memory_space<hbm>> -> memref<80xi32, #tpu.memory_space<hbm>>
      %dma_wait3A_143 = arith.constant 0 : i32
      %dma_wait3A_144 = tpu.memref_slice %arg3[%dma_wait3A_143] : memref<320000xi32, #tpu.memory_space<hbm>> -> memref<80xi32, #tpu.memory_space<hbm>>
      tpu.wait_dma2 semaphore(%arg22 : memref<!tpu.dma_semaphore, #tpu.memory_space<semaphore_mem>>) src(%dma_wait3A_144 : memref<80xi32, #tpu.memory_space<hbm>>) dst(%arg10 : memref<80xi32, #tpu.memory_space<vmem>>)
      %dma_start3A_145 = arith.constant 0 : i32
      %dma_start3A_146 = arith.constant 0 : i32
      %dma_start3A_147 = tpu.memref_slice %arg4[%dma_start3A_145, %dma_start3A_146] : memref<20000x128xf32, #tpu.memory_space<hbm>> -> memref<20000x128xf32, #tpu.memory_space<hbm>>
      tpu.enqueue_indirect_dma source(%dma_start3A_147 : memref<20000x128xf32, #tpu.memory_space<hbm>>) target(%arg14 : memref<80x128xf32, #tpu.memory_space<vmem>>) offsets(%arg6 : memref<80xi32, #tpu.memory_space<vmem>>) semaphore(%arg18 : memref<!tpu.dma_semaphore, #tpu.memory_space<semaphore_mem>>)
      "tpu.region"() ({
        %run_scoped3A = tpu.sem_alloc : memref<!tpu.dma_semaphore, #tpu.memory_space<semaphore_mem>>
        %dma_start3A_165 = arith.constant 0 : i32
        %dma_start3A_166 = arith.constant 0 : i32
        %dma_start3A_167 = tpu.memref_slice %arg17[%dma_start3A_165, %dma_start3A_166] : memref<10000x128xf32, #tpu.memory_space<vmem_shared>> -> memref<10000x128xf32, #tpu.memory_space<vmem_shared>>
        tpu.enqueue_indirect_dma source(%arg15 : memref<80x128xf32, #tpu.memory_space<vmem>>) target(%dma_start3A_167 : memref<10000x128xf32, #tpu.memory_space<vmem_shared>>) offsets(%arg11 : memref<80xi32, #tpu.memory_space<vmem>>) semaphore(%run_scoped3A : memref<!tpu.dma_semaphore, #tpu.memory_space<semaphore_mem>>) {add = true}
        %dma_wait3A_168 = arith.constant 0 : i32
        %dma_wait3A_169 = arith.constant 0 : i32
        %dma_wait3A_170 = tpu.memref_slice %arg17[%dma_wait3A_168, %dma_wait3A_169] : memref<10000x128xf32, #tpu.memory_space<vmem_shared>> -> memref<10000x128xf32, #tpu.memory_space<vmem_shared>>
        tpu.wait_indirect_dma semaphore(%run_scoped3A : memref<!tpu.dma_semaphore, #tpu.memory_space<semaphore_mem>>) src(%arg15 : memref<80x128xf32, #tpu.memory_space<vmem>>) dst(%dma_wait3A_170 : memref<10000x128xf32, #tpu.memory_space<vmem_shared>>)
        tpu.yield
      }) : () -> ()
      %add3A_148 = arith.constant 2 : i32
      %add3A_149 = arith.addi %add3A_133, %add3A_148 : i32
      %min3A_150 = arith.constant 249 : i32
      %min3A_151 = arith.minsi %add3A_149, %min3A_150 : i32
      %mul3A_152 = arith.constant 20000 : i32
      %mul3A_153 = arith.muli %arg1, %mul3A_152 : i32
      %mul3A_154 = arith.constant 80 : i32
      %mul3A_155 = arith.muli %min3A_151, %mul3A_154 : i32
      %add3A_156 = arith.addi %mul3A_153, %mul3A_155 : i32
      %mul3A_157 = arith.constant 320000 : i32
      %mul3A_158 = arith.muli %arg0, %mul3A_157 : i32
      %add3A_159 = arith.addi %mul3A_158, %add3A_156 : i32
      %dma_start3A_160 = tpu.memref_slice %arg2[%add3A_159] : memref<640000xi32, #tpu.memory_space<hbm>> -> memref<80xi32, #tpu.memory_space<hbm>>
      %dma_start3A_161 = tpu.memref_slice %arg2[%add3A_159] : memref<640000xi32, #tpu.memory_space<hbm>> -> memref<80xi32, #tpu.memory_space<hbm>>
      tpu.enqueue_dma source(%dma_start3A_161 : memref<80xi32, #tpu.memory_space<hbm>>) target(%arg7 : memref<80xi32, #tpu.memory_space<vmem>>) target_semaphore(%arg23 : memref<!tpu.dma_semaphore, #tpu.memory_space<semaphore_mem>>)
      %dma_start3A_162 = tpu.memref_slice %arg3[%add3A_156] : memref<320000xi32, #tpu.memory_space<hbm>> -> memref<80xi32, #tpu.memory_space<hbm>>
      %dma_start3A_163 = tpu.memref_slice %arg3[%add3A_156] : memref<320000xi32, #tpu.memory_space<hbm>> -> memref<80xi32, #tpu.memory_space<hbm>>
      tpu.enqueue_dma source(%dma_start3A_163 : memref<80xi32, #tpu.memory_space<hbm>>) target(%arg11 : memref<80xi32, #tpu.memory_space<vmem>>) target_semaphore(%arg23 : memref<!tpu.dma_semaphore, #tpu.memory_space<semaphore_mem>>)
      %scan3A_164 = arith.constant 0 : i32
      scf.yield %scan3A_164 : i32
    }
    %scan3A_69 = arith.constant 125 : i32
    %dma_wait3A_70 = arith.constant 0 : i32
    %dma_wait3A_71 = arith.constant 0 : i32
    %dma_wait3A_72 = tpu.memref_slice %arg4[%dma_wait3A_70, %dma_wait3A_71] : memref<20000x128xf32, #tpu.memory_space<hbm>> -> memref<20000x128xf32, #tpu.memory_space<hbm>>
    tpu.wait_indirect_dma semaphore(%arg18 : memref<!tpu.dma_semaphore, #tpu.memory_space<semaphore_mem>>) src(%dma_wait3A_72 : memref<20000x128xf32, #tpu.memory_space<hbm>>) dst(%arg14 : memref<80x128xf32, #tpu.memory_space<vmem>>)
    %dma_wait3A_73 = arith.constant 0 : i32
    %dma_wait3A_74 = tpu.memref_slice %arg2[%dma_wait3A_73] : memref<640000xi32, #tpu.memory_space<hbm>> -> memref<80xi32, #tpu.memory_space<hbm>>
    %dma_wait3A_75 = arith.constant 0 : i32
    %dma_wait3A_76 = tpu.memref_slice %arg2[%dma_wait3A_75] : memref<640000xi32, #tpu.memory_space<hbm>> -> memref<80xi32, #tpu.memory_space<hbm>>
    tpu.wait_dma2 semaphore(%arg23 : memref<!tpu.dma_semaphore, #tpu.memory_space<semaphore_mem>>) src(%dma_wait3A_76 : memref<80xi32, #tpu.memory_space<hbm>>) dst(%arg7 : memref<80xi32, #tpu.memory_space<vmem>>)
    %dma_wait3A_77 = arith.constant 0 : i32
    %dma_wait3A_78 = tpu.memref_slice %arg3[%dma_wait3A_77] : memref<320000xi32, #tpu.memory_space<hbm>> -> memref<80xi32, #tpu.memory_space<hbm>>
    %dma_wait3A_79 = arith.constant 0 : i32
    %dma_wait3A_80 = tpu.memref_slice %arg3[%dma_wait3A_79] : memref<320000xi32, #tpu.memory_space<hbm>> -> memref<80xi32, #tpu.memory_space<hbm>>
    tpu.wait_dma2 semaphore(%arg23 : memref<!tpu.dma_semaphore, #tpu.memory_space<semaphore_mem>>) src(%dma_wait3A_80 : memref<80xi32, #tpu.memory_space<hbm>>) dst(%arg11 : memref<80xi32, #tpu.memory_space<vmem>>)
    %barrier3A_81 = arith.constant 0 : index
    tpu.barrier barrier_id(%barrier3A_81)
    %mul3A_82 = arith.constant 624 : i32
    %mul3A_83 = arith.muli %arg1, %mul3A_82 : i32
    %mul3A_84 = arith.constant 10000 : i32
    %mul3A_85 = arith.muli %arg0, %mul3A_84 : i32
    %mul3A_86 = arith.constant 624 : i32
    %mul3A_87 = arith.muli %arg1, %mul3A_86 : i32
    %add3A_88 = arith.addi %mul3A_85, %mul3A_87 : i32
    "tpu.region"() ({
      %run_scoped3A = tpu.sem_alloc : memref<!tpu.dma_semaphore, #tpu.memory_space<semaphore_mem>>
      %dma_start3A_94 = arith.constant 0 : i32
      %dma_start3A_95 = tpu.memref_slice %arg5[%add3A_88, %dma_start3A_94] : memref<20000x128xf32, #tpu.memory_space<hbm>> -> memref<624x128xf32, #tpu.memory_space<hbm>>
      %dma_start3A_96 = arith.constant 0 : i32
      %dma_start3A_97 = tpu.memref_slice %arg17[%mul3A_83, %dma_start3A_96] : memref<10000x128xf32, #tpu.memory_space<vmem_shared>> -> memref<624x128xf32, #tpu.memory_space<vmem_shared>>
      tpu.enqueue_dma source(%dma_start3A_97 : memref<624x128xf32, #tpu.memory_space<vmem_shared>>) target(%dma_start3A_95 : memref<624x128xf32, #tpu.memory_space<hbm>>) target_semaphore(%run_scoped3A : memref<!tpu.dma_semaphore, #tpu.memory_space<semaphore_mem>>)
      %dma_wait3A_98 = arith.constant 0 : i32
      %dma_wait3A_99 = tpu.memref_slice %arg5[%add3A_88, %dma_wait3A_98] : memref<20000x128xf32, #tpu.memory_space<hbm>> -> memref<624x128xf32, #tpu.memory_space<hbm>>
      %dma_wait3A_100 = arith.constant 0 : i32
      %dma_wait3A_101 = tpu.memref_slice %arg17[%mul3A_83, %dma_wait3A_100] : memref<10000x128xf32, #tpu.memory_space<vmem_shared>> -> memref<624x128xf32, #tpu.memory_space<vmem_shared>>
      tpu.wait_dma2 semaphore(%run_scoped3A : memref<!tpu.dma_semaphore, #tpu.memory_space<semaphore_mem>>) src(%dma_wait3A_101 : memref<624x128xf32, #tpu.memory_space<vmem_shared>>) dst(%dma_wait3A_99 : memref<624x128xf32, #tpu.memory_space<hbm>>)
      tpu.yield
    }) : () -> ()
    %eq3A_89 = arith.constant 15 : i32
    %eq3A_90 = arith.cmpi eq, %arg1, %eq3A_89 : i32
    %convert_element_type3A_91 = arith.extui %eq3A_90 : i1 to i32
    %cond3A_92 = arith.constant 0 : i32
    %cond3A_93 = arith.cmpi ne, %convert_element_type3A_91, %cond3A_92 : i32
    scf.if %cond3A_93 {
      %mul3A_94 = arith.constant 10000 : i32
      %mul3A_95 = arith.muli %arg0, %mul3A_94 : i32
      %add3A_96 = arith.constant 9984 : i32
      %add3A_97 = arith.addi %mul3A_95, %add3A_96 : i32
      "tpu.region"() ({
        %run_scoped3A = tpu.sem_alloc : memref<!tpu.dma_semaphore, #tpu.memory_space<semaphore_mem>>
        %dma_start3A_98 = arith.constant 0 : i32
        %dma_start3A_99 = tpu.memref_slice %arg5[%add3A_97, %dma_start3A_98] : memref<20000x128xf32, #tpu.memory_space<hbm>> -> memref<16x128xf32, #tpu.memory_space<hbm>>
        %dma_start3A_100 = arith.constant 9984 : i32
        %dma_start3A_101 = arith.constant 0 : i32
        %dma_start3A_102 = tpu.memref_slice %arg17[%dma_start3A_100, %dma_start3A_101] : memref<10000x128xf32, #tpu.memory_space<vmem_shared>> -> memref<16x128xf32, #tpu.memory_space<vmem_shared>>
        tpu.enqueue_dma source(%dma_start3A_102 : memref<16x128xf32, #tpu.memory_space<vmem_shared>>) target(%dma_start3A_99 : memref<16x128xf32, #tpu.memory_space<hbm>>) target_semaphore(%run_scoped3A : memref<!tpu.dma_semaphore, #tpu.memory_space<semaphore_mem>>)
        %dma_wait3A_103 = arith.constant 0 : i32
        %dma_wait3A_104 = tpu.memref_slice %arg5[%add3A_97, %dma_wait3A_103] : memref<20000x128xf32, #tpu.memory_space<hbm>> -> memref<16x128xf32, #tpu.memory_space<hbm>>
        %dma_wait3A_105 = arith.constant 9984 : i32
        %dma_wait3A_106 = arith.constant 0 : i32
        %dma_wait3A_107 = tpu.memref_slice %arg17[%dma_wait3A_105, %dma_wait3A_106] : memref<10000x128xf32, #tpu.memory_space<vmem_shared>> -> memref<16x128xf32, #tpu.memory_space<vmem_shared>>
        tpu.wait_dma2 semaphore(%run_scoped3A : memref<!tpu.dma_semaphore, #tpu.memory_space<semaphore_mem>>) src(%dma_wait3A_107 : memref<16x128xf32, #tpu.memory_space<vmem_shared>>) dst(%dma_wait3A_104 : memref<16x128xf32, #tpu.memory_space<hbm>>)
        tpu.yield
      }) : () -> ()
    } else {
    }
    return
  }
}

module attributes {stable_mosaic.version = 14 : i64} {
  func.func @_enc_body(%arg0: i32, %arg1: memref<1000x256xf32, #tpu.memory_space<vmem>>, %arg2: memref<256x256xf32, #tpu.memory_space<vmem>>, %arg3: memref<1x256xf32, #tpu.memory_space<vmem>>, %arg4: memref<1x256x128xf32, #tpu.memory_space<vmem>>, %arg5: memref<1x1x128xf32, #tpu.memory_space<vmem>>, %arg6: memref<1000x128xf32, #tpu.memory_space<vmem>>) attributes {dimension_semantics = [#tpu.dimension_semantics<arbitrary>], iteration_bounds = array<i64: 20>, scalar_prefetch = 0 : i64, scratch_operands = 0 : i64, tpu.core_type = #tpu.core_type<tc>, window_params = [{transform_indices = @transform_0, window_bounds = array<i64: 1000, 256>}, {pipeline_mode = #tpu.pipeline_mode<synchronous>, transform_indices = @transform_1, window_bounds = array<i64: 256, 256>}, {pipeline_mode = #tpu.pipeline_mode<synchronous>, transform_indices = @transform_2, window_bounds = array<i64: 1, 256>}, {transform_indices = @transform_3, window_bounds = array<i64: 1, 256, 128>}, {transform_indices = @transform_4, window_bounds = array<i64: 1, 1, 128>}, {transform_indices = @transform_5, window_bounds = array<i64: 1000, 128>}]} {
    %get3A = arith.constant 0 : index
    %get3A_0 = arith.constant 0 : index
    %get3A_1 = vector.load %arg1[%get3A, %get3A_0] : memref<1000x256xf32, #tpu.memory_space<vmem>>, vector<1000x256xf32>
    %get3A_2 = arith.constant 0 : index
    %get3A_3 = arith.constant 0 : index
    %get3A_4 = vector.load %arg2[%get3A_2, %get3A_3] : memref<256x256xf32, #tpu.memory_space<vmem>>, vector<256x256xf32>
    %dot_general3A = arith.constant dense<0.000000e+00> : vector<1000x256xf32>
    %dot_general3A_5 = tpu.matmul %get3A_1, %get3A_4, %dot_general3A {dimension_numbers = #tpu.dot_dimension_numbers<[1], [0], [0], [1], [0, 0, 1, 1], [], []>, transpose_lhs_hint = false} : vector<1000x256xf32>, vector<256x256xf32>, vector<1000x256xf32> -> vector<1000x256xf32>
    %get3A_6 = arith.constant 0 : index
    %get3A_7 = arith.constant 0 : index
    %get3A_8 = vector.load %arg3[%get3A_6, %get3A_7] : memref<1x256xf32, #tpu.memory_space<vmem>>, vector<1x256xf32>
    %add3A = vector.broadcast %get3A_8 : vector<1x256xf32> to vector<1000x256xf32>
    %add3A_9 = arith.addf %dot_general3A_5, %add3A : vector<1000x256xf32>
    %max3A = arith.constant 0.000000e+00 : f32
    %max3A_10 = vector.broadcast %max3A : f32 to vector<1000x256xf32>
    %max3A_11 = arith.maximumf %add3A_9, %max3A_10 : vector<1000x256xf32>
    %get3A_12 = arith.constant 0 : index
    %get3A_13 = arith.constant 0 : index
    %get3A_14 = arith.constant 0 : index
    %get3A_15 = vector.load %arg4[%get3A_12, %get3A_13, %get3A_14] : memref<1x256x128xf32, #tpu.memory_space<vmem>>, vector<1x256x128xf32>
    %get3A_16 = vector.shape_cast %get3A_15 : vector<1x256x128xf32> to vector<256x128xf32>
    %dot_general3A_17 = arith.constant dense<0.000000e+00> : vector<1000x128xf32>
    %dot_general3A_18 = tpu.matmul %max3A_11, %get3A_16, %dot_general3A_17 {dimension_numbers = #tpu.dot_dimension_numbers<[1], [0], [0], [1], [0, 0, 1, 1], [], []>, transpose_lhs_hint = false} : vector<1000x256xf32>, vector<256x128xf32>, vector<1000x128xf32> -> vector<1000x128xf32>
    %get3A_19 = arith.constant 0 : index
    %get3A_20 = arith.constant 0 : index
    %get3A_21 = arith.constant 0 : index
    %get3A_22 = vector.load %arg5[%get3A_19, %get3A_20, %get3A_21] : memref<1x1x128xf32, #tpu.memory_space<vmem>>, vector<1x1x128xf32>
    %get3A_23 = vector.shape_cast %get3A_22 : vector<1x1x128xf32> to vector<1x128xf32>
    %add3A_24 = vector.broadcast %get3A_23 : vector<1x128xf32> to vector<1000x128xf32>
    %add3A_25 = arith.addf %dot_general3A_18, %add3A_24 : vector<1000x128xf32>
    %swap3A = arith.constant 0 : index
    %swap3A_26 = arith.constant 0 : index
    %swap3A_27 = vector.load %arg6[%swap3A, %swap3A_26] : memref<1000x128xf32, #tpu.memory_space<vmem>>, vector<1000x128xf32>
    tpu.vector_store %arg6[%swap3A, %swap3A_26], %add3A_25 {strides = array<i32>} : memref<1000x128xf32, #tpu.memory_space<vmem>>, vector<1000x128xf32>,
    return
  }
  func.func @transform_0(%arg0: i32) -> (i32, i32) {
    %jit3A = arith.constant 10 : i32
    %eq3A = arith.constant 0 : i32
    %eq3A_0 = arith.cmpi eq, %jit3A, %eq3A : i32
    %jit3A_1 = arith.constant 1 : i32
    %select_n3A = arith.select %eq3A_0, %jit3A_1, %jit3A : i32
    %rem3A = arith.remsi %arg0, %select_n3A : i32
    %ne3A = arith.constant 0 : i32
    %ne3A_2 = arith.cmpi ne, %rem3A, %ne3A : i32
    %lt3A = arith.constant 0 : i32
    %lt3A_3 = arith.cmpi slt, %rem3A, %lt3A : i32
    %lt3A_4 = arith.constant 0 : i32
    %lt3A_5 = arith.cmpi slt, %select_n3A, %lt3A_4 : i32
    %ne3A_6 = arith.xori %lt3A_3, %lt3A_5 : i1
    %and3A = arith.andi %ne3A_6, %ne3A_2 : i1
    %add3A = arith.addi %rem3A, %select_n3A : i32
    %select_n3A_7 = arith.select %and3A, %add3A, %rem3A : i32
    %c0_i32 = arith.constant 0 : i32
    %c0_i32_8 = arith.constant 0 : i32
    return %select_n3A_7, %c0_i32 : i32, i32
  }
  func.func @transform_1(%arg0: i32) -> (i32, i32) {
    %c0_i32 = arith.constant 0 : i32
    %c0_i32_0 = arith.constant 0 : i32
    %c0_i32_1 = arith.constant 0 : i32
    return %c0_i32, %c0_i32_0 : i32, i32
  }
  func.func @transform_2(%arg0: i32) -> (i32, i32) {
    %c0_i32 = arith.constant 0 : i32
    %c0_i32_0 = arith.constant 0 : i32
    %c0_i32_1 = arith.constant 0 : i32
    return %c0_i32, %c0_i32_0 : i32, i32
  }
  func.func @transform_3(%arg0: i32) -> (i32, i32, i32) {
    %jit3A = arith.constant 10 : i32
    %div3A = arith.divsi %arg0, %jit3A : i32
    %sign3A = arith.constant 0 : i32
    %sign3A_0 = arith.cmpi sgt, %arg0, %sign3A : i32
    %sign3A_1 = arith.extui %sign3A_0 : i1 to i32
    %sign3A_2 = arith.constant 0 : i32
    %sign3A_3 = arith.cmpi slt, %arg0, %sign3A_2 : i32
    %sign3A_4 = arith.extui %sign3A_3 : i1 to i32
    %sign3A_5 = arith.subi %sign3A_1, %sign3A_4 : i32
    %sign3A_6 = arith.constant 0 : i32
    %sign3A_7 = arith.cmpi sgt, %jit3A, %sign3A_6 : i32
    %sign3A_8 = arith.extui %sign3A_7 : i1 to i32
    %sign3A_9 = arith.constant 0 : i32
    %sign3A_10 = arith.cmpi slt, %jit3A, %sign3A_9 : i32
    %sign3A_11 = arith.extui %sign3A_10 : i1 to i32
    %sign3A_12 = arith.subi %sign3A_8, %sign3A_11 : i32
    %ne3A = arith.cmpi ne, %sign3A_5, %sign3A_12 : i32
    %rem3A = arith.remsi %arg0, %jit3A : i32
    %ne3A_13 = arith.constant 0 : i32
    %ne3A_14 = arith.cmpi ne, %rem3A, %ne3A_13 : i32
    %and3A = arith.andi %ne3A, %ne3A_14 : i1
    %sub3A = arith.constant 1 : i32
    %sub3A_15 = arith.subi %div3A, %sub3A : i32
    %select_n3A = arith.select %and3A, %sub3A_15, %div3A : i32
    %c0_i32 = arith.constant 0 : i32
    %c0_i32_16 = arith.constant 0 : i32
    %c0_i32_17 = arith.constant 0 : i32
    return %select_n3A, %c0_i32, %c0_i32_16 : i32, i32, i32
  }
  func.func @transform_4(%arg0: i32) -> (i32, i32, i32) {
    %jit3A = arith.constant 10 : i32
    %div3A = arith.divsi %arg0, %jit3A : i32
    %sign3A = arith.constant 0 : i32
    %sign3A_0 = arith.cmpi sgt, %arg0, %sign3A : i32
    %sign3A_1 = arith.extui %sign3A_0 : i1 to i32
    %sign3A_2 = arith.constant 0 : i32
    %sign3A_3 = arith.cmpi slt, %arg0, %sign3A_2 : i32
    %sign3A_4 = arith.extui %sign3A_3 : i1 to i32
    %sign3A_5 = arith.subi %sign3A_1, %sign3A_4 : i32
    %sign3A_6 = arith.constant 0 : i32
    %sign3A_7 = arith.cmpi sgt, %jit3A, %sign3A_6 : i32
    %sign3A_8 = arith.extui %sign3A_7 : i1 to i32
    %sign3A_9 = arith.constant 0 : i32
    %sign3A_10 = arith.cmpi slt, %jit3A, %sign3A_9 : i32
    %sign3A_11 = arith.extui %sign3A_10 : i1 to i32
    %sign3A_12 = arith.subi %sign3A_8, %sign3A_11 : i32
    %ne3A = arith.cmpi ne, %sign3A_5, %sign3A_12 : i32
    %rem3A = arith.remsi %arg0, %jit3A : i32
    %ne3A_13 = arith.constant 0 : i32
    %ne3A_14 = arith.cmpi ne, %rem3A, %ne3A_13 : i32
    %and3A = arith.andi %ne3A, %ne3A_14 : i1
    %sub3A = arith.constant 1 : i32
    %sub3A_15 = arith.subi %div3A, %sub3A : i32
    %select_n3A = arith.select %and3A, %sub3A_15, %div3A : i32
    %c0_i32 = arith.constant 0 : i32
    %c0_i32_16 = arith.constant 0 : i32
    %c0_i32_17 = arith.constant 0 : i32
    return %select_n3A, %c0_i32, %c0_i32_16 : i32, i32, i32
  }
  func.func @transform_5(%arg0: i32) -> (i32, i32) {
    %c0_i32 = arith.constant 0 : i32
    %c0_i32_0 = arith.constant 0 : i32
    return %arg0, %c0_i32 : i32, i32
  }
}

module attributes {stable_mosaic.version = 14 : i64} {
  func.func @_mlp_body(%arg0: i32, %arg1: memref<1000x128xf32, #tpu.memory_space<vmem>>, %arg2: memref<1000x128xf32, #tpu.memory_space<vmem>>, %arg3: memref<1000x128xf32, #tpu.memory_space<vmem>>, %arg4: memref<1000x128xf32, #tpu.memory_space<vmem>>, %arg5: memref<256x256xf32, #tpu.memory_space<vmem>>, %arg6: memref<1x256xf32, #tpu.memory_space<vmem>>, %arg7: memref<1x256x128xf32, #tpu.memory_space<vmem>>, %arg8: memref<1x1x128xf32, #tpu.memory_space<vmem>>, %arg9: memref<1000x128xf32, #tpu.memory_space<vmem>>) attributes {dimension_semantics = [#tpu.dimension_semantics<arbitrary>], iteration_bounds = array<i64: 20>, scalar_prefetch = 0 : i64, scratch_operands = 0 : i64, tpu.core_type = #tpu.core_type<tc>, window_params = [{transform_indices = @transform_0, window_bounds = array<i64: 1000, 128>}, {transform_indices = @transform_1, window_bounds = array<i64: 1000, 128>}, {transform_indices = @transform_2, window_bounds = array<i64: 1000, 128>}, {transform_indices = @transform_3, window_bounds = array<i64: 1000, 128>}, {pipeline_mode = #tpu.pipeline_mode<synchronous>, transform_indices = @transform_4, window_bounds = array<i64: 256, 256>}, {pipeline_mode = #tpu.pipeline_mode<synchronous>, transform_indices = @transform_5, window_bounds = array<i64: 1, 256>}, {transform_indices = @transform_6, window_bounds = array<i64: 1, 256, 128>}, {transform_indices = @transform_7, window_bounds = array<i64: 1, 1, 128>}, {transform_indices = @transform_8, window_bounds = array<i64: 1000, 128>}]} {
    %get3A = arith.constant 0 : index
    %get3A_0 = arith.constant 0 : index
    %get3A_1 = vector.load %arg1[%get3A, %get3A_0] : memref<1000x128xf32, #tpu.memory_space<vmem>>, vector<1000x128xf32>
    %get3A_2 = arith.constant 0 : index
    %get3A_3 = arith.constant 0 : index
    %get3A_4 = vector.load %arg3[%get3A_2, %get3A_3] : memref<1000x128xf32, #tpu.memory_space<vmem>>, vector<1000x128xf32>
    %add3A = arith.addf %get3A_1, %get3A_4 : vector<1000x128xf32>
    %get3A_5 = arith.constant 0 : index
    %get3A_6 = arith.constant 0 : index
    %get3A_7 = vector.load %arg2[%get3A_5, %get3A_6] : memref<1000x128xf32, #tpu.memory_space<vmem>>, vector<1000x128xf32>
    %get3A_8 = arith.constant 0 : index
    %get3A_9 = arith.constant 0 : index
    %get3A_10 = vector.load %arg4[%get3A_8, %get3A_9] : memref<1000x128xf32, #tpu.memory_space<vmem>>, vector<1000x128xf32>
    %add3A_11 = arith.addf %get3A_7, %get3A_10 : vector<1000x128xf32>
    %get3A_12 = arith.constant 0 : index
    %get3A_13 = arith.constant 0 : index
    %get3A_14 = vector.load %arg5[%get3A_12, %get3A_13] : memref<256x256xf32, #tpu.memory_space<vmem>>, vector<128x256xf32>
    %dot_general3A = arith.constant dense<0.000000e+00> : vector<1000x256xf32>
    %dot_general3A_15 = tpu.matmul %add3A, %get3A_14, %dot_general3A {dimension_numbers = #tpu.dot_dimension_numbers<[1], [0], [0], [1], [0, 0, 1, 1], [], []>, transpose_lhs_hint = false} : vector<1000x128xf32>, vector<128x256xf32>, vector<1000x256xf32> -> vector<1000x256xf32>
    %get3A_16 = arith.constant 128 : index
    %get3A_17 = arith.constant 0 : index
    %get3A_18 = vector.load %arg5[%get3A_16, %get3A_17] : memref<256x256xf32, #tpu.memory_space<vmem>>, vector<128x256xf32>
    %dot_general3A_19 = arith.constant dense<0.000000e+00> : vector<1000x256xf32>
    %dot_general3A_20 = tpu.matmul %add3A_11, %get3A_18, %dot_general3A_19 {dimension_numbers = #tpu.dot_dimension_numbers<[1], [0], [0], [1], [0, 0, 1, 1], [], []>, transpose_lhs_hint = false} : vector<1000x128xf32>, vector<128x256xf32>, vector<1000x256xf32> -> vector<1000x256xf32>
    %add3A_21 = arith.addf %dot_general3A_15, %dot_general3A_20 : vector<1000x256xf32>
    %get3A_22 = arith.constant 0 : index
    %get3A_23 = arith.constant 0 : index
    %get3A_24 = vector.load %arg6[%get3A_22, %get3A_23] : memref<1x256xf32, #tpu.memory_space<vmem>>, vector<1x256xf32>
    %add3A_25 = vector.broadcast %get3A_24 : vector<1x256xf32> to vector<1000x256xf32>
    %add3A_26 = arith.addf %add3A_21, %add3A_25 : vector<1000x256xf32>
    %max3A = arith.constant 0.000000e+00 : f32
    %max3A_27 = vector.broadcast %max3A : f32 to vector<1000x256xf32>
    %max3A_28 = arith.maximumf %add3A_26, %max3A_27 : vector<1000x256xf32>
    %get3A_29 = arith.constant 0 : index
    %get3A_30 = arith.constant 0 : index
    %get3A_31 = arith.constant 0 : index
    %get3A_32 = vector.load %arg7[%get3A_29, %get3A_30, %get3A_31] : memref<1x256x128xf32, #tpu.memory_space<vmem>>, vector<1x256x128xf32>
    %get3A_33 = vector.shape_cast %get3A_32 : vector<1x256x128xf32> to vector<256x128xf32>
    %dot_general3A_34 = arith.constant dense<0.000000e+00> : vector<1000x128xf32>
    %dot_general3A_35 = tpu.matmul %max3A_28, %get3A_33, %dot_general3A_34 {dimension_numbers = #tpu.dot_dimension_numbers<[1], [0], [0], [1], [0, 0, 1, 1], [], []>, transpose_lhs_hint = false} : vector<1000x256xf32>, vector<256x128xf32>, vector<1000x128xf32> -> vector<1000x128xf32>
    %get3A_36 = arith.constant 0 : index
    %get3A_37 = arith.constant 0 : index
    %get3A_38 = arith.constant 0 : index
    %get3A_39 = vector.load %arg8[%get3A_36, %get3A_37, %get3A_38] : memref<1x1x128xf32, #tpu.memory_space<vmem>>, vector<1x1x128xf32>
    %get3A_40 = vector.shape_cast %get3A_39 : vector<1x1x128xf32> to vector<1x128xf32>
    %add3A_41 = vector.broadcast %get3A_40 : vector<1x128xf32> to vector<1000x128xf32>
    %add3A_42 = arith.addf %dot_general3A_35, %add3A_41 : vector<1000x128xf32>
    %max3A_43 = arith.constant 0.000000e+00 : f32
    %max3A_44 = vector.broadcast %max3A_43 : f32 to vector<1000x128xf32>
    %max3A_45 = arith.maximumf %add3A_42, %max3A_44 : vector<1000x128xf32>
    %swap3A = arith.constant 0 : index
    %swap3A_46 = arith.constant 0 : index
    %swap3A_47 = vector.load %arg9[%swap3A, %swap3A_46] : memref<1000x128xf32, #tpu.memory_space<vmem>>, vector<1000x128xf32>
    tpu.vector_store %arg9[%swap3A, %swap3A_46], %max3A_45 {strides = array<i32>} : memref<1000x128xf32, #tpu.memory_space<vmem>>, vector<1000x128xf32>,
    return
  }
  func.func @transform_0(%arg0: i32) -> (i32, i32) {
    %jit3A = arith.constant 10 : i32
    %eq3A = arith.constant 0 : i32
    %eq3A_0 = arith.cmpi eq, %jit3A, %eq3A : i32
    %jit3A_1 = arith.constant 1 : i32
    %select_n3A = arith.select %eq3A_0, %jit3A_1, %jit3A : i32
    %rem3A = arith.remsi %arg0, %select_n3A : i32
    %ne3A = arith.constant 0 : i32
    %ne3A_2 = arith.cmpi ne, %rem3A, %ne3A : i32
    %lt3A = arith.constant 0 : i32
    %lt3A_3 = arith.cmpi slt, %rem3A, %lt3A : i32
    %lt3A_4 = arith.constant 0 : i32
    %lt3A_5 = arith.cmpi slt, %select_n3A, %lt3A_4 : i32
    %ne3A_6 = arith.xori %lt3A_3, %lt3A_5 : i1
    %and3A = arith.andi %ne3A_6, %ne3A_2 : i1
    %add3A = arith.addi %rem3A, %select_n3A : i32
    %select_n3A_7 = arith.select %and3A, %add3A, %rem3A : i32
    %c0_i32 = arith.constant 0 : i32
    %c0_i32_8 = arith.constant 0 : i32
    return %select_n3A_7, %c0_i32 : i32, i32
  }
  func.func @transform_1(%arg0: i32) -> (i32, i32) {
    %jit3A = arith.constant 10 : i32
    %eq3A = arith.constant 0 : i32
    %eq3A_0 = arith.cmpi eq, %jit3A, %eq3A : i32
    %jit3A_1 = arith.constant 1 : i32
    %select_n3A = arith.select %eq3A_0, %jit3A_1, %jit3A : i32
    %rem3A = arith.remsi %arg0, %select_n3A : i32
    %ne3A = arith.constant 0 : i32
    %ne3A_2 = arith.cmpi ne, %rem3A, %ne3A : i32
    %lt3A = arith.constant 0 : i32
    %lt3A_3 = arith.cmpi slt, %rem3A, %lt3A : i32
    %lt3A_4 = arith.constant 0 : i32
    %lt3A_5 = arith.cmpi slt, %select_n3A, %lt3A_4 : i32
    %ne3A_6 = arith.xori %lt3A_3, %lt3A_5 : i1
    %and3A = arith.andi %ne3A_6, %ne3A_2 : i1
    %add3A = arith.addi %rem3A, %select_n3A : i32
    %select_n3A_7 = arith.select %and3A, %add3A, %rem3A : i32
    %add3A_8 = arith.constant 10 : i32
    %add3A_9 = arith.addi %select_n3A_7, %add3A_8 : i32
    %c0_i32 = arith.constant 0 : i32
    %c0_i32_10 = arith.constant 0 : i32
    return %add3A_9, %c0_i32 : i32, i32
  }
  func.func @transform_2(%arg0: i32) -> (i32, i32) {
    %jit3A = arith.constant 10 : i32
    %eq3A = arith.constant 0 : i32
    %eq3A_0 = arith.cmpi eq, %jit3A, %eq3A : i32
    %jit3A_1 = arith.constant 1 : i32
    %select_n3A = arith.select %eq3A_0, %jit3A_1, %jit3A : i32
    %rem3A = arith.remsi %arg0, %select_n3A : i32
    %ne3A = arith.constant 0 : i32
    %ne3A_2 = arith.cmpi ne, %rem3A, %ne3A : i32
    %lt3A = arith.constant 0 : i32
    %lt3A_3 = arith.cmpi slt, %rem3A, %lt3A : i32
    %lt3A_4 = arith.constant 0 : i32
    %lt3A_5 = arith.cmpi slt, %select_n3A, %lt3A_4 : i32
    %ne3A_6 = arith.xori %lt3A_3, %lt3A_5 : i1
    %and3A = arith.andi %ne3A_6, %ne3A_2 : i1
    %add3A = arith.addi %rem3A, %select_n3A : i32
    %select_n3A_7 = arith.select %and3A, %add3A, %rem3A : i32
    %c0_i32 = arith.constant 0 : i32
    %c0_i32_8 = arith.constant 0 : i32
    return %select_n3A_7, %c0_i32 : i32, i32
  }
  func.func @transform_3(%arg0: i32) -> (i32, i32) {
    %jit3A = arith.constant 10 : i32
    %eq3A = arith.constant 0 : i32
    %eq3A_0 = arith.cmpi eq, %jit3A, %eq3A : i32
    %jit3A_1 = arith.constant 1 : i32
    %select_n3A = arith.select %eq3A_0, %jit3A_1, %jit3A : i32
    %rem3A = arith.remsi %arg0, %select_n3A : i32
    %ne3A = arith.constant 0 : i32
    %ne3A_2 = arith.cmpi ne, %rem3A, %ne3A : i32
    %lt3A = arith.constant 0 : i32
    %lt3A_3 = arith.cmpi slt, %rem3A, %lt3A : i32
    %lt3A_4 = arith.constant 0 : i32
    %lt3A_5 = arith.cmpi slt, %select_n3A, %lt3A_4 : i32
    %ne3A_6 = arith.xori %lt3A_3, %lt3A_5 : i1
    %and3A = arith.andi %ne3A_6, %ne3A_2 : i1
    %add3A = arith.addi %rem3A, %select_n3A : i32
    %select_n3A_7 = arith.select %and3A, %add3A, %rem3A : i32
    %add3A_8 = arith.constant 10 : i32
    %add3A_9 = arith.addi %select_n3A_7, %add3A_8 : i32
    %c0_i32 = arith.constant 0 : i32
    %c0_i32_10 = arith.constant 0 : i32
    return %add3A_9, %c0_i32 : i32, i32
  }
  func.func @transform_4(%arg0: i32) -> (i32, i32) {
    %c0_i32 = arith.constant 0 : i32
    %c0_i32_0 = arith.constant 0 : i32
    %c0_i32_1 = arith.constant 0 : i32
    return %c0_i32, %c0_i32_0 : i32, i32
  }
  func.func @transform_5(%arg0: i32) -> (i32, i32) {
    %c0_i32 = arith.constant 0 : i32
    %c0_i32_0 = arith.constant 0 : i32
    %c0_i32_1 = arith.constant 0 : i32
    return %c0_i32, %c0_i32_0 : i32, i32
  }
  func.func @transform_6(%arg0: i32) -> (i32, i32, i32) {
    %jit3A = arith.constant 10 : i32
    %div3A = arith.divsi %arg0, %jit3A : i32
    %sign3A = arith.constant 0 : i32
    %sign3A_0 = arith.cmpi sgt, %arg0, %sign3A : i32
    %sign3A_1 = arith.extui %sign3A_0 : i1 to i32
    %sign3A_2 = arith.constant 0 : i32
    %sign3A_3 = arith.cmpi slt, %arg0, %sign3A_2 : i32
    %sign3A_4 = arith.extui %sign3A_3 : i1 to i32
    %sign3A_5 = arith.subi %sign3A_1, %sign3A_4 : i32
    %sign3A_6 = arith.constant 0 : i32
    %sign3A_7 = arith.cmpi sgt, %jit3A, %sign3A_6 : i32
    %sign3A_8 = arith.extui %sign3A_7 : i1 to i32
    %sign3A_9 = arith.constant 0 : i32
    %sign3A_10 = arith.cmpi slt, %jit3A, %sign3A_9 : i32
    %sign3A_11 = arith.extui %sign3A_10 : i1 to i32
    %sign3A_12 = arith.subi %sign3A_8, %sign3A_11 : i32
    %ne3A = arith.cmpi ne, %sign3A_5, %sign3A_12 : i32
    %rem3A = arith.remsi %arg0, %jit3A : i32
    %ne3A_13 = arith.constant 0 : i32
    %ne3A_14 = arith.cmpi ne, %rem3A, %ne3A_13 : i32
    %and3A = arith.andi %ne3A, %ne3A_14 : i1
    %sub3A = arith.constant 1 : i32
    %sub3A_15 = arith.subi %div3A, %sub3A : i32
    %select_n3A = arith.select %and3A, %sub3A_15, %div3A : i32
    %c0_i32 = arith.constant 0 : i32
    %c0_i32_16 = arith.constant 0 : i32
    %c0_i32_17 = arith.constant 0 : i32
    return %select_n3A, %c0_i32, %c0_i32_16 : i32, i32, i32
  }
  func.func @transform_7(%arg0: i32) -> (i32, i32, i32) {
    %jit3A = arith.constant 10 : i32
    %div3A = arith.divsi %arg0, %jit3A : i32
    %sign3A = arith.constant 0 : i32
    %sign3A_0 = arith.cmpi sgt, %arg0, %sign3A : i32
    %sign3A_1 = arith.extui %sign3A_0 : i1 to i32
    %sign3A_2 = arith.constant 0 : i32
    %sign3A_3 = arith.cmpi slt, %arg0, %sign3A_2 : i32
    %sign3A_4 = arith.extui %sign3A_3 : i1 to i32
    %sign3A_5 = arith.subi %sign3A_1, %sign3A_4 : i32
    %sign3A_6 = arith.constant 0 : i32
    %sign3A_7 = arith.cmpi sgt, %jit3A, %sign3A_6 : i32
    %sign3A_8 = arith.extui %sign3A_7 : i1 to i32
    %sign3A_9 = arith.constant 0 : i32
    %sign3A_10 = arith.cmpi slt, %jit3A, %sign3A_9 : i32
    %sign3A_11 = arith.extui %sign3A_10 : i1 to i32
    %sign3A_12 = arith.subi %sign3A_8, %sign3A_11 : i32
    %ne3A = arith.cmpi ne, %sign3A_5, %sign3A_12 : i32
    %rem3A = arith.remsi %arg0, %jit3A : i32
    %ne3A_13 = arith.constant 0 : i32
    %ne3A_14 = arith.cmpi ne, %rem3A, %ne3A_13 : i32
    %and3A = arith.andi %ne3A, %ne3A_14 : i1
    %sub3A = arith.constant 1 : i32
    %sub3A_15 = arith.subi %div3A, %sub3A : i32
    %select_n3A = arith.select %and3A, %sub3A_15, %div3A : i32
    %c0_i32 = arith.constant 0 : i32
    %c0_i32_16 = arith.constant 0 : i32
    %c0_i32_17 = arith.constant 0 : i32
    return %select_n3A, %c0_i32, %c0_i32_16 : i32, i32, i32
  }
  func.func @transform_8(%arg0: i32) -> (i32, i32) {
    %c0_i32 = arith.constant 0 : i32
    %c0_i32_0 = arith.constant 0 : i32
    return %arg0, %c0_i32 : i32, i32
  }
}

module attributes {stable_mosaic.version = 14 : i64} {
  func.func @_readout_body(%arg0: i32, %arg1: memref<1000x128xf32, #tpu.memory_space<vmem>>, %arg2: memref<1000x128xf32, #tpu.memory_space<vmem>>, %arg3: memref<1000x128xf32, #tpu.memory_space<vmem>>, %arg4: memref<1000x128xf32, #tpu.memory_space<vmem>>, %arg5: memref<256x256xf32, #tpu.memory_space<vmem>>, %arg6: memref<1x256xf32, #tpu.memory_space<vmem>>, %arg7: memref<256x256xf32, #tpu.memory_space<vmem>>, %arg8: memref<1x256xf32, #tpu.memory_space<vmem>>, %arg9: memref<256x128xf32, #tpu.memory_space<vmem>>, %arg10: memref<1x128xf32, #tpu.memory_space<vmem>>, %arg11: memref<128x128xf32, #tpu.memory_space<vmem>>, %arg12: memref<1x128xf32, #tpu.memory_space<vmem>>, %arg13: memref<1x1x1000xi32, #tpu.memory_space<vmem>>, %arg14: memref<64x128xf32, #tpu.memory_space<vmem>>) attributes {dimension_semantics = [#tpu.dimension_semantics<arbitrary>], iteration_bounds = array<i64: 10>, scalar_prefetch = 0 : i64, scratch_operands = 0 : i64, tpu.core_type = #tpu.core_type<tc>, window_params = [{transform_indices = @transform_0, window_bounds = array<i64: 1000, 128>}, {transform_indices = @transform_1, window_bounds = array<i64: 1000, 128>}, {transform_indices = @transform_2, window_bounds = array<i64: 1000, 128>}, {transform_indices = @transform_3, window_bounds = array<i64: 1000, 128>}, {pipeline_mode = #tpu.pipeline_mode<synchronous>, transform_indices = @transform_4, window_bounds = array<i64: 256, 256>}, {pipeline_mode = #tpu.pipeline_mode<synchronous>, transform_indices = @transform_5, window_bounds = array<i64: 1, 256>}, {pipeline_mode = #tpu.pipeline_mode<synchronous>, transform_indices = @transform_6, window_bounds = array<i64: 256, 256>}, {pipeline_mode = #tpu.pipeline_mode<synchronous>, transform_indices = @transform_7, window_bounds = array<i64: 1, 256>}, {pipeline_mode = #tpu.pipeline_mode<synchronous>, transform_indices = @transform_8, window_bounds = array<i64: 256, 128>}, {pipeline_mode = #tpu.pipeline_mode<synchronous>, transform_indices = @transform_9, window_bounds = array<i64: 1, 128>}, {pipeline_mode = #tpu.pipeline_mode<synchronous>, transform_indices = @transform_10, window_bounds = array<i64: 128, 128>}, {pipeline_mode = #tpu.pipeline_mode<synchronous>, transform_indices = @transform_11, window_bounds = array<i64: 1, 128>}, {transform_indices = @transform_12, window_bounds = array<i64: 1, 1, 1000>}, {pipeline_mode = #tpu.pipeline_mode<synchronous>, transform_indices = @transform_13, window_bounds = array<i64: 64, 128>}]} {
    %get3A = arith.constant 0 : index
    %get3A_0 = arith.constant 0 : index
    %get3A_1 = vector.load %arg1[%get3A, %get3A_0] : memref<1000x128xf32, #tpu.memory_space<vmem>>, vector<1000x128xf32>
    %get3A_2 = arith.constant 0 : index
    %get3A_3 = arith.constant 0 : index
    %get3A_4 = vector.load %arg3[%get3A_2, %get3A_3] : memref<1000x128xf32, #tpu.memory_space<vmem>>, vector<1000x128xf32>
    %add3A = arith.addf %get3A_1, %get3A_4 : vector<1000x128xf32>
    %get3A_5 = arith.constant 0 : index
    %get3A_6 = arith.constant 0 : index
    %get3A_7 = vector.load %arg2[%get3A_5, %get3A_6] : memref<1000x128xf32, #tpu.memory_space<vmem>>, vector<1000x128xf32>
    %get3A_8 = arith.constant 0 : index
    %get3A_9 = arith.constant 0 : index
    %get3A_10 = vector.load %arg4[%get3A_8, %get3A_9] : memref<1000x128xf32, #tpu.memory_space<vmem>>, vector<1000x128xf32>
    %add3A_11 = arith.addf %get3A_7, %get3A_10 : vector<1000x128xf32>
    %get3A_12 = arith.constant 0 : index
    %get3A_13 = arith.constant 0 : index
    %get3A_14 = vector.load %arg5[%get3A_12, %get3A_13] : memref<256x256xf32, #tpu.memory_space<vmem>>, vector<128x256xf32>
    %dot_general3A = arith.constant dense<0.000000e+00> : vector<1000x256xf32>
    %dot_general3A_15 = tpu.matmul %add3A, %get3A_14, %dot_general3A {dimension_numbers = #tpu.dot_dimension_numbers<[1], [0], [0], [1], [0, 0, 1, 1], [], []>, transpose_lhs_hint = false} : vector<1000x128xf32>, vector<128x256xf32>, vector<1000x256xf32> -> vector<1000x256xf32>
    %get3A_16 = arith.constant 128 : index
    %get3A_17 = arith.constant 0 : index
    %get3A_18 = vector.load %arg5[%get3A_16, %get3A_17] : memref<256x256xf32, #tpu.memory_space<vmem>>, vector<128x256xf32>
    %dot_general3A_19 = arith.constant dense<0.000000e+00> : vector<1000x256xf32>
    %dot_general3A_20 = tpu.matmul %add3A_11, %get3A_18, %dot_general3A_19 {dimension_numbers = #tpu.dot_dimension_numbers<[1], [0], [0], [1], [0, 0, 1, 1], [], []>, transpose_lhs_hint = false} : vector<1000x128xf32>, vector<128x256xf32>, vector<1000x256xf32> -> vector<1000x256xf32>
    %add3A_21 = arith.addf %dot_general3A_15, %dot_general3A_20 : vector<1000x256xf32>
    %get3A_22 = arith.constant 0 : index
    %get3A_23 = arith.constant 0 : index
    %get3A_24 = vector.load %arg6[%get3A_22, %get3A_23] : memref<1x256xf32, #tpu.memory_space<vmem>>, vector<1x256xf32>
    %add3A_25 = vector.broadcast %get3A_24 : vector<1x256xf32> to vector<1000x256xf32>
    %add3A_26 = arith.addf %add3A_21, %add3A_25 : vector<1000x256xf32>
    %max3A = arith.constant 0.000000e+00 : f32
    %max3A_27 = vector.broadcast %max3A : f32 to vector<1000x256xf32>
    %max3A_28 = arith.maximumf %add3A_26, %max3A_27 : vector<1000x256xf32>
    %get3A_29 = arith.constant 0 : index
    %get3A_30 = arith.constant 0 : index
    %get3A_31 = vector.load %arg7[%get3A_29, %get3A_30] : memref<256x256xf32, #tpu.memory_space<vmem>>, vector<256x256xf32>
    %dot_general3A_32 = arith.constant dense<0.000000e+00> : vector<1000x256xf32>
    %dot_general3A_33 = tpu.matmul %max3A_28, %get3A_31, %dot_general3A_32 {dimension_numbers = #tpu.dot_dimension_numbers<[1], [0], [0], [1], [0, 0, 1, 1], [], []>, transpose_lhs_hint = false} : vector<1000x256xf32>, vector<256x256xf32>, vector<1000x256xf32> -> vector<1000x256xf32>
    %get3A_34 = arith.constant 0 : index
    %get3A_35 = arith.constant 0 : index
    %get3A_36 = vector.load %arg8[%get3A_34, %get3A_35] : memref<1x256xf32, #tpu.memory_space<vmem>>, vector<1x256xf32>
    %add3A_37 = vector.broadcast %get3A_36 : vector<1x256xf32> to vector<1000x256xf32>
    %add3A_38 = arith.addf %dot_general3A_33, %add3A_37 : vector<1000x256xf32>
    %max3A_39 = arith.constant 0.000000e+00 : f32
    %max3A_40 = vector.broadcast %max3A_39 : f32 to vector<1000x256xf32>
    %max3A_41 = arith.maximumf %add3A_38, %max3A_40 : vector<1000x256xf32>
    %slice3A = vector.extract_strided_slice %max3A_41 {offsets = [0, 0], sizes = [1000, 128], strides = [1, 1]} : vector<1000x256xf32> to vector<1000x128xf32>
    %get3A_42 = arith.constant 0 : index
    %get3A_43 = arith.constant 0 : index
    %get3A_44 = vector.load %arg9[%get3A_42, %get3A_43] : memref<256x128xf32, #tpu.memory_space<vmem>>, vector<128x128xf32>
    %dot_general3A_45 = arith.constant dense<0.000000e+00> : vector<1000x128xf32>
    %dot_general3A_46 = tpu.matmul %slice3A, %get3A_44, %dot_general3A_45 {dimension_numbers = #tpu.dot_dimension_numbers<[1], [0], [0], [1], [0, 0, 1, 1], [], []>, transpose_lhs_hint = false} : vector<1000x128xf32>, vector<128x128xf32>, vector<1000x128xf32> -> vector<1000x128xf32>
    %slice3A_47 = vector.extract_strided_slice %max3A_41 {offsets = [0, 128], sizes = [1000, 128], strides = [1, 1]} : vector<1000x256xf32> to vector<1000x128xf32>
    %get3A_48 = arith.constant 128 : index
    %get3A_49 = arith.constant 0 : index
    %get3A_50 = vector.load %arg9[%get3A_48, %get3A_49] : memref<256x128xf32, #tpu.memory_space<vmem>>, vector<128x128xf32>
    %dot_general3A_51 = arith.constant dense<0.000000e+00> : vector<1000x128xf32>
    %dot_general3A_52 = tpu.matmul %slice3A_47, %get3A_50, %dot_general3A_51 {dimension_numbers = #tpu.dot_dimension_numbers<[1], [0], [0], [1], [0, 0, 1, 1], [], []>, transpose_lhs_hint = false} : vector<1000x128xf32>, vector<128x128xf32>, vector<1000x128xf32> -> vector<1000x128xf32>
    %add3A_53 = arith.addf %dot_general3A_46, %dot_general3A_52 : vector<1000x128xf32>
    %get3A_54 = arith.constant 0 : index
    %get3A_55 = arith.constant 0 : index
    %get3A_56 = vector.load %arg10[%get3A_54, %get3A_55] : memref<1x128xf32, #tpu.memory_space<vmem>>, vector<1x128xf32>
    %add3A_57 = vector.broadcast %get3A_56 : vector<1x128xf32> to vector<1000x128xf32>
    %add3A_58 = arith.addf %add3A_53, %add3A_57 : vector<1000x128xf32>
    %max3A_59 = arith.constant 0.000000e+00 : f32
    %max3A_60 = vector.broadcast %max3A_59 : f32 to vector<1000x128xf32>
    %max3A_61 = arith.maximumf %add3A_58, %max3A_60 : vector<1000x128xf32>
    %get3A_62 = arith.constant 0 : index
    %get3A_63 = arith.constant 0 : index
    %get3A_64 = vector.load %arg11[%get3A_62, %get3A_63] : memref<128x128xf32, #tpu.memory_space<vmem>>, vector<128x128xf32>
    %dot_general3A_65 = arith.constant dense<0.000000e+00> : vector<1000x128xf32>
    %dot_general3A_66 = tpu.matmul %max3A_61, %get3A_64, %dot_general3A_65 {dimension_numbers = #tpu.dot_dimension_numbers<[1], [0], [0], [1], [0, 0, 1, 1], [], []>, transpose_lhs_hint = false} : vector<1000x128xf32>, vector<128x128xf32>, vector<1000x128xf32> -> vector<1000x128xf32>
    %get3A_67 = arith.constant 0 : index
    %get3A_68 = arith.constant 0 : index
    %get3A_69 = vector.load %arg12[%get3A_67, %get3A_68] : memref<1x128xf32, #tpu.memory_space<vmem>>, vector<1x128xf32>
    %add3A_70 = vector.broadcast %get3A_69 : vector<1x128xf32> to vector<1000x128xf32>
    %add3A_71 = arith.addf %dot_general3A_66, %add3A_70 : vector<1000x128xf32>
    %get3A_72 = arith.constant 0 : index
    %get3A_73 = arith.constant 0 : index
    %get3A_74 = arith.constant 0 : index
    %get3A_75 = vector.load %arg13[%get3A_72, %get3A_73, %get3A_74] : memref<1x1x1000xi32, #tpu.memory_space<vmem>>, vector<1x1x1000xi32>
    %get3A_76 = vector.shape_cast %get3A_75 : vector<1x1x1000xi32> to vector<1000xi32>
    %broadcast_in_dim3A = vector.shape_cast %get3A_76 : vector<1000xi32> to vector<1000x1xi32>
    %iota3A = tpu.iota {dimensions = array<i32: 1>} : vector<1000x64xi32>
    %eq3A = vector.broadcast %broadcast_in_dim3A : vector<1000x1xi32> to vector<1000x64xi32>
    %eq3A_77 = arith.cmpi eq, %eq3A, %iota3A : vector<1000x64xi32>
    %convert_element_type3A = arith.extui %eq3A_77 : vector<1000x64xi1> to vector<1000x64xi32>
    %convert_element_type3A_78 = arith.sitofp %convert_element_type3A : vector<1000x64xi32> to vector<1000x64xf32>
    %dot_general3A_79 = arith.constant dense<0.000000e+00> : vector<64x128xf32>
    %dot_general3A_80 = tpu.matmul %convert_element_type3A_78, %add3A_71, %dot_general3A_79 {dimension_numbers = #tpu.dot_dimension_numbers<[0], [0], [1], [1], [0, 1, 1, 1], [], []>, transpose_lhs_hint = false} : vector<1000x64xf32>, vector<1000x128xf32>, vector<64x128xf32> -> vector<64x128xf32>
    %eq3A_81 = arith.constant 0 : i32
    %eq3A_82 = arith.cmpi eq, %arg0, %eq3A_81 : i32
    %convert_element_type3A_83 = arith.extui %eq3A_82 : i1 to i32
    %cond3A = arith.constant 0 : i32
    %cond3A_84 = arith.cmpi ne, %convert_element_type3A_83, %cond3A : i32
    scf.if %cond3A_84 {
      %broadcast_in_dim3A_91 = arith.constant 0.000000e+00 : f32
      %broadcast_in_dim3A_92 = vector.broadcast %broadcast_in_dim3A_91 : f32 to vector<64x128xf32>
      %swap3A_93 = arith.constant 0 : index
      %swap3A_94 = arith.constant 0 : index
      %swap3A_95 = vector.load %arg14[%swap3A_93, %swap3A_94] : memref<64x128xf32, #tpu.memory_space<vmem>>, vector<64x128xf32>
      tpu.vector_store %arg14[%swap3A_93, %swap3A_94], %broadcast_in_dim3A_92 {strides = array<i32>} : memref<64x128xf32, #tpu.memory_space<vmem>>, vector<64x128xf32>,
    } else {
    }
    %get3A_85 = arith.constant 0 : index
    %get3A_86 = arith.constant 0 : index
    %get3A_87 = vector.load %arg14[%get3A_85, %get3A_86] : memref<64x128xf32, #tpu.memory_space<vmem>>, vector<64x128xf32>
    %add3A_88 = arith.addf %get3A_87, %dot_general3A_80 : vector<64x128xf32>
    %swap3A = arith.constant 0 : index
    %swap3A_89 = arith.constant 0 : index
    %swap3A_90 = vector.load %arg14[%swap3A, %swap3A_89] : memref<64x128xf32, #tpu.memory_space<vmem>>, vector<64x128xf32>
    tpu.vector_store %arg14[%swap3A, %swap3A_89], %add3A_88 {strides = array<i32>} : memref<64x128xf32, #tpu.memory_space<vmem>>, vector<64x128xf32>,
    return
  }
  func.func @transform_0(%arg0: i32) -> (i32, i32) {
    %c0_i32 = arith.constant 0 : i32
    %c0_i32_0 = arith.constant 0 : i32
    return %arg0, %c0_i32 : i32, i32
  }
  func.func @transform_1(%arg0: i32) -> (i32, i32) {
    %add3A = arith.constant 10 : i32
    %add3A_0 = arith.addi %arg0, %add3A : i32
    %c0_i32 = arith.constant 0 : i32
    %c0_i32_1 = arith.constant 0 : i32
    return %add3A_0, %c0_i32 : i32, i32
  }
  func.func @transform_2(%arg0: i32) -> (i32, i32) {
    %c0_i32 = arith.constant 0 : i32
    %c0_i32_0 = arith.constant 0 : i32
    return %arg0, %c0_i32 : i32, i32
  }
  func.func @transform_3(%arg0: i32) -> (i32, i32) {
    %add3A = arith.constant 10 : i32
    %add3A_0 = arith.addi %arg0, %add3A : i32
    %c0_i32 = arith.constant 0 : i32
    %c0_i32_1 = arith.constant 0 : i32
    return %add3A_0, %c0_i32 : i32, i32
  }
  func.func @transform_4(%arg0: i32) -> (i32, i32) {
    %c0_i32 = arith.constant 0 : i32
    %c0_i32_0 = arith.constant 0 : i32
    %c0_i32_1 = arith.constant 0 : i32
    return %c0_i32, %c0_i32_0 : i32, i32
  }
  func.func @transform_5(%arg0: i32) -> (i32, i32) {
    %c0_i32 = arith.constant 0 : i32
    %c0_i32_0 = arith.constant 0 : i32
    %c0_i32_1 = arith.constant 0 : i32
    return %c0_i32, %c0_i32_0 : i32, i32
  }
  func.func @transform_6(%arg0: i32) -> (i32, i32) {
    %c0_i32 = arith.constant 0 : i32
    %c0_i32_0 = arith.constant 0 : i32
    %c0_i32_1 = arith.constant 0 : i32
    return %c0_i32, %c0_i32_0 : i32, i32
  }
  func.func @transform_7(%arg0: i32) -> (i32, i32) {
    %c0_i32 = arith.constant 0 : i32
    %c0_i32_0 = arith.constant 0 : i32
    %c0_i32_1 = arith.constant 0 : i32
    return %c0_i32, %c0_i32_0 : i32, i32
  }
  func.func @transform_8(%arg0: i32) -> (i32, i32) {
    %c0_i32 = arith.constant 0 : i32
    %c0_i32_0 = arith.constant 0 : i32
    %c0_i32_1 = arith.constant 0 : i32
    return %c0_i32, %c0_i32_0 : i32, i32
  }
  func.func @transform_9(%arg0: i32) -> (i32, i32) {
    %c0_i32 = arith.constant 0 : i32
    %c0_i32_0 = arith.constant 0 : i32
    %c0_i32_1 = arith.constant 0 : i32
    return %c0_i32, %c0_i32_0 : i32, i32
  }
  func.func @transform_10(%arg0: i32) -> (i32, i32) {
    %c0_i32 = arith.constant 0 : i32
    %c0_i32_0 = arith.constant 0 : i32
    %c0_i32_1 = arith.constant 0 : i32
    return %c0_i32, %c0_i32_0 : i32, i32
  }
  func.func @transform_11(%arg0: i32) -> (i32, i32) {
    %c0_i32 = arith.constant 0 : i32
    %c0_i32_0 = arith.constant 0 : i32
    %c0_i32_1 = arith.constant 0 : i32
    return %c0_i32, %c0_i32_0 : i32, i32
  }
  func.func @transform_12(%arg0: i32) -> (i32, i32, i32) {
    %c0_i32 = arith.constant 0 : i32
    %c0_i32_0 = arith.constant 0 : i32
    %c0_i32_1 = arith.constant 0 : i32
    return %arg0, %c0_i32, %c0_i32_0 : i32, i32, i32
  }
  func.func @transform_13(%arg0: i32) -> (i32, i32) {
    %c0_i32 = arith.constant 0 : i32
    %c0_i32_0 = arith.constant 0 : i32
    %c0_i32_1 = arith.constant 0 : i32
    return %c0_i32, %c0_i32_0 : i32, i32
  }
}

</mosaic_0001>

<sc_bundles>
// kernel: kernel.12.cloned.1.call-start
scs
__scs_entry_jumppad:
0x0: {  	(pc) =	sbr.rel $0x88, $3  }
0x1: {  	(tag) =	ssettag $0x0;
	lr =	simm.s32 $0x1  }
0x2: {  	[smem:$0x3F91] =	sst lr;
	_ =	strace $0xD0000000  }
0x3: {  	_ = 	snop  }
0x4: {  	_ = 	snop  }
0x5: {  	_ = 	snop  }
0x6: {  	_ = 	snop  }
0x7: {  	_ = 	snop  }
__scs_overlays_trampoline_lowered:
0x8: {  	[smem:$0x3FA0] =	sst s0  }
0x9: {  	[smem:$0x3FA1] =	sst s1  }
0xa: {  	[smem:$0x3FA2] =	sst s2  }
0xb: {  	[smem:$0x3FA3] =	sst s3  }
0xc: {  	[smem:$0x3FA4] =	sst s4  }
0xd: {  	[smem:$0x3FA5] =	sst s5  }
0xe: {  	[smem:$0x3FA6] =	sst s6  }
0xf: {  	[smem:$0x3FA7] =	sst s7  }
0x10: {  	[smem:$0x3FA8] =	sst s8  }
0x11: {  	[smem:$0x3FA9] =	sst s9;
	s0 =	simm.s32 @!p0 $0x0  }
0x12: {  	s1 =	sld [smem:$0x3F8F];
	s0 =	simm.s32 @p0 $0x1  }
0x13: {  	[smem:$0x3FAA] =	sst s0;
	s0 =	simm.s32 @!p1 $0x0  }
0x14: {  	s2 =	sld [smem:$0x3F8E];
	s0 =	simm.s32 @p1 $0x1  }
0x15: {  	[smem:$0x3FAB] =	sst s0;
	s0 =	simm.s32 @!p2 $0x0  }
0x16: {  	s3 =	sld [smem:$0x3FDB];
	s0 =	simm.s32 @p2 $0x1  }
0x17: {  	s4 =	simm.s32 $0x1BF5;
	[smem:$0x3FAD] =	sst s0  }
0x18: {  	s0 =	sld [smem:$0x3F90];
	_ =	swait.ge [sflag:s4], $0x0  }
0x19: {  	s7 =	sld [smem:$0x3F91]  }
0x1a: {  	s8 =	sadd.s32 $0xFFFFE003, lr  }
0x1b: {  	s9 =	sadd.s32 $0xFFFFFEF7, lr;
	s5 =	simm.s32 $0xFFFFFFFF;
	p2 =	slt.u32 s8, $0xFFFFF086  }
0x1c: {  	p1 =	slt.u32 s9, $0xF7A;
	s5 =	simm.s32 @!p2 $0x0  }
0x1d: {  	s5 =	simm.s32 @p1 $0x1;
	p0 =	seq.s32 s7, s2  }
0x1e: {  	s7 =	smul.u32 @!p0 $0xF7A, s2;
	p2 =	seq.s32 @!p0 s5, $0x0  }
0x1f: {  	s9 =	smul.u32 $0xF7A, s1;
	s8 =	simm.s32 @!p0 $0x1BF5;
	p2 =	por !p2, p0  }
0x20: {  	[sflag:s8] =	ssyncset.s32 @!p0 $0xFFFFF086;
	s6 =	sadd.s32 @!p0 s3, s7;
	s7 =	simm.s32 @!p0 $0x108  }
0x21: {  	s3 =	sadd.s32 s3, s9;
	s6 =	sadd.s32 @!p0 $0x88, s6;
	s7 =	simm.s32 @p2 $0x1082  }
0x22: {  	[simem:s7], [sflag:s8] =	dma.local @!p0 [hbm:s6], $0xF7A  }
0x23: {  	s9 =	sor.u32 $0xD0000000, s2;
	s6 =	simm.s32 $0x108;
	_ =	swait.ge @!p0 [sflag:s8], $0x0  }
0x24: {  	s3 =	sadd.s32 $0x88, s3;
	s6 =	simm.s32 @!p1 $0x1082;
	[sflag:s4] =	ssyncset.s32 $0xFFFFF086  }
0x25: {  	[simem:s6], [sflag:s4] =	dma.local [hbm:s3], $0xF7A  }
0x26: {  	[smem:$0x3F91] =	sst s1;
	(tag) =	ssettag s2;
	_ =	strace s9  }
0x27: {  	s1 =	sld [smem:$0x3FA1]  }
0x28: {  	s2 =	sld [smem:$0x3FA2]  }
0x29: {  	s4 =	sld [smem:$0x3FA4]  }
0x2a: {  	p0 =	seq.s32 s5, $0x0;
	s5 =	sld [smem:$0x3FA5]  }
0x2b: {  	s6 =	sld [smem:$0x3FA6]  }
0x2c: {  	s7 =	sld [smem:$0x3FA7]  }
0x2d: {  	s3 =	simm.s32 $0x108;
	s8 =	sld [smem:$0x3FA8]  }
0x2e: {  	s3 =	simm.s32 @!p0 $0x1082;
	s9 =	sld [smem:$0x3FA9]  }
0x2f: {  	lr =	sadd.s32 s0, s3;
	s0 =	sld [smem:$0x3FA0]  }
0x30: {  	s3 =	sld [smem:$0x3FA3]  }
0x31: {  	[smem:$0x3FAC] =	sst s10  }
0x32: {  	s10 =	sld [smem:$0x3FAA];
	_ =	sdelay $0x3  }
0x33: {  	p0 =	seq.s32 s10, $0x1;
	s10 =	sld [smem:$0x3FAC];
	_ =	sdelay $0x3  }
0x34: {  	[smem:$0x3FAC] =	sst s10  }
0x35: {  	s10 =	sld [smem:$0x3FAB];
	_ =	sdelay $0x3  }
0x36: {  	p1 =	seq.s32 s10, $0x1;
	s10 =	sld [smem:$0x3FAC];
	_ =	sdelay $0x3  }
0x37: {  	[smem:$0x3FAC] =	sst s10  }
0x38: {  	s10 =	sld [smem:$0x3FAD]  }
0x39: {  	_ = 	snop;
	(pc) =	sbr.ind lr, $3  }
0x3a: {  	_ = 	snop  }
0x3b: {  	_ = 	snop  }
0x3c: {  	p2 =	seq.s32 s10, $0x1;
	s10 =	sld [smem:$0x3FAC]  }
0x3d: {  	_ =	shalt  }
0x3e: {  	_ =	shalt  }
0x3f: {  	_ =	shalt  }
0x40: {  	_ =	shalt  }
0x41: {  	_ =	shalt  }
0x42: {  	_ =	shalt  }
0x43: {  	_ =	shalt  }
0x44: {  	_ =	shalt  }
0x45: {  	_ =	shalt  }
0x46: {  	_ =	shalt  }
0x47: {  	_ =	shalt  }
0x48: {  	_ =	shalt  }
0x49: {  	_ =	shalt  }
0x4a: {  	_ =	shalt  }
0x4b: {  	_ =	shalt  }
0x4c: {  	_ =	shalt  }
0x4d: {  	_ =	shalt  }
0x4e: {  	_ =	shalt  }
0x4f: {  	_ =	shalt  }
0x50: {  	_ =	shalt  }
0x51: {  	_ =	shalt  }
0x52: {  	_ =	shalt  }
0x53: {  	_ =	shalt  }
0x54: {  	_ =	shalt  }
0x55: {  	_ =	shalt  }
0x56: {  	_ =	shalt  }
0x57: {  	_ =	shalt  }
0x58: {  	_ =	shalt  }
0x59: {  	_ =	shalt  }
0x5a: {  	_ =	shalt  }
0x5b: {  	_ =	shalt  }
0x5c: {  	_ =	shalt  }
0x5d: {  	_ =	shalt  }
0x5e: {  	_ =	shalt  }
0x5f: {  	_ =	shalt  }
0x60: {  	_ =	shalt  }
0x61: {  	_ =	shalt  }
0x62: {  	_ =	shalt  }
0x63: {  	_ =	shalt  }
0x64: {  	_ =	shalt  }
0x65: {  	_ =	shalt  }
0x66: {  	_ =	shalt  }
0x67: {  	_ =	shalt  }
0x68: {  	_ =	shalt  }
0x69: {  	_ =	shalt  }
0x6a: {  	_ =	shalt  }
0x6b: {  	_ =	shalt  }
0x6c: {  	_ =	shalt  }
0x6d: {  	_ =	shalt  }
0x6e: {  	_ =	shalt  }
0x6f: {  	_ =	shalt  }
0x70: {  	_ =	shalt  }
0x71: {  	_ =	shalt  }
0x72: {  	_ =	shalt  }
0x73: {  	_ =	shalt  }
0x74: {  	_ =	shalt  }
0x75: {  	_ =	shalt  }
0x76: {  	_ =	shalt  }
0x77: {  	_ =	shalt  }
0x78: {  	_ =	shalt  }
0x79: {  	_ =	shalt  }
0x7a: {  	_ =	shalt  }
0x7b: {  	_ =	shalt  }
0x7c: {  	_ =	shalt  }
0x7d: {  	_ =	shalt  }
0x7e: {  	_ =	shalt  }
0x7f: {  	_ =	shalt  }
0x80: {  	_ =	shalt  }
0x81: {  	_ =	shalt  }
0x82: {  	_ =	shalt  }
0x83: {  	_ =	shalt  }
0x84: {  	_ =	shalt  }
0x85: {  	_ =	shalt  }
0x86: {  	_ =	shalt  }
0x87: {  	_ =	shalt  }
.Lfunc_end0:
.L_simem_size_0:
called_computation.1_lowered:
.L_overlay_start_0:
0x88: {  	s2 =	sld [smem:$0x3FD9]  }
0x89: {  	s3 =	sld [smem:$0x3FFE];
	_ =	sdelay $0x1  }
0x8a: {  	s1 =	srdreg.scid  }
0x8b: {  	s0 =	sand.u32 $0x1, s1  }
0x8c: {  	s16 =	sshll.u32 s0, $0xA;
	s2 =	sadd.s32 s3, s2  }
0x8d: {  	s2 =	sadd.s32 s2, s16  }
0x8e: {  	[smem:$0x3FB8] =	sst s2  }
0x8f: {  	_ = 	snop  }
0x90: {  	(tm) =	ssettm $0x1  }
0x91: {  	s17 =	sld [smem:$0x3FFB];
	_ =	sdelay $0x3  }
0x92: {  	_ =	strace s17  }
0x93: {  	s2 =	sld [smem:$0x3FFC];
	_ =	sdelay $0x3  }
0x94: {  	_ =	strace s2  }
0x95: {  	s2 =	sld [smem:$0x3FFD];
	_ =	sdelay $0x3  }
0x96: {  	_ =	strace s2  }
0x97: {  	_ =	strace $0x8FFFFFFF  }
0x98: {  	s18 =	sld [smem:$0x3FDB];
	_ =	sdelay $0x1  }
0x99: {  	s19 =	simm.s32 $_scs_section_size  }
0x9a: {  	s4 =	simm.s32 $_size__tile_overlayer_lowered;
	s5 =	simm.s32 $_tile_overlayer_lowered  }
0x9b: {  	s22 =	simm.s32 $0x1BFF;
	s21 =	sshll.u32 s5, $0x1;
	s2 =	sadd.s32 s19, s18  }
0x9c: {  	s6 =	simm.s32 $0x0;
	s20 =	sshll.u32 s4, $0x1;
	s4 =	sadd.s32 s21, s2  }
0x9d: {  	[timem:s6], [sflag:s22] =	dma.local [hbm:s4], s20  }
0x9e: {  	_ =	swait.ge [sflag:s22], s20  }
0x9f: {  	s3 =	ssub.s32 $0x0, s20;
	[sflag:s22] =	ssyncset.done $0x0  }
0xa0: {  	[sflag:s22] =	ssyncadd.s32 s3;
	_ =	sdelay $0x1  }
0xa1: {  	s23 =	simm.s32 $0x1B8B  }
0xa2: {  	_ =	swait.ge [sflag:s23], $0x1  }
0xa3: {  	[sflag:s23] =	ssyncset.done $0x0  }
0xa4: {  	s25 =	simm.s32 $0x1B8E;
	s24 =	sld [smem:$0x3FFE];
	[sflag:s23] =	ssyncadd.s32 $0xFFFFFFFF  }
0xa5: {  	s26 =	simm.s32 $execute0_lowered;
	[smem:$0x3FD2] =	sst s25  }
0xa6: {  	s4 =	sshll.u32 s26, $0x1;
	_ =	strace $0x80000049;
	[dreg:$0x1] =	wrdreg $0xFFFFFFFF  }
0xa7: {  	s28 =	simm.s32 $_size_execute0_lowered;
	s2 =	sadd.s32 s2, s4;
	[dreg:$0x0] =	wrdreg $0x0  }
0xa8: {  	s4 =	sshll.u32 s28, $0x1;
	[dreg:$0x2] =	wrdreg s2  }
0xa9: {  	[dreg:$0x3] =	wrdreg s4  }
0xaa: {  	[dreg:$0x4] =	wrdreg $0xC0  }
0xab: {  	_ =	task [dreg:s6], $0x5FFFF  }
0xac: {  	[dreg:$0x1] =	wrdreg $0xFFFFFFFF  }
0xad: {  	[dreg:$0x0] =	wrdreg $0x60  }
0xae: {  	[dreg:$0x2] =	wrdreg s24  }
0xaf: {  	[dreg:$0x3] =	wrdreg $0x5A000  }
0xb0: {  	[dreg:$0x4] =	wrdreg $0x9  }
0xb1: {  	_ =	task.clear_ibuf [dreg:s6], $0x5FFFF;
	_ =	strace $0x90000049  }
0xb2: {  	s29 =	simm.s32 $0x9;
	_ =	strace $0x8000004B  }
0xb3: {  	_ =	swait.ge [sflag:s29], $0x1  }
0xb4: {  	[sflag:s29] =	ssyncadd.s32 $0xFFFFFFFF  }
0xb5: {  	_ =	strace $0x9000004B  }
0xb6: {  	_ =	sfence  }
0xb7: {  	s30 =	sld [smem:$0x0];
	_ =	sdelay $0x2  }
0xb8: {  	s31 =	sshll.u32 s1, $0xD;
	s1 =	sshrl.u32 s1, $0x2  }
0xb9: {  	s3 =	sand.u32 $0x4000, s31;
	s1 =	sadd.s32 s1, s30  }
0xba: {  	s0 =	sor.u32 s3, s0;
	s1 =	sshll.u32 s1, $0x11  }
0xbb: {  	s0 =	sor.u32 s1, s0  }
0xbc: {  	s0 =	sadd.s32 $0x8F2B, s0  }
0xbd: {  	[sflag:s0] =	ssyncadd.remote.s32 $0x1  }
0xbe: {  	_ =	sfence.sel $0xFFFF  }
0xbf: {  	[dreg:$0x0] =	wrdreg $0xFFFFFFFF;
	(pc) =	sbr.abs _section_cstart, $3  }
0xc0: {  	[dreg:$0x1] =	wrdreg $0xFFFFFFFF  }
0xc1: {  	_ =	task.clear_ibuf [dreg:s6], $0x2FFFF;
	_ =	strace $0x9FFFFFFF  }
0xc2: {  	(tm) =	ssettm $0x7FFFFFFF  }
0xc3: {  	_ =	shalt  }
tec
execute0_lowered:
.L_overlay_start_1:
0x0: {  	(tag) =	ssettag $0x1  }
0x1: {  	s0 =	rddreg [dreg:$0x0]  }
0x2: {  	s1 =	rddreg [dreg:$0x1]  }
0x3: {  	s3 =	simm.s32 $0x0;
	s2 =	srdreg.scid;
	s18 =	stileid.u32  }
0x4: {  	[smem:$0x7FF] =	sst s3;
	s6 =	smul.u32 $0x4E000, s18  }
0x5: {  	s4 =	sadd.s32 $0xDA00, s0;
	s2 =	sand.u32 $0x1, s2;
	s9 =	smul.u32 $0x4E20, s18  }
0x6: {  	s8 =	sadd.s32 $0x3C00, s0;
	s5 =	sadd.s32 $0x21400, s0;
	s17 =	smul.u32 $0x2700, s18  }
0x7: {  	s0 =	sadd.s32 $0x6F600, s0;
	p0 =	sne.s32 s18, $0xF;
	s11 =	smul.u32 $0x4E200, s2  }
0x8: {  	_ =	strace $0x8000004A;
	s7 =	ssub.s32 $0x2, s2;
	s15 =	smul.u32 $0x27100, s2  }
0x9: {  	s2 =	smul.u32 $0x138800, s2;
	s10 =	sshrl.u32 s7, $0x1;
	s6 =	sshrl.u32 s6, $0x2  }
0xa: {  	s14 =	sadd.s32 $0x50, s9;
	s16 =	sshrl.u32 s9, $0x3;
	s10 =	ssub.s32 s7, s10  }
0xb: {  	s16 =	sadd.s32 s8, s16;
	s2 =	sshrl.u32 s2, $0x3;
	s17 =	sadd.s32 s17, s15  }
0xc: {  	[dreg:$0x4] =	wrdreg s16;
	s2 =	sadd.s32 s0, s2;
	s0 =	sadd.s32 s0, s17  }
0xd: {  	s6 =	sadd.s32 s6, s1;
	s20 =	smax.u32 s10, $0x1;
	[dreg:$0x7] =	wrdreg s0  }
0xe: {  	s12 =	sadd.s32 s9, s11;
	s21 =	sadd.s32 $0x800, s6;
	[dreg:$0x9] =	wrdreg s20  }
0xf: {  	s26 =	sadd.s32 s11, s14;
	s23 =	sadd.s32 $0x1000, s6;
	[dreg:$0xa] =	wrdreg s21  }
0x10: {  	s13 =	sshrl.u32 s12, $0x3;
	s24 =	sadd.s32 $0x1800, s6;
	[dreg:$0xb] =	wrdreg s23  }
0x11: {  	s16 =	sshrl.u32 s14, $0x3;
	s10 =	sadd.s32 $0x5800, s6;
	[dreg:$0xc] =	wrdreg s24  }
0x12: {  	s14 =	smul.u32 $0x9C4, s18;
	s18 =	sadd.s32 $0x9800, s6;
	[dreg:$0x16] =	wrdreg s10  }
0x13: {  	s13 =	sadd.s32 s4, s13;
	[dreg:$0x1e] =	wrdreg s18  }
0x14: {  	s19 =	sadd.s32 $0x27000, s2;
	[dreg:$0x3] =	wrdreg s13  }
0x15: {  	s22 =	sadd.s32 $0x4DD0, s9;
	s20 =	sadd.s32 $0x2800, s6;
	[dreg:$0x8] =	wrdreg s19  }
0x16: {  	s25 =	sadd.s32 s11, s22;
	s23 =	sadd.s32 $0x3000, s6;
	[dreg:$0x10] =	wrdreg s20  }
0x17: {  	s2 =	sshrl.u32 s25, $0x3;
	s10 =	sadd.s32 $0xD000, s6;
	[dreg:$0x11] =	wrdreg s23  }
0x18: {  	s0 =	sshrl.u32 s22, $0x3;
	s18 =	sadd.s32 $0x11000, s6;
	[smem:$0x7F2] =	sst s10  }
0x19: {  	s13 =	sshrl.u32 s26, $0x3;
	s26 =	sadd.s32 $0x2000, s6;
	[smem:$0x7FA] =	sst s18  }
0x1a: {  	s22 =	sadd.s32 s4, s2;
	s2 =	sadd.s32 $0x4000, s6;
	[dreg:$0xd] =	wrdreg s26  }
0x1b: {  	s21 =	sadd.s32 s14, s8;
	s14 =	sadd.s32 $0x7800, s6;
	[dreg:$0x13] =	wrdreg s2  }
0x1c: {  	s20 =	sadd.s32 $0xA000, s6;
	[dreg:$0x1a] =	wrdreg s14  }
0x1d: {  	s23 =	sadd.s32 $0xA800, s6;
	[dreg:$0x1f] =	wrdreg s20  }
0x1e: {  	s13 =	sadd.s32 s4, s13;
	[smem:$0x7ED] =	sst s23  }
0x1f: {  	s26 =	sadd.s32 $0x3800, s6;
	[dreg:$0x5] =	wrdreg s13  }
0x20: {  	s2 =	sadd.s32 $0xB800, s6;
	[dreg:$0x12] =	wrdreg s26  }
0x21: {  	s14 =	sadd.s32 $0xF000, s6;
	[smem:$0x7EF] =	sst s2  }
0x22: {  	s28 =	simm.s32 $0x180;
	s20 =	sadd.s32 $0x11800, s6;
	[smem:$0x7F6] =	sst s14  }
0x23: {  	s29 =	simm.s32 $0x1;
	s23 =	sadd.s32 $0x12000, s6;
	[smem:$0x7FB] =	sst s20  }
0x24: {  	s25 =	sadd.s32 $0xA0, s12;
	s13 =	sadd.s32 s8, s16;
	[smem:$0x7FC] =	sst s23  }
0x25: {  	s16 =	sadd.s32 $0xF0, s12;
	s12 =	sadd.s32 $0x6800, s6;
	[dreg:$0x6] =	wrdreg s13  }
0x26: {  	s9 =	sadd.s32 $0x4D80, s9;
	s26 =	sadd.s32 $0xB000, s6;
	[dreg:$0x18] =	wrdreg s12  }
0x27: {  	s13 =	sadd.s32 s11, s9;
	s11 =	sadd.s32 $0x6000, s6;
	[smem:$0x7EE] =	sst s26  }
0x28: {  	s17 =	sshrl.u32 s16, $0x3;
	s16 =	sadd.s32 $0x8800, s6;
	[dreg:$0x17] =	wrdreg s11  }
0x29: {  	s30 =	simm.s32 $0x5;
	s12 =	sadd.s32 $0xE000, s6;
	[dreg:$0x1c] =	wrdreg s16  }
0x2a: {  	s9 =	sshrl.u32 s9, $0x3;
	s26 =	sadd.s32 $0x12800, s6;
	[smem:$0x7F4] =	sst s12  }
0x2b: {  	s31 =	simm.s32 $0x2A00;
	s9 =	sadd.s32 s8, s9;
	[smem:$0x7FD] =	sst s26  }
0x2c: {  	s19 =	sadd.s32 s8, s0;
	s8 =	sadd.s32 $0x4800, s6;
	[dreg:$0xe] =	wrdreg s9  }
0x2d: {  	s15 =	sshrl.u32 s13, $0x3;
	s13 =	sadd.s32 $0x7000, s6;
	[dreg:$0x14] =	wrdreg s8  }
0x2e: {  	s24 =	sadd.s32 s17, s4;
	s17 =	sadd.s32 $0x9000, s6;
	[dreg:$0x19] =	wrdreg s13  }
0x2f: {  	s7 =	sadd.s32 $0x138000, s1;
	s11 =	sadd.s32 $0xD800, s6;
	[dreg:$0x1d] =	wrdreg s17  }
0x30: {  	s18 =	simm.s32 $0x4;
	s16 =	sadd.s32 $0x10000, s6;
	[smem:$0x7F3] =	sst s11  }
0x31: {  	s14 =	sadd.s32 $0x13000, s6;
	s0 =	sadd.s32 s4, s15;
	[smem:$0x7F8] =	sst s16  }
0x32: {  	s20 =	simm.s32 $0x50;
	s9 =	sadd.s32 $0x5000, s6;
	[dreg:$0xf] =	wrdreg s0  }
0x33: {  	s23 =	simm.s32 $0x200;
	s15 =	sadd.s32 $0x8000, s6;
	[dreg:$0x15] =	wrdreg s9  }
0x34: {  	s2 =	simm.s32 $0x2;
	s8 =	sadd.s32 $0xC000, s6;
	[dreg:$0x1b] =	wrdreg s15  }
0x35: {  	s26 =	simm.s32 $0x80;
	s13 =	sadd.s32 $0xE800, s6;
	[smem:$0x7F0] =	sst s8  }
0x36: {  	s17 =	sadd.s32 $0x10800, s6;
	s16 =	simm.s32 $0x3;
	[smem:$0x7F5] =	sst s13  }
0x37: {  	s9 =	sadd.s32 $0xC800, s6;
	s15 =	sadd.s32 $0xF800, s6;
	[smem:$0x7F9] =	sst s17  }
0x38: {  	s17 =	simm.s32 $0x100;
	s0 =	simm.s32 $0x6;
	[smem:$0x7F1] =	sst s9  }
0x39: {  	v0 =	vimm.f32 $0.0e+00;
	s8 =	simm.s32 $0x0;
	[smem:$0x7F7] =	sst s15;
	s15 =	simm.s32 $0x5200  }
.LBB2_1:
0x3a: {  	s9 =	simm.s32 $0x0;
	s10 =	simm.s32 $0x200  }
.LBB2_2:
0x3b: {  	p1 =	sne.s32 s10, $0x1E00;
	[tilespmem:s9+$0x5270] =	vst v0  }
0x3c: {  	[tilespmem:s9+$0x5200] =	vst v0  }
0x3d: {  	[tilespmem:s9+$0x5210] =	vst v0  }
.Ltmp0:
0x3e: {  	[tilespmem:s9+$0x5220] =	vst v0;
	(pc) =	sbr.rel @p1 .LBB2_2-.Ltmp0, $4  }
0x3f: {  	[tilespmem:s9+$0x5230] =	vst v0  }
0x40: {  	[tilespmem:s9+$0x5240] =	vst v0  }
0x41: {  	[tilespmem:s9+$0x5250] =	vst v0  }
0x42: {  	[tilespmem:s9+$0x5260] =	vst v0;
	s9 =	sshra.s32 s10, $0x2;
	s10 =	sadd.s32 $0x200, s10  }
0x43: {  	[tilespmem:s9+$0x5270] =	vst v0  }
0x44: {  	[tilespmem:s9+$0x5200] =	vst v0  }
0x45: {  	[tilespmem:s9+$0x5210] =	vst v0  }
0x46: {  	[tilespmem:s9+$0x5220] =	vst v0  }
0x47: {  	[tilespmem:s9+$0x5230] =	vst v0  }
0x48: {  	[tilespmem:s9+$0x5240] =	vst v0  }
0x49: {  	[tilespmem:s9+$0x5250] =	vst v0  }
0x4a: {  	[tilespmem:s9+$0x5260] =	vst v0;
	s13 =	rddreg [dreg:$0xa]  }
0x4b: {  	[spmem:s6] =	stream.linear.scatter [tilespmem:s15], [sflag:$0x3], $0x800, $0x38;
	[tilespmem:$0x19280] =	vst v63  }
0x4c: {  	s10 =	rddreg [dreg:$0xb]  }
0x4d: {  	[spmem:s13] =	stream.linear.scatter [tilespmem:s15], [sflag:$0x3], $0x800, $0x38;
	[tilespmem:$0x19280] =	vst v63  }
0x4e: {  	s11 =	rddreg [dreg:$0xc]  }
0x4f: {  	[spmem:s10] =	stream.linear.scatter [tilespmem:s15], [sflag:$0x3], $0x800, $0x38;
	[tilespmem:$0x19280] =	vst v63  }
0x50: {  	s12 =	rddreg [dreg:$0xd]  }
0x51: {  	[spmem:s11] =	stream.linear.scatter [tilespmem:s15], [sflag:$0x3], $0x800, $0x38;
	[tilespmem:$0x19280] =	vst v63  }
0x52: {  	s13 =	rddreg [dreg:$0x10]  }
0x53: {  	[spmem:s12] =	stream.linear.scatter [tilespmem:s15], [sflag:$0x3], $0x800, $0x38;
	[tilespmem:$0x19280] =	vst v63  }
0x54: {  	s10 =	rddreg [dreg:$0x11]  }
0x55: {  	[spmem:s13] =	stream.linear.scatter [tilespmem:s15], [sflag:$0x3], $0x800, $0x38;
	[tilespmem:$0x19280] =	vst v63  }
0x56: {  	s11 =	rddreg [dreg:$0x12]  }
0x57: {  	[spmem:s10] =	stream.linear.scatter [tilespmem:s15], [sflag:$0x3], $0x800, $0x38;
	[tilespmem:$0x19280] =	vst v63  }
0x58: {  	s12 =	rddreg [dreg:$0x13]  }
0x59: {  	[spmem:s11] =	stream.linear.scatter [tilespmem:s15], [sflag:$0x3], $0x800, $0x38;
	[tilespmem:$0x19280] =	vst v63  }
0x5a: {  	s13 =	rddreg [dreg:$0x14]  }
0x5b: {  	[spmem:s12] =	stream.linear.scatter [tilespmem:s15], [sflag:$0x3], $0x800, $0x38;
	[tilespmem:$0x19280] =	vst v63  }
0x5c: {  	s10 =	rddreg [dreg:$0x15]  }
0x5d: {  	[spmem:s13] =	stream.linear.scatter [tilespmem:s15], [sflag:$0x3], $0x800, $0x38;
	[tilespmem:$0x19280] =	vst v63  }
0x5e: {  	s11 =	rddreg [dreg:$0x16]  }
0x5f: {  	[spmem:s10] =	stream.linear.scatter [tilespmem:s15], [sflag:$0x3], $0x800, $0x38;
	[tilespmem:$0x19280] =	vst v63  }
0x60: {  	s12 =	rddreg [dreg:$0x17]  }
0x61: {  	[spmem:s11] =	stream.linear.scatter [tilespmem:s15], [sflag:$0x3], $0x800, $0x38;
	[tilespmem:$0x19280] =	vst v63  }
0x62: {  	s13 =	rddreg [dreg:$0x18]  }
0x63: {  	[spmem:s12] =	stream.linear.scatter [tilespmem:s15], [sflag:$0x3], $0x800, $0x38;
	[tilespmem:$0x19280] =	vst v63  }
0x64: {  	s10 =	rddreg [dreg:$0x19]  }
0x65: {  	[spmem:s13] =	stream.linear.scatter [tilespmem:s15], [sflag:$0x3], $0x800, $0x38;
	[tilespmem:$0x19280] =	vst v63  }
0x66: {  	s11 =	rddreg [dreg:$0x1a]  }
0x67: {  	[spmem:s10] =	stream.linear.scatter [tilespmem:s15], [sflag:$0x3], $0x800, $0x38;
	[tilespmem:$0x19280] =	vst v63  }
0x68: {  	s12 =	rddreg [dreg:$0x1b]  }
0x69: {  	[spmem:s11] =	stream.linear.scatter [tilespmem:s15], [sflag:$0x3], $0x800, $0x38;
	[tilespmem:$0x19280] =	vst v63  }
0x6a: {  	s13 =	rddreg [dreg:$0x1c]  }
0x6b: {  	[spmem:s12] =	stream.linear.scatter [tilespmem:s15], [sflag:$0x3], $0x800, $0x38;
	[tilespmem:$0x19280] =	vst v63  }
0x6c: {  	s10 =	rddreg [dreg:$0x1d]  }
0x6d: {  	[spmem:s13] =	stream.linear.scatter [tilespmem:s15], [sflag:$0x3], $0x800, $0x38;
	[tilespmem:$0x19280] =	vst v63  }
0x6e: {  	s11 =	rddreg [dreg:$0x1e]  }
0x6f: {  	[spmem:s10] =	stream.linear.scatter [tilespmem:s15], [sflag:$0x3], $0x800, $0x38;
	[tilespmem:$0x19280] =	vst v63  }
0x70: {  	s12 =	rddreg [dreg:$0x1f]  }
0x71: {  	[spmem:s11] =	stream.linear.scatter [tilespmem:s15], [sflag:$0x3], $0x800, $0x38;
	[tilespmem:$0x19280] =	vst v63  }
0x72: {  	s13 =	sld [smem:$0x7ED]  }
0x73: {  	[spmem:s12] =	stream.linear.scatter [tilespmem:s15], [sflag:$0x3], $0x800, $0x38;
	[tilespmem:$0x19280] =	vst v63  }
0x74: {  	s10 =	sld [smem:$0x7EE]  }
0x75: {  	[spmem:s13] =	stream.linear.scatter [tilespmem:s15], [sflag:$0x3], $0x800, $0x38;
	[tilespmem:$0x19280] =	vst v63  }
0x76: {  	s11 =	sld [smem:$0x7EF]  }
0x77: {  	[spmem:s10] =	stream.linear.scatter [tilespmem:s15], [sflag:$0x3], $0x800, $0x38;
	[tilespmem:$0x19280] =	vst v63  }
0x78: {  	s12 =	sld [smem:$0x7F0]  }
0x79: {  	[spmem:s11] =	stream.linear.scatter [tilespmem:s15], [sflag:$0x3], $0x800, $0x38;
	[tilespmem:$0x19280] =	vst v63  }
0x7a: {  	s13 =	sld [smem:$0x7F1]  }
0x7b: {  	[spmem:s12] =	stream.linear.scatter [tilespmem:s15], [sflag:$0x3], $0x800, $0x38;
	[tilespmem:$0x19280] =	vst v63  }
0x7c: {  	s10 =	sld [smem:$0x7F2]  }
0x7d: {  	[spmem:s13] =	stream.linear.scatter [tilespmem:s15], [sflag:$0x3], $0x800, $0x38;
	[tilespmem:$0x19280] =	vst v63  }
0x7e: {  	s11 =	sld [smem:$0x7F3]  }
0x7f: {  	[spmem:s10] =	stream.linear.scatter [tilespmem:s15], [sflag:$0x3], $0x800, $0x38;
	[tilespmem:$0x19280] =	vst v63  }
0x80: {  	s12 =	sld [smem:$0x7F4]  }
0x81: {  	[spmem:s11] =	stream.linear.scatter [tilespmem:s15], [sflag:$0x3], $0x800, $0x38;
	[tilespmem:$0x19280] =	vst v63  }
0x82: {  	s13 =	sld [smem:$0x7F5]  }
0x83: {  	[spmem:s12] =	stream.linear.scatter [tilespmem:s15], [sflag:$0x3], $0x800, $0x38;
	[tilespmem:$0x19280] =	vst v63  }
0x84: {  	s10 =	sld [smem:$0x7F6]  }
0x85: {  	[spmem:s13] =	stream.linear.scatter [tilespmem:s15], [sflag:$0x3], $0x800, $0x38;
	[tilespmem:$0x19280] =	vst v63  }
0x86: {  	s11 =	sld [smem:$0x7F7]  }
0x87: {  	[spmem:s10] =	stream.linear.scatter [tilespmem:s15], [sflag:$0x3], $0x800, $0x38;
	[tilespmem:$0x19280] =	vst v63  }
0x88: {  	s12 =	sld [smem:$0x7F8]  }
0x89: {  	[spmem:s11] =	stream.linear.scatter [tilespmem:s15], [sflag:$0x3], $0x800, $0x38;
	[tilespmem:$0x19280] =	vst v63  }
0x8a: {  	s13 =	sld [smem:$0x7F9]  }
0x8b: {  	[spmem:s12] =	stream.linear.scatter [tilespmem:s15], [sflag:$0x3], $0x800, $0x38;
	[tilespmem:$0x19280] =	vst v63  }
0x8c: {  	s10 =	sld [smem:$0x7FA]  }
0x8d: {  	[spmem:s13] =	stream.linear.scatter [tilespmem:s15], [sflag:$0x3], $0x800, $0x38;
	[tilespmem:$0x19280] =	vst v63  }
0x8e: {  	s11 =	sld [smem:$0x7FB]  }
0x8f: {  	[spmem:s10] =	stream.linear.scatter [tilespmem:s15], [sflag:$0x3], $0x800, $0x38;
	[tilespmem:$0x19280] =	vst v63  }
0x90: {  	s12 =	sld [smem:$0x7FC]  }
0x91: {  	[spmem:s11] =	stream.linear.scatter [tilespmem:s15], [sflag:$0x3], $0x800, $0x38;
	[tilespmem:$0x19280] =	vst v63  }
0x92: {  	s13 =	sld [smem:$0x7FD]  }
0x93: {  	[spmem:s12] =	stream.linear.scatter [tilespmem:s15], [sflag:$0x3], $0x800, $0x38;
	[tilespmem:$0x19280] =	vst v63  }
0x94: {  	_ = 	snop  }
0x95: {  	[spmem:s13] =	stream.linear.scatter [tilespmem:s15], [sflag:$0x3], $0x800, $0x38;
	[tilespmem:$0x19280] =	vst v63  }
0x96: {  	_ = 	snop  }
0x97: {  	[spmem:s14] =	stream.linear.scatter [tilespmem:s15], [sflag:$0x3], $0x800, $0x38;
	[tilespmem:$0x19280] =	vst v63  }
0x98: {  	s9 =	simm.s32 @!p0 $0x5200  }
0x99: {  	[spmem:s7] =	stream.linear.scatter @!p0 [tilespmem:s9], [sflag:$0x3], $0x800, $0x38;
	[tilespmem:$0x19280] =	vst v63  }
0x9a: {  	_ =	swait.ge [sflag:s16], $0x800  }
0x9b: {  	s9 =	simm.s32 $0x26;
	[sflag:s16] =	ssyncset.done $0x0  }
.LBB2_4:
0x9c: {  	p1 =	sne.s32 s9, $0x1;
	s9 =	sadd.s32 $0xFFFFFFFF, s9;
	[sflag:s16] =	ssyncadd.s32 $0xFFFFF800  }
.Ltmp1:
0x9d: {  	(pc) =	sbr.rel @p1 .LBB2_4-.Ltmp1, $3  }
0x9e: {  	_ =	sdelay $0x1  }
0x9f: {  	_ =	swait.ge [sflag:s16], $0x800  }
0xa0: {  	[sflag:s16] =	ssyncset.done $0x0  }
0xa1: {  	[sflag:s16] =	ssyncadd.s32 $0xFFFFF800;
	s9 =	simm.s32 @!p0 $0x3  }
0xa2: {  	_ =	swait.ge @!p0 [sflag:s9], $0x800  }
0xa3: {  	[sflag:s9] =	ssyncset.done @!p0 $0x0  }
0xa4: {  	[sflag:s9] =	ssyncadd.s32 @!p0 $0xFFFFF800  }
0xa5: {  	[bflag:$0x0] =	sbarrier.arrive $0xFFFF  }
0xa6: {  	s9 =	simm.s32 $0x0;
	s10 =	rddreg [dreg:$0x3]  }
0xa7: {  	[tilespmem:s9], [sflag:$0x4] =	stream.linear.gather [hbm4b:s10+s9], $0x50, $0x38;
	[tilespmem:$0x19280] =	vst v63  }
0xa8: {  	s11 =	rddreg [dreg:$0x4]  }
0xa9: {  	[tilespmem:s17], [sflag:$0x4] =	stream.linear.gather [hbm4b:s11+s9], $0x50, $0x38;
	[tilespmem:$0x19280] =	vst v63  }
0xaa: {  	_ =	swait.ge [sflag:s18], $0x50  }
0xab: {  	[sflag:s18] =	ssyncset.done $0x0  }
0xac: {  	[sflag:s18] =	ssyncadd.s32 $0xFFFFFFB0  }
0xad: {  	_ =	swait.ge [sflag:s18], $0x50  }
0xae: {  	[sflag:s18] =	ssyncset.done $0x0  }
0xaf: {  	[sflag:s18] =	ssyncadd.s32 $0xFFFFFFB0  }
0xb0: {  	[tilespmem:s23], [sflag:$0x1] =	stream.indirect.gather [hbm4b:s5+s20], $0x80, s9, s20, $0xb8;
	[tilespmem:$0x19280] =	vst v63  }
0xb1: {  	s12 =	rddreg [dreg:$0x5]  }
0xb2: {  	[tilespmem:s26], [sflag:$0x5] =	stream.linear.gather [hbm4b:s12+s9], $0x50, $0x38;
	[tilespmem:$0x19280] =	vst v63  }
0xb3: {  	s13 =	rddreg [dreg:$0x6]  }
0xb4: {  	[tilespmem:s28], [sflag:$0x5] =	stream.linear.gather [hbm4b:s13+s9], $0x50, $0x38;
	[tilespmem:$0x19280] =	vst v63  }
0xb5: {  	_ =	swait.ge [sflag:s29], $0x2800  }
0xb6: {  	[sflag:s29] =	ssyncset.done $0x0  }
0xb7: {  	[sflag:s29] =	ssyncadd.s32 $0xFFFFD800  }
0xb8: {  	_ =	swait.ge [sflag:s30], $0x50  }
0xb9: {  	[sflag:s30] =	ssyncset.done $0x0  }
0xba: {  	[sflag:s30] =	ssyncadd.s32 $0xFFFFFFB0  }
0xbb: {  	_ =	swait.ge [sflag:s30], $0x50  }
0xbc: {  	[sflag:s30] =	ssyncset.done $0x0  }
0xbd: {  	[sflag:s30] =	ssyncadd.s32 $0xFFFFFFB0  }
0xbe: {  	[tilespmem:s31], [sflag:$0x2] =	stream.indirect.gather [hbm4b:s5+s20], $0x80, s26, s20, $0xb8;
	[tilespmem:$0x19280] =	vst v63  }
0xbf: {  	_ = 	snop  }
0xc0: {  	[spmem:s1] =	stream.indirect.scatter.add.f32 [tilespmem:s23], [sflag:$0x6], $0x80, s17, s20, $0xb8;
	[tilespmem:$0x19280] =	vst v63  }
0xc1: {  	_ =	swait.ge [sflag:s0], $0x2800  }
0xc2: {  	s10 =	sshrl.u32 s25, $0x3;
	[sflag:s0] =	ssyncset.done $0x0  }
0xc3: {  	s11 =	sadd.s32 $0x0, s21;
	s9 =	sadd.s32 s4, s10;
	[sflag:s0] =	ssyncadd.s32 $0xFFFFD800  }
0xc4: {  	[tilespmem:s3], [sflag:$0x4] =	stream.linear.gather [hbm4b:s9+s3], $0x50, $0x38;
	[tilespmem:$0x19280] =	vst v63  }
0xc5: {  	s12 =	sadd.s32 $0x14, s11  }
0xc6: {  	[tilespmem:s17], [sflag:$0x4] =	stream.linear.gather [hbm4b:s12+s3], $0x50, $0x38;
	[tilespmem:$0x19280] =	vst v63  }
0xc7: {  	_ =	swait.ge [sflag:s2], $0x2800  }
0xc8: {  	[sflag:s2] =	ssyncset.done $0x0  }
0xc9: {  	[sflag:s2] =	ssyncadd.s32 $0xFFFFD800  }
0xca: {  	_ =	swait.ge [sflag:s18], $0x50  }
0xcb: {  	[sflag:s18] =	ssyncset.done $0x0  }
0xcc: {  	[sflag:s18] =	ssyncadd.s32 $0xFFFFFFB0  }
0xcd: {  	_ =	swait.ge [sflag:s18], $0x50  }
0xce: {  	[sflag:s18] =	ssyncset.done $0x0  }
0xcf: {  	[sflag:s18] =	ssyncadd.s32 $0xFFFFFFB0  }
0xd0: {  	[tilespmem:s23], [sflag:$0x1] =	stream.indirect.gather [hbm4b:s5+s20], $0x80, s3, s20, $0xb8;
	[tilespmem:$0x19280] =	vst v63  }
0xd1: {  	_ = 	snop  }
0xd2: {  	[spmem:s1] =	stream.indirect.scatter.add.f32 [tilespmem:s31], [sflag:$0x6], $0x80, s28, s20, $0xb8;
	[tilespmem:$0x19280] =	vst v63  }
0xd3: {  	_ =	swait.ge [sflag:s0], $0x2800  }
0xd4: {  	s11 =	sadd.s32 $0x1E, s11;
	s13 =	sadd.s32 $0x0, s24;
	[sflag:s0] =	ssyncset.done $0x0  }
0xd5: {  	s10 =	sadd.s32 $0xA0, s25;
	s9 =	simm.s32 $0x14;
	[sflag:s0] =	ssyncadd.s32 $0xFFFFD800  }
0xd6: {  	[tilespmem:s26], [sflag:$0x5] =	stream.linear.gather [hbm4b:s13+s3], $0x50, $0x38;
	[tilespmem:$0x19280] =	vst v63  }
.LBB2_6:
0xd7: {  	[tilespmem:s28], [sflag:$0x5] =	stream.linear.gather [hbm4b:s11+s3], $0x50, $0x38;
	[tilespmem:$0x19280] =	vst v63  }
0xd8: {  	s11 =	smov.u32 s9  }
0xd9: {  	p1 =	sne.s32 s9, $0x988;
	s9 =	sadd.s32 $0x14, s9;
	_ =	swait.ge [sflag:s29], $0x2800  }
0xda: {  	[sflag:s29] =	ssyncset.done $0x0  }
0xdb: {  	[sflag:s29] =	ssyncadd.s32 $0xFFFFD800  }
0xdc: {  	_ =	swait.ge [sflag:s30], $0x50  }
0xdd: {  	[sflag:s30] =	ssyncset.done $0x0  }
0xde: {  	[sflag:s30] =	ssyncadd.s32 $0xFFFFFFB0  }
0xdf: {  	_ =	swait.ge [sflag:s30], $0x50  }
0xe0: {  	[sflag:s30] =	ssyncset.done $0x0  }
0xe1: {  	[sflag:s30] =	ssyncadd.s32 $0xFFFFFFB0  }
0xe2: {  	[tilespmem:s31], [sflag:$0x2] =	stream.indirect.gather [hbm4b:s5+s20], $0x80, s26, s20, $0xb8;
	[tilespmem:$0x19280] =	vst v63  }
0xe3: {  	_ = 	snop  }
0xe4: {  	[spmem:s1] =	stream.indirect.scatter.add.f32 [tilespmem:s23], [sflag:$0x6], $0x80, s17, s20, $0xb8;
	[tilespmem:$0x19280] =	vst v63  }
0xe5: {  	_ =	swait.ge [sflag:s0], $0x2800  }
0xe6: {  	s12 =	sshrl.u32 s10, $0x3;
	[sflag:s0] =	ssyncset.done $0x0  }
0xe7: {  	s12 =	sadd.s32 s4, s12;
	s13 =	sadd.s32 s11, s21;
	[sflag:s0] =	ssyncadd.s32 $0xFFFFD800  }
0xe8: {  	[tilespmem:s3], [sflag:$0x4] =	stream.linear.gather [hbm4b:s12+s3], $0x50, $0x38;
	[tilespmem:$0x19280] =	vst v63  }
0xe9: {  	s12 =	sadd.s32 $0x14, s13  }
0xea: {  	[tilespmem:s17], [sflag:$0x4] =	stream.linear.gather [hbm4b:s12+s3], $0x50, $0x38;
	[tilespmem:$0x19280] =	vst v63  }
0xeb: {  	_ =	swait.ge [sflag:s2], $0x2800  }
0xec: {  	[sflag:s2] =	ssyncset.done $0x0  }
0xed: {  	[sflag:s2] =	ssyncadd.s32 $0xFFFFD800  }
0xee: {  	_ =	swait.ge [sflag:s18], $0x50  }
0xef: {  	[sflag:s18] =	ssyncset.done $0x0  }
0xf0: {  	[sflag:s18] =	ssyncadd.s32 $0xFFFFFFB0  }
0xf1: {  	_ =	swait.ge [sflag:s18], $0x50  }
0xf2: {  	[sflag:s18] =	ssyncset.done $0x0  }
0xf3: {  	[sflag:s18] =	ssyncadd.s32 $0xFFFFFFB0  }
0xf4: {  	[tilespmem:s23], [sflag:$0x1] =	stream.indirect.gather [hbm4b:s5+s20], $0x80, s3, s20, $0xb8;
	[tilespmem:$0x19280] =	vst v63  }
0xf5: {  	_ = 	snop  }
0xf6: {  	[spmem:s1] =	stream.indirect.scatter.add.f32 [tilespmem:s31], [sflag:$0x6], $0x80, s28, s20, $0xb8;
	[tilespmem:$0x19280] =	vst v63  }
.Ltmp2:
0xf7: {  	_ =	swait.ge [sflag:s0], $0x2800;
	(pc) =	sbr.rel @p1 .LBB2_6-.Ltmp2, $4  }
0xf8: {  	[sflag:s0] =	ssyncset.done $0x0  }
0xf9: {  	s11 =	sadd.s32 s11, s24;
	[sflag:s0] =	ssyncadd.s32 $0xFFFFD800  }
0xfa: {  	[tilespmem:s26], [sflag:$0x5] =	stream.linear.gather [hbm4b:s11+s3], $0x50, $0x38;
	[tilespmem:$0x19280] =	vst v63  }
0xfb: {  	s10 =	sadd.s32 $0xA0, s10;
	s11 =	sadd.s32 $0x1E, s13  }
0xfc: {  	[tilespmem:s28], [sflag:$0x5] =	stream.linear.gather [hbm4b:s11+s3], $0x50, $0x38;
	[tilespmem:$0x19280] =	vst v63  }
0xfd: {  	_ =	swait.ge [sflag:s29], $0x2800  }
0xfe: {  	[sflag:s29] =	ssyncset.done $0x0  }
0xff: {  	[sflag:s29] =	ssyncadd.s32 $0xFFFFD800  }
0x100: {  	_ =	swait.ge [sflag:s30], $0x50  }
0x101: {  	[sflag:s30] =	ssyncset.done $0x0  }
0x102: {  	[sflag:s30] =	ssyncadd.s32 $0xFFFFFFB0  }
0x103: {  	_ =	swait.ge [sflag:s30], $0x50  }
0x104: {  	[sflag:s30] =	ssyncset.done $0x0  }
0x105: {  	[sflag:s30] =	ssyncadd.s32 $0xFFFFFFB0  }
0x106: {  	[tilespmem:s31], [sflag:$0x2] =	stream.indirect.gather [hbm4b:s5+s20], $0x80, s26, s20, $0xb8;
	[tilespmem:$0x19280] =	vst v63  }
0x107: {  	_ = 	snop  }
0x108: {  	[spmem:s1] =	stream.indirect.scatter.add.f32 [tilespmem:s23], [sflag:$0x6], $0x80, s17, s20, $0xb8;
	[tilespmem:$0x19280] =	vst v63  }
0x109: {  	_ =	swait.ge [sflag:s0], $0x2800  }
0x10a: {  	[sflag:s0] =	ssyncset.done $0x0  }
0x10b: {  	s9 =	rddreg [dreg:$0xf];
	[sflag:s0] =	ssyncadd.s32 $0xFFFFD800  }
0x10c: {  	[tilespmem:s3], [sflag:$0x4] =	stream.linear.gather [hbm4b:s9+s3], $0x50, $0x38;
	[tilespmem:$0x19280] =	vst v63  }
0x10d: {  	s10 =	rddreg [dreg:$0xe]  }
0x10e: {  	[tilespmem:s17], [sflag:$0x4] =	stream.linear.gather [hbm4b:s10+s3], $0x50, $0x38;
	[tilespmem:$0x19280] =	vst v63  }
0x10f: {  	_ =	swait.ge [sflag:s2], $0x2800  }
0x110: {  	[sflag:s2] =	ssyncset.done $0x0  }
0x111: {  	[sflag:s2] =	ssyncadd.s32 $0xFFFFD800  }
0x112: {  	_ =	swait.ge [sflag:s18], $0x50  }
0x113: {  	[sflag:s18] =	ssyncset.done $0x0  }
0x114: {  	[sflag:s18] =	ssyncadd.s32 $0xFFFFFFB0  }
0x115: {  	_ =	swait.ge [sflag:s18], $0x50  }
0x116: {  	[sflag:s18] =	ssyncset.done $0x0  }
0x117: {  	[sflag:s18] =	ssyncadd.s32 $0xFFFFFFB0  }
0x118: {  	[tilespmem:s23], [sflag:$0x1] =	stream.indirect.gather [hbm4b:s5+s20], $0x80, s3, s20, $0xb8;
	[tilespmem:$0x19280] =	vst v63  }
0x119: {  	_ = 	snop  }
0x11a: {  	[spmem:s1] =	stream.indirect.scatter.add.f32 [tilespmem:s31], [sflag:$0x6], $0x80, s28, s20, $0xb8;
	[tilespmem:$0x19280] =	vst v63  }
0x11b: {  	_ =	swait.ge [sflag:s0], $0x2800  }
0x11c: {  	[sflag:s0] =	ssyncset.done $0x0  }
0x11d: {  	[sflag:s0] =	ssyncadd.s32 $0xFFFFD800  }
0x11e: {  	[tilespmem:s26], [sflag:$0x5] =	stream.linear.gather [hbm4b:s22+s3], $0x50, $0x38;
	[tilespmem:$0x19280] =	vst v63  }
0x11f: {  	_ = 	snop  }
0x120: {  	[tilespmem:s28], [sflag:$0x5] =	stream.linear.gather [hbm4b:s19+s3], $0x50, $0x38;
	[tilespmem:$0x19280] =	vst v63  }
0x121: {  	_ =	swait.ge [sflag:s29], $0x2800  }
0x122: {  	[sflag:s29] =	ssyncset.done $0x0  }
0x123: {  	[sflag:s29] =	ssyncadd.s32 $0xFFFFD800  }
0x124: {  	_ =	swait.ge [sflag:s30], $0x50  }
0x125: {  	[sflag:s30] =	ssyncset.done $0x0  }
0x126: {  	[sflag:s30] =	ssyncadd.s32 $0xFFFFFFB0  }
0x127: {  	_ =	swait.ge [sflag:s30], $0x50  }
0x128: {  	[sflag:s30] =	ssyncset.done $0x0  }
0x129: {  	[sflag:s30] =	ssyncadd.s32 $0xFFFFFFB0  }
0x12a: {  	[tilespmem:s31], [sflag:$0x2] =	stream.indirect.gather [hbm4b:s5+s20], $0x80, s26, s20, $0xb8;
	[tilespmem:$0x19280] =	vst v63  }
0x12b: {  	_ = 	snop  }
0x12c: {  	[spmem:s1] =	stream.indirect.scatter.add.f32 [tilespmem:s23], [sflag:$0x6], $0x80, s17, s20, $0xb8;
	[tilespmem:$0x19280] =	vst v63  }
0x12d: {  	_ =	swait.ge [sflag:s0], $0x2800  }
0x12e: {  	[sflag:s0] =	ssyncset.done $0x0  }
0x12f: {  	[sflag:s0] =	ssyncadd.s32 $0xFFFFD800  }
0x130: {  	[tilespmem:s3], [sflag:$0x4] =	stream.linear.gather [hbm4b:s22+s3], $0x50, $0x38;
	[tilespmem:$0x19280] =	vst v63  }
0x131: {  	_ = 	snop  }
0x132: {  	[tilespmem:s17], [sflag:$0x4] =	stream.linear.gather [hbm4b:s19+s3], $0x50, $0x38;
	[tilespmem:$0x19280] =	vst v63  }
0x133: {  	_ =	swait.ge [sflag:s2], $0x2800  }
0x134: {  	[sflag:s2] =	ssyncset.done $0x0  }
0x135: {  	[sflag:s2] =	ssyncadd.s32 $0xFFFFD800  }
0x136: {  	_ =	swait.ge [sflag:s18], $0x50  }
0x137: {  	[sflag:s18] =	ssyncset.done $0x0  }
0x138: {  	[sflag:s18] =	ssyncadd.s32 $0xFFFFFFB0  }
0x139: {  	_ =	swait.ge [sflag:s18], $0x50  }
0x13a: {  	[sflag:s18] =	ssyncset.done $0x0  }
0x13b: {  	[sflag:s18] =	ssyncadd.s32 $0xFFFFFFB0  }
0x13c: {  	[tilespmem:s23], [sflag:$0x1] =	stream.indirect.gather [hbm4b:s5+s20], $0x80, s3, s20, $0xb8;
	[tilespmem:$0x19280] =	vst v63  }
0x13d: {  	_ = 	snop  }
0x13e: {  	[spmem:s1] =	stream.indirect.scatter.add.f32 [tilespmem:s31], [sflag:$0x6], $0x80, s28, s20, $0xb8;
	[tilespmem:$0x19280] =	vst v63  }
0x13f: {  	_ =	swait.ge [sflag:s0], $0x2800  }
0x140: {  	[sflag:s0] =	ssyncset.done $0x0  }
0x141: {  	[sflag:s0] =	ssyncadd.s32 $0xFFFFD800  }
0x142: {  	[tilespmem:s26], [sflag:$0x5] =	stream.linear.gather [hbm4b:s22+s3], $0x50, $0x38;
	[tilespmem:$0x19280] =	vst v63  }
0x143: {  	_ = 	snop  }
0x144: {  	[tilespmem:s28], [sflag:$0x5] =	stream.linear.gather [hbm4b:s19+s3], $0x50, $0x38;
	[tilespmem:$0x19280] =	vst v63  }
0x145: {  	_ =	swait.ge [sflag:s29], $0x2800  }
0x146: {  	[sflag:s29] =	ssyncset.done $0x0  }
0x147: {  	[sflag:s29] =	ssyncadd.s32 $0xFFFFD800  }
0x148: {  	_ =	swait.ge [sflag:s30], $0x50  }
0x149: {  	[sflag:s30] =	ssyncset.done $0x0  }
0x14a: {  	[sflag:s30] =	ssyncadd.s32 $0xFFFFFFB0  }
0x14b: {  	_ =	swait.ge [sflag:s30], $0x50  }
0x14c: {  	[sflag:s30] =	ssyncset.done $0x0  }
0x14d: {  	s11 =	stileid.u32;
	[sflag:s30] =	ssyncadd.s32 $0xFFFFFFB0  }
0x14e: {  	s9 =	sshll.u32 s11, $0x6;
	[bflag:$0x0] =	sbarrier.arrive $0xFFFF  }
0x14f: {  	s9 =	sor.u32 $0x1C06, s9;
	s10 =	sshrl.u32 s6, $0x3;
	s12 =	rddreg [dreg:$0x7]  }
0x150: {  	[hbm:s12], [sflag:s9] =	dma.local [spmem:s10], $0x2700  }
0x151: {  	_ =	swait.ge [sflag:s0], $0x2700  }
0x152: {  	[sflag:s0] =	ssyncset.done $0x0  }
0x153: {  	s10 =	sshrl.u32 @!p0 s7, $0x3;
	s11 =	rddreg [dreg:$0x8];
	[sflag:s0] =	ssyncadd.s32 $0xFFFFD900  }
0x154: {  	[hbm:s11], [sflag:s9] =	dma.local @!p0 [spmem:s10], $0x100  }
0x155: {  	s9 =	simm.s32 @!p0 $0x6  }
0x156: {  	_ =	swait.ge @!p0 [sflag:s9], $0x100  }
0x157: {  	s8 =	sadd.s32 $0x1, s8;
	s13 =	rddreg [dreg:$0x9]  }
0x158: {  	p1 =	sne.s32 s8, s13  }
.Ltmp3:
0x159: {  	_ = 	snop;
	(pc) =	sbr.rel @p1 .LBB2_1-.Ltmp3, $3  }
0x15a: {  	_ =	sdelay $0x1  }
0x15b: {  	[sflag:s9] =	ssyncset.done @!p0 $0x0  }
0x15c: {  	[sflag:s9] =	ssyncadd.s32 @!p0 $0xFFFFFF00  }
0x15d: {  	_ =	sfence.sel $0x180000  }
0x15e: {  	[bflag:$0x0] =	sbarrier.arrive $0xFFFF  }
0x15f: {  	_ =	strace $0x9000004A  }
0x160: {  	s0 =	stileid.u32;
	[bflag:$0x2] =	sbarrier.arrive $0xFFFF  }
0x161: {  	p0 =	sne.s32 s0, $0x0;
	s0 =	rddreg [dreg:$0x2]  }
0x162: {  	s0 =	sadd.s32 @!p0 $0x100000, s0  }
0x163: {  	[sflag:s0] =	ssyncadd.tile.s32 @!p0 $0x1;
	_ =	shalt  }
.Lfunc_end2:
_tile_overlayer_lowered:
.L_overlay_start_2:
0x164: {  	(tag) =	ssettag $0x2  }
0x165: {  	s0 =	rddreg [dreg:$0x0];
	s2 =	stileid.u32  }
0x166: {  	s1 =	rddreg [dreg:$0x1];
	p0 =	sne.s32 s2, $0x0  }
0x167: {  	s3 =	rddreg [dreg:$0x2];
	[bflag:$0x3] =	sbarrier.arrive $0xFFFF;
	s2 =	simm.s32 @!p0 $0x1C06  }
0x168: {  	[timem:s3], [sflag:s2] =	dma.local @!p0 [hbm:s0], s1  }
0x169: {  	s0 =	simm.s32 @!p0 $0x6  }
0x16a: {  	_ =	swait.ge @!p0 [sflag:s0], s1  }
0x16b: {  	s1 =	ssub.s32 @!p0 $0x0, s1;
	[sflag:s0] =	ssyncset.done @!p0 $0x0  }
0x16c: {  	[sflag:s0] =	ssyncadd.s32 @!p0 s1  }
0x16d: {  	[bflag:$0x3] =	sbarrier.arrive $0xFFFF  }
0x16e: {  	_ =	shalt  }

// kernel: kernel.15.cloned.1.call-start
scs
__scs_entry_jumppad:
0x0: {  	(pc) =	sbr.rel $0x88, $3  }
0x1: {  	(tag) =	ssettag $0x0;
	lr =	simm.s32 $0x1  }
0x2: {  	[smem:$0x3F91] =	sst lr;
	_ =	strace $0xD0000000  }
0x3: {  	_ = 	snop  }
0x4: {  	_ = 	snop  }
0x5: {  	_ = 	snop  }
0x6: {  	_ = 	snop  }
0x7: {  	_ = 	snop  }
__scs_overlays_trampoline_lowered:
0x8: {  	[smem:$0x3FA0] =	sst s0  }
0x9: {  	[smem:$0x3FA1] =	sst s1  }
0xa: {  	[smem:$0x3FA2] =	sst s2  }
0xb: {  	[smem:$0x3FA3] =	sst s3  }
0xc: {  	[smem:$0x3FA4] =	sst s4  }
0xd: {  	[smem:$0x3FA5] =	sst s5  }
0xe: {  	[smem:$0x3FA6] =	sst s6  }
0xf: {  	[smem:$0x3FA7] =	sst s7  }
0x10: {  	[smem:$0x3FA8] =	sst s8  }
0x11: {  	[smem:$0x3FA9] =	sst s9;
	s0 =	simm.s32 @!p0 $0x0  }
0x12: {  	s1 =	sld [smem:$0x3F8F];
	s0 =	simm.s32 @p0 $0x1  }
0x13: {  	[smem:$0x3FAA] =	sst s0;
	s0 =	simm.s32 @!p1 $0x0  }
0x14: {  	s2 =	sld [smem:$0x3F8E];
	s0 =	simm.s32 @p1 $0x1  }
0x15: {  	[smem:$0x3FAB] =	sst s0;
	s0 =	simm.s32 @!p2 $0x0  }
0x16: {  	s3 =	sld [smem:$0x3FDB];
	s0 =	simm.s32 @p2 $0x1  }
0x17: {  	s4 =	simm.s32 $0x1BF5;
	[smem:$0x3FAD] =	sst s0  }
0x18: {  	s0 =	sld [smem:$0x3F90];
	_ =	swait.ge [sflag:s4], $0x0  }
0x19: {  	s7 =	sld [smem:$0x3F91]  }
0x1a: {  	s8 =	sadd.s32 $0xFFFFE003, lr  }
0x1b: {  	s9 =	sadd.s32 $0xFFFFFEF7, lr;
	s5 =	simm.s32 $0xFFFFFFFF;
	p2 =	slt.u32 s8, $0xFFFFF086  }
0x1c: {  	p1 =	slt.u32 s9, $0xF7A;
	s5 =	simm.s32 @!p2 $0x0  }
0x1d: {  	s5 =	simm.s32 @p1 $0x1;
	p0 =	seq.s32 s7, s2  }
0x1e: {  	s7 =	smul.u32 @!p0 $0xF7A, s2;
	p2 =	seq.s32 @!p0 s5, $0x0  }
0x1f: {  	s9 =	smul.u32 $0xF7A, s1;
	s8 =	simm.s32 @!p0 $0x1BF5;
	p2 =	por !p2, p0  }
0x20: {  	[sflag:s8] =	ssyncset.s32 @!p0 $0xFFFFF086;
	s6 =	sadd.s32 @!p0 s3, s7;
	s7 =	simm.s32 @!p0 $0x108  }
0x21: {  	s3 =	sadd.s32 s3, s9;
	s6 =	sadd.s32 @!p0 $0x88, s6;
	s7 =	simm.s32 @p2 $0x1082  }
0x22: {  	[simem:s7], [sflag:s8] =	dma.local @!p0 [hbm:s6], $0xF7A  }
0x23: {  	s9 =	sor.u32 $0xD0000000, s2;
	s6 =	simm.s32 $0x108;
	_ =	swait.ge @!p0 [sflag:s8], $0x0  }
0x24: {  	s3 =	sadd.s32 $0x88, s3;
	s6 =	simm.s32 @!p1 $0x1082;
	[sflag:s4] =	ssyncset.s32 $0xFFFFF086  }
0x25: {  	[simem:s6], [sflag:s4] =	dma.local [hbm:s3], $0xF7A  }
0x26: {  	[smem:$0x3F91] =	sst s1;
	(tag) =	ssettag s2;
	_ =	strace s9  }
0x27: {  	s1 =	sld [smem:$0x3FA1]  }
0x28: {  	s2 =	sld [smem:$0x3FA2]  }
0x29: {  	s4 =	sld [smem:$0x3FA4]  }
0x2a: {  	p0 =	seq.s32 s5, $0x0;
	s5 =	sld [smem:$0x3FA5]  }
0x2b: {  	s6 =	sld [smem:$0x3FA6]  }
0x2c: {  	s7 =	sld [smem:$0x3FA7]  }
0x2d: {  	s3 =	simm.s32 $0x108;
	s8 =	sld [smem:$0x3FA8]  }
0x2e: {  	s3 =	simm.s32 @!p0 $0x1082;
	s9 =	sld [smem:$0x3FA9]  }
0x2f: {  	lr =	sadd.s32 s0, s3;
	s0 =	sld [smem:$0x3FA0]  }
0x30: {  	s3 =	sld [smem:$0x3FA3]  }
0x31: {  	[smem:$0x3FAC] =	sst s10  }
0x32: {  	s10 =	sld [smem:$0x3FAA];
	_ =	sdelay $0x3  }
0x33: {  	p0 =	seq.s32 s10, $0x1;
	s10 =	sld [smem:$0x3FAC];
	_ =	sdelay $0x3  }
0x34: {  	[smem:$0x3FAC] =	sst s10  }
0x35: {  	s10 =	sld [smem:$0x3FAB];
	_ =	sdelay $0x3  }
0x36: {  	p1 =	seq.s32 s10, $0x1;
	s10 =	sld [smem:$0x3FAC];
	_ =	sdelay $0x3  }
0x37: {  	[smem:$0x3FAC] =	sst s10  }
0x38: {  	s10 =	sld [smem:$0x3FAD]  }
0x39: {  	_ = 	snop;
	(pc) =	sbr.ind lr, $3  }
0x3a: {  	_ = 	snop  }
0x3b: {  	_ = 	snop  }
0x3c: {  	p2 =	seq.s32 s10, $0x1;
	s10 =	sld [smem:$0x3FAC]  }
0x3d: {  	_ =	shalt  }
0x3e: {  	_ =	shalt  }
0x3f: {  	_ =	shalt  }
0x40: {  	_ =	shalt  }
0x41: {  	_ =	shalt  }
0x42: {  	_ =	shalt  }
0x43: {  	_ =	shalt  }
0x44: {  	_ =	shalt  }
0x45: {  	_ =	shalt  }
0x46: {  	_ =	shalt  }
0x47: {  	_ =	shalt  }
0x48: {  	_ =	shalt  }
0x49: {  	_ =	shalt  }
0x4a: {  	_ =	shalt  }
0x4b: {  	_ =	shalt  }
0x4c: {  	_ =	shalt  }
0x4d: {  	_ =	shalt  }
0x4e: {  	_ =	shalt  }
0x4f: {  	_ =	shalt  }
0x50: {  	_ =	shalt  }
0x51: {  	_ =	shalt  }
0x52: {  	_ =	shalt  }
0x53: {  	_ =	shalt  }
0x54: {  	_ =	shalt  }
0x55: {  	_ =	shalt  }
0x56: {  	_ =	shalt  }
0x57: {  	_ =	shalt  }
0x58: {  	_ =	shalt  }
0x59: {  	_ =	shalt  }
0x5a: {  	_ =	shalt  }
0x5b: {  	_ =	shalt  }
0x5c: {  	_ =	shalt  }
0x5d: {  	_ =	shalt  }
0x5e: {  	_ =	shalt  }
0x5f: {  	_ =	shalt  }
0x60: {  	_ =	shalt  }
0x61: {  	_ =	shalt  }
0x62: {  	_ =	shalt  }
0x63: {  	_ =	shalt  }
0x64: {  	_ =	shalt  }
0x65: {  	_ =	shalt  }
0x66: {  	_ =	shalt  }
0x67: {  	_ =	shalt  }
0x68: {  	_ =	shalt  }
0x69: {  	_ =	shalt  }
0x6a: {  	_ =	shalt  }
0x6b: {  	_ =	shalt  }
0x6c: {  	_ =	shalt  }
0x6d: {  	_ =	shalt  }
0x6e: {  	_ =	shalt  }
0x6f: {  	_ =	shalt  }
0x70: {  	_ =	shalt  }
0x71: {  	_ =	shalt  }
0x72: {  	_ =	shalt  }
0x73: {  	_ =	shalt  }
0x74: {  	_ =	shalt  }
0x75: {  	_ =	shalt  }
0x76: {  	_ =	shalt  }
0x77: {  	_ =	shalt  }
0x78: {  	_ =	shalt  }
0x79: {  	_ =	shalt  }
0x7a: {  	_ =	shalt  }
0x7b: {  	_ =	shalt  }
0x7c: {  	_ =	shalt  }
0x7d: {  	_ =	shalt  }
0x7e: {  	_ =	shalt  }
0x7f: {  	_ =	shalt  }
0x80: {  	_ =	shalt  }
0x81: {  	_ =	shalt  }
0x82: {  	_ =	shalt  }
0x83: {  	_ =	shalt  }
0x84: {  	_ =	shalt  }
0x85: {  	_ =	shalt  }
0x86: {  	_ =	shalt  }
0x87: {  	_ =	shalt  }
.Lfunc_end0:
.L_simem_size_0:
called_computation.2_lowered:
.L_overlay_start_0:
0x88: {  	s2 =	sld [smem:$0x3FD9]  }
0x89: {  	s3 =	sld [smem:$0x3FFE];
	_ =	sdelay $0x1  }
0x8a: {  	s1 =	srdreg.scid  }
0x8b: {  	s0 =	sand.u32 $0x1, s1  }
0x8c: {  	s16 =	sshll.u32 s0, $0xA;
	s2 =	sadd.s32 s3, s2  }
0x8d: {  	s2 =	sadd.s32 s2, s16  }
0x8e: {  	[smem:$0x3FB8] =	sst s2  }
0x8f: {  	_ = 	snop  }
0x90: {  	(tm) =	ssettm $0x1  }
0x91: {  	s17 =	sld [smem:$0x3FFB];
	_ =	sdelay $0x3  }
0x92: {  	_ =	strace s17  }
0x93: {  	s2 =	sld [smem:$0x3FFC];
	_ =	sdelay $0x3  }
0x94: {  	_ =	strace s2  }
0x95: {  	s2 =	sld [smem:$0x3FFD];
	_ =	sdelay $0x3  }
0x96: {  	_ =	strace s2  }
0x97: {  	_ =	strace $0x8FFFFFFF  }
0x98: {  	s18 =	sld [smem:$0x3FDB];
	_ =	sdelay $0x1  }
0x99: {  	s19 =	simm.s32 $_scs_section_size  }
0x9a: {  	s4 =	simm.s32 $_size__tile_overlayer_lowered;
	s5 =	simm.s32 $_tile_overlayer_lowered  }
0x9b: {  	s22 =	simm.s32 $0x1BFF;
	s21 =	sshll.u32 s5, $0x1;
	s2 =	sadd.s32 s19, s18  }
0x9c: {  	s6 =	simm.s32 $0x0;
	s20 =	sshll.u32 s4, $0x1;
	s4 =	sadd.s32 s21, s2  }
0x9d: {  	[timem:s6], [sflag:s22] =	dma.local [hbm:s4], s20  }
0x9e: {  	_ =	swait.ge [sflag:s22], s20  }
0x9f: {  	s3 =	ssub.s32 $0x0, s20;
	[sflag:s22] =	ssyncset.done $0x0  }
0xa0: {  	[sflag:s22] =	ssyncadd.s32 s3;
	_ =	sdelay $0x1  }
0xa1: {  	s23 =	simm.s32 $0x1B8B  }
0xa2: {  	_ =	swait.ge [sflag:s23], $0x1  }
0xa3: {  	[sflag:s23] =	ssyncset.done $0x0  }
0xa4: {  	s25 =	simm.s32 $0x1B8E;
	s24 =	sld [smem:$0x3FFE];
	[sflag:s23] =	ssyncadd.s32 $0xFFFFFFFF  }
0xa5: {  	s26 =	simm.s32 $execute0_lowered;
	[smem:$0x3FD2] =	sst s25  }
0xa6: {  	s4 =	sshll.u32 s26, $0x1;
	_ =	strace $0x8000004C;
	[dreg:$0x1] =	wrdreg $0xFFFFFFFF  }
0xa7: {  	s28 =	simm.s32 $_size_execute0_lowered;
	s2 =	sadd.s32 s2, s4;
	[dreg:$0x0] =	wrdreg $0x0  }
0xa8: {  	s4 =	sshll.u32 s28, $0x1;
	[dreg:$0x2] =	wrdreg s2  }
0xa9: {  	[dreg:$0x3] =	wrdreg s4  }
0xaa: {  	[dreg:$0x4] =	wrdreg $0xC0  }
0xab: {  	_ =	task [dreg:s6], $0x5FFFF  }
0xac: {  	[dreg:$0x1] =	wrdreg $0xFFFFFFFF  }
0xad: {  	[dreg:$0x0] =	wrdreg $0x60  }
0xae: {  	[dreg:$0x2] =	wrdreg s24  }
0xaf: {  	[dreg:$0x3] =	wrdreg $0x5A000  }
0xb0: {  	[dreg:$0x4] =	wrdreg $0x9  }
0xb1: {  	_ =	task.clear_ibuf [dreg:s6], $0x5FFFF;
	_ =	strace $0x9000004C  }
0xb2: {  	s29 =	simm.s32 $0x9;
	_ =	strace $0x8000004E  }
0xb3: {  	_ =	swait.ge [sflag:s29], $0x1  }
0xb4: {  	[sflag:s29] =	ssyncadd.s32 $0xFFFFFFFF  }
0xb5: {  	_ =	strace $0x9000004E  }
0xb6: {  	_ =	sfence  }
0xb7: {  	s30 =	sld [smem:$0x0];
	_ =	sdelay $0x2  }
0xb8: {  	s31 =	sshll.u32 s1, $0xD;
	s1 =	sshrl.u32 s1, $0x2  }
0xb9: {  	s3 =	sand.u32 $0x4000, s31;
	s1 =	sadd.s32 s1, s30  }
0xba: {  	s0 =	sor.u32 s3, s0;
	s1 =	sshll.u32 s1, $0x11  }
0xbb: {  	s0 =	sor.u32 s1, s0  }
0xbc: {  	s0 =	sadd.s32 $0x8F2B, s0  }
0xbd: {  	[sflag:s0] =	ssyncadd.remote.s32 $0x1  }
0xbe: {  	_ =	sfence.sel $0xFFFF  }
0xbf: {  	[dreg:$0x0] =	wrdreg $0xFFFFFFFF;
	(pc) =	sbr.abs _section_cstart, $3  }
0xc0: {  	[dreg:$0x1] =	wrdreg $0xFFFFFFFF  }
0xc1: {  	_ =	task.clear_ibuf [dreg:s6], $0x2FFFF;
	_ =	strace $0x9FFFFFFF  }
0xc2: {  	(tm) =	ssettm $0x7FFFFFFF  }
0xc3: {  	_ =	shalt  }
tec
execute0_lowered:
.L_overlay_start_1:
0x0: {  	(tag) =	ssettag $0x1  }
0x1: {  	s0 =	rddreg [dreg:$0x0]  }
0x2: {  	s1 =	rddreg [dreg:$0x1]  }
0x3: {  	s3 =	simm.s32 $0x0;
	s2 =	srdreg.scid;
	s18 =	stileid.u32  }
0x4: {  	[smem:$0x7FF] =	sst s3;
	s6 =	smul.u32 $0x4E000, s18  }
0x5: {  	s4 =	sadd.s32 $0xDA00, s0;
	s2 =	sand.u32 $0x1, s2;
	s9 =	smul.u32 $0x4E20, s18  }
0x6: {  	s8 =	sadd.s32 $0x3C00, s0;
	s5 =	sadd.s32 $0x21400, s0;
	s17 =	smul.u32 $0x2700, s18  }
0x7: {  	s0 =	sadd.s32 $0x6F600, s0;
	p0 =	sne.s32 s18, $0xF;
	s11 =	smul.u32 $0x4E200, s2  }
0x8: {  	_ =	strace $0x8000004D;
	s7 =	ssub.s32 $0x2, s2;
	s15 =	smul.u32 $0x27100, s2  }
0x9: {  	s2 =	smul.u32 $0x138800, s2;
	s10 =	sshrl.u32 s7, $0x1;
	s6 =	sshrl.u32 s6, $0x2  }
0xa: {  	s14 =	sadd.s32 $0x50, s9;
	s16 =	sshrl.u32 s9, $0x3;
	s10 =	ssub.s32 s7, s10  }
0xb: {  	s16 =	sadd.s32 s8, s16;
	s2 =	sshrl.u32 s2, $0x3;
	s17 =	sadd.s32 s17, s15  }
0xc: {  	[dreg:$0x4] =	wrdreg s16;
	s2 =	sadd.s32 s0, s2;
	s0 =	sadd.s32 s0, s17  }
0xd: {  	s6 =	sadd.s32 s6, s1;
	s20 =	smax.u32 s10, $0x1;
	[dreg:$0x7] =	wrdreg s0  }
0xe: {  	s12 =	sadd.s32 s9, s11;
	s21 =	sadd.s32 $0x800, s6;
	[dreg:$0x9] =	wrdreg s20  }
0xf: {  	s26 =	sadd.s32 s11, s14;
	s23 =	sadd.s32 $0x1000, s6;
	[dreg:$0xa] =	wrdreg s21  }
0x10: {  	s13 =	sshrl.u32 s12, $0x3;
	s24 =	sadd.s32 $0x1800, s6;
	[dreg:$0xb] =	wrdreg s23  }
0x11: {  	s16 =	sshrl.u32 s14, $0x3;
	s10 =	sadd.s32 $0x5800, s6;
	[dreg:$0xc] =	wrdreg s24  }
0x12: {  	s14 =	smul.u32 $0x9C4, s18;
	s18 =	sadd.s32 $0x9800, s6;
	[dreg:$0x16] =	wrdreg s10  }
0x13: {  	s13 =	sadd.s32 s4, s13;
	[dreg:$0x1e] =	wrdreg s18  }
0x14: {  	s19 =	sadd.s32 $0x27000, s2;
	[dreg:$0x3] =	wrdreg s13  }
0x15: {  	s22 =	sadd.s32 $0x4DD0, s9;
	s20 =	sadd.s32 $0x2800, s6;
	[dreg:$0x8] =	wrdreg s19  }
0x16: {  	s25 =	sadd.s32 s11, s22;
	s23 =	sadd.s32 $0x3000, s6;
	[dreg:$0x10] =	wrdreg s20  }
0x17: {  	s2 =	sshrl.u32 s25, $0x3;
	s10 =	sadd.s32 $0xD000, s6;
	[dreg:$0x11] =	wrdreg s23  }
0x18: {  	s0 =	sshrl.u32 s22, $0x3;
	s18 =	sadd.s32 $0x11000, s6;
	[smem:$0x7F2] =	sst s10  }
0x19: {  	s13 =	sshrl.u32 s26, $0x3;
	s26 =	sadd.s32 $0x2000, s6;
	[smem:$0x7FA] =	sst s18  }
0x1a: {  	s22 =	sadd.s32 s4, s2;
	s2 =	sadd.s32 $0x4000, s6;
	[dreg:$0xd] =	wrdreg s26  }
0x1b: {  	s21 =	sadd.s32 s14, s8;
	s14 =	sadd.s32 $0x7800, s6;
	[dreg:$0x13] =	wrdreg s2  }
0x1c: {  	s20 =	sadd.s32 $0xA000, s6;
	[dreg:$0x1a] =	wrdreg s14  }
0x1d: {  	s23 =	sadd.s32 $0xA800, s6;
	[dreg:$0x1f] =	wrdreg s20  }
0x1e: {  	s13 =	sadd.s32 s4, s13;
	[smem:$0x7ED] =	sst s23  }
0x1f: {  	s26 =	sadd.s32 $0x3800, s6;
	[dreg:$0x5] =	wrdreg s13  }
0x20: {  	s2 =	sadd.s32 $0xB800, s6;
	[dreg:$0x12] =	wrdreg s26  }
0x21: {  	s14 =	sadd.s32 $0xF000, s6;
	[smem:$0x7EF] =	sst s2  }
0x22: {  	s28 =	simm.s32 $0x180;
	s20 =	sadd.s32 $0x11800, s6;
	[smem:$0x7F6] =	sst s14  }
0x23: {  	s29 =	simm.s32 $0x1;
	s23 =	sadd.s32 $0x12000, s6;
	[smem:$0x7FB] =	sst s20  }
0x24: {  	s25 =	sadd.s32 $0xA0, s12;
	s13 =	sadd.s32 s8, s16;
	[smem:$0x7FC] =	sst s23  }
0x25: {  	s16 =	sadd.s32 $0xF0, s12;
	s12 =	sadd.s32 $0x6800, s6;
	[dreg:$0x6] =	wrdreg s13  }
0x26: {  	s9 =	sadd.s32 $0x4D80, s9;
	s26 =	sadd.s32 $0xB000, s6;
	[dreg:$0x18] =	wrdreg s12  }
0x27: {  	s13 =	sadd.s32 s11, s9;
	s11 =	sadd.s32 $0x6000, s6;
	[smem:$0x7EE] =	sst s26  }
0x28: {  	s17 =	sshrl.u32 s16, $0x3;
	s16 =	sadd.s32 $0x8800, s6;
	[dreg:$0x17] =	wrdreg s11  }
0x29: {  	s30 =	simm.s32 $0x5;
	s12 =	sadd.s32 $0xE000, s6;
	[dreg:$0x1c] =	wrdreg s16  }
0x2a: {  	s9 =	sshrl.u32 s9, $0x3;
	s26 =	sadd.s32 $0x12800, s6;
	[smem:$0x7F4] =	sst s12  }
0x2b: {  	s31 =	simm.s32 $0x2A00;
	s9 =	sadd.s32 s8, s9;
	[smem:$0x7FD] =	sst s26  }
0x2c: {  	s19 =	sadd.s32 s8, s0;
	s8 =	sadd.s32 $0x4800, s6;
	[dreg:$0xe] =	wrdreg s9  }
0x2d: {  	s15 =	sshrl.u32 s13, $0x3;
	s13 =	sadd.s32 $0x7000, s6;
	[dreg:$0x14] =	wrdreg s8  }
0x2e: {  	s24 =	sadd.s32 s17, s4;
	s17 =	sadd.s32 $0x9000, s6;
	[dreg:$0x19] =	wrdreg s13  }
0x2f: {  	s7 =	sadd.s32 $0x138000, s1;
	s11 =	sadd.s32 $0xD800, s6;
	[dreg:$0x1d] =	wrdreg s17  }
0x30: {  	s18 =	simm.s32 $0x4;
	s16 =	sadd.s32 $0x10000, s6;
	[smem:$0x7F3] =	sst s11  }
0x31: {  	s14 =	sadd.s32 $0x13000, s6;
	s0 =	sadd.s32 s4, s15;
	[smem:$0x7F8] =	sst s16  }
0x32: {  	s20 =	simm.s32 $0x50;
	s9 =	sadd.s32 $0x5000, s6;
	[dreg:$0xf] =	wrdreg s0  }
0x33: {  	s23 =	simm.s32 $0x200;
	s15 =	sadd.s32 $0x8000, s6;
	[dreg:$0x15] =	wrdreg s9  }
0x34: {  	s2 =	simm.s32 $0x2;
	s8 =	sadd.s32 $0xC000, s6;
	[dreg:$0x1b] =	wrdreg s15  }
0x35: {  	s26 =	simm.s32 $0x80;
	s13 =	sadd.s32 $0xE800, s6;
	[smem:$0x7F0] =	sst s8  }
0x36: {  	s17 =	sadd.s32 $0x10800, s6;
	s16 =	simm.s32 $0x3;
	[smem:$0x7F5] =	sst s13  }
0x37: {  	s9 =	sadd.s32 $0xC800, s6;
	s15 =	sadd.s32 $0xF800, s6;
	[smem:$0x7F9] =	sst s17  }
0x38: {  	s17 =	simm.s32 $0x100;
	s0 =	simm.s32 $0x6;
	[smem:$0x7F1] =	sst s9  }
0x39: {  	v0 =	vimm.f32 $0.0e+00;
	s8 =	simm.s32 $0x0;
	[smem:$0x7F7] =	sst s15;
	s15 =	simm.s32 $0x5200  }
.LBB2_1:
0x3a: {  	s9 =	simm.s32 $0x0;
	s10 =	simm.s32 $0x200  }
.LBB2_2:
0x3b: {  	p1 =	sne.s32 s10, $0x1E00;
	[tilespmem:s9+$0x5270] =	vst v0  }
0x3c: {  	[tilespmem:s9+$0x5200] =	vst v0  }
0x3d: {  	[tilespmem:s9+$0x5210] =	vst v0  }
.Ltmp0:
0x3e: {  	[tilespmem:s9+$0x5220] =	vst v0;
	(pc) =	sbr.rel @p1 .LBB2_2-.Ltmp0, $4  }
0x3f: {  	[tilespmem:s9+$0x5230] =	vst v0  }
0x40: {  	[tilespmem:s9+$0x5240] =	vst v0  }
0x41: {  	[tilespmem:s9+$0x5250] =	vst v0  }
0x42: {  	[tilespmem:s9+$0x5260] =	vst v0;
	s9 =	sshra.s32 s10, $0x2;
	s10 =	sadd.s32 $0x200, s10  }
0x43: {  	[tilespmem:s9+$0x5270] =	vst v0  }
0x44: {  	[tilespmem:s9+$0x5200] =	vst v0  }
0x45: {  	[tilespmem:s9+$0x5210] =	vst v0  }
0x46: {  	[tilespmem:s9+$0x5220] =	vst v0  }
0x47: {  	[tilespmem:s9+$0x5230] =	vst v0  }
0x48: {  	[tilespmem:s9+$0x5240] =	vst v0  }
0x49: {  	[tilespmem:s9+$0x5250] =	vst v0  }
0x4a: {  	[tilespmem:s9+$0x5260] =	vst v0;
	s13 =	rddreg [dreg:$0xa]  }
0x4b: {  	[spmem:s6] =	stream.linear.scatter [tilespmem:s15], [sflag:$0x3], $0x800, $0x38;
	[tilespmem:$0x19280] =	vst v63  }
0x4c: {  	s10 =	rddreg [dreg:$0xb]  }
0x4d: {  	[spmem:s13] =	stream.linear.scatter [tilespmem:s15], [sflag:$0x3], $0x800, $0x38;
	[tilespmem:$0x19280] =	vst v63  }
0x4e: {  	s11 =	rddreg [dreg:$0xc]  }
0x4f: {  	[spmem:s10] =	stream.linear.scatter [tilespmem:s15], [sflag:$0x3], $0x800, $0x38;
	[tilespmem:$0x19280] =	vst v63  }
0x50: {  	s12 =	rddreg [dreg:$0xd]  }
0x51: {  	[spmem:s11] =	stream.linear.scatter [tilespmem:s15], [sflag:$0x3], $0x800, $0x38;
	[tilespmem:$0x19280] =	vst v63  }
0x52: {  	s13 =	rddreg [dreg:$0x10]  }
0x53: {  	[spmem:s12] =	stream.linear.scatter [tilespmem:s15], [sflag:$0x3], $0x800, $0x38;
	[tilespmem:$0x19280] =	vst v63  }
0x54: {  	s10 =	rddreg [dreg:$0x11]  }
0x55: {  	[spmem:s13] =	stream.linear.scatter [tilespmem:s15], [sflag:$0x3], $0x800, $0x38;
	[tilespmem:$0x19280] =	vst v63  }
0x56: {  	s11 =	rddreg [dreg:$0x12]  }
0x57: {  	[spmem:s10] =	stream.linear.scatter [tilespmem:s15], [sflag:$0x3], $0x800, $0x38;
	[tilespmem:$0x19280] =	vst v63  }
0x58: {  	s12 =	rddreg [dreg:$0x13]  }
0x59: {  	[spmem:s11] =	stream.linear.scatter [tilespmem:s15], [sflag:$0x3], $0x800, $0x38;
	[tilespmem:$0x19280] =	vst v63  }
0x5a: {  	s13 =	rddreg [dreg:$0x14]  }
0x5b: {  	[spmem:s12] =	stream.linear.scatter [tilespmem:s15], [sflag:$0x3], $0x800, $0x38;
	[tilespmem:$0x19280] =	vst v63  }
0x5c: {  	s10 =	rddreg [dreg:$0x15]  }
0x5d: {  	[spmem:s13] =	stream.linear.scatter [tilespmem:s15], [sflag:$0x3], $0x800, $0x38;
	[tilespmem:$0x19280] =	vst v63  }
0x5e: {  	s11 =	rddreg [dreg:$0x16]  }
0x5f: {  	[spmem:s10] =	stream.linear.scatter [tilespmem:s15], [sflag:$0x3], $0x800, $0x38;
	[tilespmem:$0x19280] =	vst v63  }
0x60: {  	s12 =	rddreg [dreg:$0x17]  }
0x61: {  	[spmem:s11] =	stream.linear.scatter [tilespmem:s15], [sflag:$0x3], $0x800, $0x38;
	[tilespmem:$0x19280] =	vst v63  }
0x62: {  	s13 =	rddreg [dreg:$0x18]  }
0x63: {  	[spmem:s12] =	stream.linear.scatter [tilespmem:s15], [sflag:$0x3], $0x800, $0x38;
	[tilespmem:$0x19280] =	vst v63  }
0x64: {  	s10 =	rddreg [dreg:$0x19]  }
0x65: {  	[spmem:s13] =	stream.linear.scatter [tilespmem:s15], [sflag:$0x3], $0x800, $0x38;
	[tilespmem:$0x19280] =	vst v63  }
0x66: {  	s11 =	rddreg [dreg:$0x1a]  }
0x67: {  	[spmem:s10] =	stream.linear.scatter [tilespmem:s15], [sflag:$0x3], $0x800, $0x38;
	[tilespmem:$0x19280] =	vst v63  }
0x68: {  	s12 =	rddreg [dreg:$0x1b]  }
0x69: {  	[spmem:s11] =	stream.linear.scatter [tilespmem:s15], [sflag:$0x3], $0x800, $0x38;
	[tilespmem:$0x19280] =	vst v63  }
0x6a: {  	s13 =	rddreg [dreg:$0x1c]  }
0x6b: {  	[spmem:s12] =	stream.linear.scatter [tilespmem:s15], [sflag:$0x3], $0x800, $0x38;
	[tilespmem:$0x19280] =	vst v63  }
0x6c: {  	s10 =	rddreg [dreg:$0x1d]  }
0x6d: {  	[spmem:s13] =	stream.linear.scatter [tilespmem:s15], [sflag:$0x3], $0x800, $0x38;
	[tilespmem:$0x19280] =	vst v63  }
0x6e: {  	s11 =	rddreg [dreg:$0x1e]  }
0x6f: {  	[spmem:s10] =	stream.linear.scatter [tilespmem:s15], [sflag:$0x3], $0x800, $0x38;
	[tilespmem:$0x19280] =	vst v63  }
0x70: {  	s12 =	rddreg [dreg:$0x1f]  }
0x71: {  	[spmem:s11] =	stream.linear.scatter [tilespmem:s15], [sflag:$0x3], $0x800, $0x38;
	[tilespmem:$0x19280] =	vst v63  }
0x72: {  	s13 =	sld [smem:$0x7ED]  }
0x73: {  	[spmem:s12] =	stream.linear.scatter [tilespmem:s15], [sflag:$0x3], $0x800, $0x38;
	[tilespmem:$0x19280] =	vst v63  }
0x74: {  	s10 =	sld [smem:$0x7EE]  }
0x75: {  	[spmem:s13] =	stream.linear.scatter [tilespmem:s15], [sflag:$0x3], $0x800, $0x38;
	[tilespmem:$0x19280] =	vst v63  }
0x76: {  	s11 =	sld [smem:$0x7EF]  }
0x77: {  	[spmem:s10] =	stream.linear.scatter [tilespmem:s15], [sflag:$0x3], $0x800, $0x38;
	[tilespmem:$0x19280] =	vst v63  }
0x78: {  	s12 =	sld [smem:$0x7F0]  }
0x79: {  	[spmem:s11] =	stream.linear.scatter [tilespmem:s15], [sflag:$0x3], $0x800, $0x38;
	[tilespmem:$0x19280] =	vst v63  }
0x7a: {  	s13 =	sld [smem:$0x7F1]  }
0x7b: {  	[spmem:s12] =	stream.linear.scatter [tilespmem:s15], [sflag:$0x3], $0x800, $0x38;
	[tilespmem:$0x19280] =	vst v63  }
0x7c: {  	s10 =	sld [smem:$0x7F2]  }
0x7d: {  	[spmem:s13] =	stream.linear.scatter [tilespmem:s15], [sflag:$0x3], $0x800, $0x38;
	[tilespmem:$0x19280] =	vst v63  }
0x7e: {  	s11 =	sld [smem:$0x7F3]  }
0x7f: {  	[spmem:s10] =	stream.linear.scatter [tilespmem:s15], [sflag:$0x3], $0x800, $0x38;
	[tilespmem:$0x19280] =	vst v63  }
0x80: {  	s12 =	sld [smem:$0x7F4]  }
0x81: {  	[spmem:s11] =	stream.linear.scatter [tilespmem:s15], [sflag:$0x3], $0x800, $0x38;
	[tilespmem:$0x19280] =	vst v63  }
0x82: {  	s13 =	sld [smem:$0x7F5]  }
0x83: {  	[spmem:s12] =	stream.linear.scatter [tilespmem:s15], [sflag:$0x3], $0x800, $0x38;
	[tilespmem:$0x19280] =	vst v63  }
0x84: {  	s10 =	sld [smem:$0x7F6]  }
0x85: {  	[spmem:s13] =	stream.linear.scatter [tilespmem:s15], [sflag:$0x3], $0x800, $0x38;
	[tilespmem:$0x19280] =	vst v63  }
0x86: {  	s11 =	sld [smem:$0x7F7]  }
0x87: {  	[spmem:s10] =	stream.linear.scatter [tilespmem:s15], [sflag:$0x3], $0x800, $0x38;
	[tilespmem:$0x19280] =	vst v63  }
0x88: {  	s12 =	sld [smem:$0x7F8]  }
0x89: {  	[spmem:s11] =	stream.linear.scatter [tilespmem:s15], [sflag:$0x3], $0x800, $0x38;
	[tilespmem:$0x19280] =	vst v63  }
0x8a: {  	s13 =	sld [smem:$0x7F9]  }
0x8b: {  	[spmem:s12] =	stream.linear.scatter [tilespmem:s15], [sflag:$0x3], $0x800, $0x38;
	[tilespmem:$0x19280] =	vst v63  }
0x8c: {  	s10 =	sld [smem:$0x7FA]  }
0x8d: {  	[spmem:s13] =	stream.linear.scatter [tilespmem:s15], [sflag:$0x3], $0x800, $0x38;
	[tilespmem:$0x19280] =	vst v63  }
0x8e: {  	s11 =	sld [smem:$0x7FB]  }
0x8f: {  	[spmem:s10] =	stream.linear.scatter [tilespmem:s15], [sflag:$0x3], $0x800, $0x38;
	[tilespmem:$0x19280] =	vst v63  }
0x90: {  	s12 =	sld [smem:$0x7FC]  }
0x91: {  	[spmem:s11] =	stream.linear.scatter [tilespmem:s15], [sflag:$0x3], $0x800, $0x38;
	[tilespmem:$0x19280] =	vst v63  }
0x92: {  	s13 =	sld [smem:$0x7FD]  }
0x93: {  	[spmem:s12] =	stream.linear.scatter [tilespmem:s15], [sflag:$0x3], $0x800, $0x38;
	[tilespmem:$0x19280] =	vst v63  }
0x94: {  	_ = 	snop  }
0x95: {  	[spmem:s13] =	stream.linear.scatter [tilespmem:s15], [sflag:$0x3], $0x800, $0x38;
	[tilespmem:$0x19280] =	vst v63  }
0x96: {  	_ = 	snop  }
0x97: {  	[spmem:s14] =	stream.linear.scatter [tilespmem:s15], [sflag:$0x3], $0x800, $0x38;
	[tilespmem:$0x19280] =	vst v63  }
0x98: {  	s9 =	simm.s32 @!p0 $0x5200  }
0x99: {  	[spmem:s7] =	stream.linear.scatter @!p0 [tilespmem:s9], [sflag:$0x3], $0x800, $0x38;
	[tilespmem:$0x19280] =	vst v63  }
0x9a: {  	_ =	swait.ge [sflag:s16], $0x800  }
0x9b: {  	s9 =	simm.s32 $0x26;
	[sflag:s16] =	ssyncset.done $0x0  }
.LBB2_4:
0x9c: {  	p1 =	sne.s32 s9, $0x1;
	s9 =	sadd.s32 $0xFFFFFFFF, s9;
	[sflag:s16] =	ssyncadd.s32 $0xFFFFF800  }
.Ltmp1:
0x9d: {  	(pc) =	sbr.rel @p1 .LBB2_4-.Ltmp1, $3  }
0x9e: {  	_ =	sdelay $0x1  }
0x9f: {  	_ =	swait.ge [sflag:s16], $0x800  }
0xa0: {  	[sflag:s16] =	ssyncset.done $0x0  }
0xa1: {  	[sflag:s16] =	ssyncadd.s32 $0xFFFFF800;
	s9 =	simm.s32 @!p0 $0x3  }
0xa2: {  	_ =	swait.ge @!p0 [sflag:s9], $0x800  }
0xa3: {  	[sflag:s9] =	ssyncset.done @!p0 $0x0  }
0xa4: {  	[sflag:s9] =	ssyncadd.s32 @!p0 $0xFFFFF800  }
0xa5: {  	[bflag:$0x0] =	sbarrier.arrive $0xFFFF  }
0xa6: {  	s9 =	simm.s32 $0x0;
	s10 =	rddreg [dreg:$0x3]  }
0xa7: {  	[tilespmem:s9], [sflag:$0x4] =	stream.linear.gather [hbm4b:s10+s9], $0x50, $0x38;
	[tilespmem:$0x19280] =	vst v63  }
0xa8: {  	s11 =	rddreg [dreg:$0x4]  }
0xa9: {  	[tilespmem:s17], [sflag:$0x4] =	stream.linear.gather [hbm4b:s11+s9], $0x50, $0x38;
	[tilespmem:$0x19280] =	vst v63  }
0xaa: {  	_ =	swait.ge [sflag:s18], $0x50  }
0xab: {  	[sflag:s18] =	ssyncset.done $0x0  }
0xac: {  	[sflag:s18] =	ssyncadd.s32 $0xFFFFFFB0  }
0xad: {  	_ =	swait.ge [sflag:s18], $0x50  }
0xae: {  	[sflag:s18] =	ssyncset.done $0x0  }
0xaf: {  	[sflag:s18] =	ssyncadd.s32 $0xFFFFFFB0  }
0xb0: {  	[tilespmem:s23], [sflag:$0x1] =	stream.indirect.gather [hbm4b:s5+s20], $0x80, s9, s20, $0xb8;
	[tilespmem:$0x19280] =	vst v63  }
0xb1: {  	s12 =	rddreg [dreg:$0x5]  }
0xb2: {  	[tilespmem:s26], [sflag:$0x5] =	stream.linear.gather [hbm4b:s12+s9], $0x50, $0x38;
	[tilespmem:$0x19280] =	vst v63  }
0xb3: {  	s13 =	rddreg [dreg:$0x6]  }
0xb4: {  	[tilespmem:s28], [sflag:$0x5] =	stream.linear.gather [hbm4b:s13+s9], $0x50, $0x38;
	[tilespmem:$0x19280] =	vst v63  }
0xb5: {  	_ =	swait.ge [sflag:s29], $0x2800  }
0xb6: {  	[sflag:s29] =	ssyncset.done $0x0  }
0xb7: {  	[sflag:s29] =	ssyncadd.s32 $0xFFFFD800  }
0xb8: {  	_ =	swait.ge [sflag:s30], $0x50  }
0xb9: {  	[sflag:s30] =	ssyncset.done $0x0  }
0xba: {  	[sflag:s30] =	ssyncadd.s32 $0xFFFFFFB0  }
0xbb: {  	_ =	swait.ge [sflag:s30], $0x50  }
0xbc: {  	[sflag:s30] =	ssyncset.done $0x0  }
0xbd: {  	[sflag:s30] =	ssyncadd.s32 $0xFFFFFFB0  }
0xbe: {  	[tilespmem:s31], [sflag:$0x2] =	stream.indirect.gather [hbm4b:s5+s20], $0x80, s26, s20, $0xb8;
	[tilespmem:$0x19280] =	vst v63  }
0xbf: {  	_ = 	snop  }
0xc0: {  	[spmem:s1] =	stream.indirect.scatter.add.f32 [tilespmem:s23], [sflag:$0x6], $0x80, s17, s20, $0xb8;
	[tilespmem:$0x19280] =	vst v63  }
0xc1: {  	_ =	swait.ge [sflag:s0], $0x2800  }
0xc2: {  	s10 =	sshrl.u32 s25, $0x3;
	[sflag:s0] =	ssyncset.done $0x0  }
0xc3: {  	s11 =	sadd.s32 $0x0, s21;
	s9 =	sadd.s32 s4, s10;
	[sflag:s0] =	ssyncadd.s32 $0xFFFFD800  }
0xc4: {  	[tilespmem:s3], [sflag:$0x4] =	stream.linear.gather [hbm4b:s9+s3], $0x50, $0x38;
	[tilespmem:$0x19280] =	vst v63  }
0xc5: {  	s12 =	sadd.s32 $0x14, s11  }
0xc6: {  	[tilespmem:s17], [sflag:$0x4] =	stream.linear.gather [hbm4b:s12+s3], $0x50, $0x38;
	[tilespmem:$0x19280] =	vst v63  }
0xc7: {  	_ =	swait.ge [sflag:s2], $0x2800  }
0xc8: {  	[sflag:s2] =	ssyncset.done $0x0  }
0xc9: {  	[sflag:s2] =	ssyncadd.s32 $0xFFFFD800  }
0xca: {  	_ =	swait.ge [sflag:s18], $0x50  }
0xcb: {  	[sflag:s18] =	ssyncset.done $0x0  }
0xcc: {  	[sflag:s18] =	ssyncadd.s32 $0xFFFFFFB0  }
0xcd: {  	_ =	swait.ge [sflag:s18], $0x50  }
0xce: {  	[sflag:s18] =	ssyncset.done $0x0  }
0xcf: {  	[sflag:s18] =	ssyncadd.s32 $0xFFFFFFB0  }
0xd0: {  	[tilespmem:s23], [sflag:$0x1] =	stream.indirect.gather [hbm4b:s5+s20], $0x80, s3, s20, $0xb8;
	[tilespmem:$0x19280] =	vst v63  }
0xd1: {  	_ = 	snop  }
0xd2: {  	[spmem:s1] =	stream.indirect.scatter.add.f32 [tilespmem:s31], [sflag:$0x6], $0x80, s28, s20, $0xb8;
	[tilespmem:$0x19280] =	vst v63  }
0xd3: {  	_ =	swait.ge [sflag:s0], $0x2800  }
0xd4: {  	s11 =	sadd.s32 $0x1E, s11;
	s13 =	sadd.s32 $0x0, s24;
	[sflag:s0] =	ssyncset.done $0x0  }
0xd5: {  	s10 =	sadd.s32 $0xA0, s25;
	s9 =	simm.s32 $0x14;
	[sflag:s0] =	ssyncadd.s32 $0xFFFFD800  }
0xd6: {  	[tilespmem:s26], [sflag:$0x5] =	stream.linear.gather [hbm4b:s13+s3], $0x50, $0x38;
	[tilespmem:$0x19280] =	vst v63  }
.LBB2_6:
0xd7: {  	[tilespmem:s28], [sflag:$0x5] =	stream.linear.gather [hbm4b:s11+s3], $0x50, $0x38;
	[tilespmem:$0x19280] =	vst v63  }
0xd8: {  	s11 =	smov.u32 s9  }
0xd9: {  	p1 =	sne.s32 s9, $0x988;
	s9 =	sadd.s32 $0x14, s9;
	_ =	swait.ge [sflag:s29], $0x2800  }
0xda: {  	[sflag:s29] =	ssyncset.done $0x0  }
0xdb: {  	[sflag:s29] =	ssyncadd.s32 $0xFFFFD800  }
0xdc: {  	_ =	swait.ge [sflag:s30], $0x50  }
0xdd: {  	[sflag:s30] =	ssyncset.done $0x0  }
0xde: {  	[sflag:s30] =	ssyncadd.s32 $0xFFFFFFB0  }
0xdf: {  	_ =	swait.ge [sflag:s30], $0x50  }
0xe0: {  	[sflag:s30] =	ssyncset.done $0x0  }
0xe1: {  	[sflag:s30] =	ssyncadd.s32 $0xFFFFFFB0  }
0xe2: {  	[tilespmem:s31], [sflag:$0x2] =	stream.indirect.gather [hbm4b:s5+s20], $0x80, s26, s20, $0xb8;
	[tilespmem:$0x19280] =	vst v63  }
0xe3: {  	_ = 	snop  }
0xe4: {  	[spmem:s1] =	stream.indirect.scatter.add.f32 [tilespmem:s23], [sflag:$0x6], $0x80, s17, s20, $0xb8;
	[tilespmem:$0x19280] =	vst v63  }
0xe5: {  	_ =	swait.ge [sflag:s0], $0x2800  }
0xe6: {  	s12 =	sshrl.u32 s10, $0x3;
	[sflag:s0] =	ssyncset.done $0x0  }
0xe7: {  	s12 =	sadd.s32 s4, s12;
	s13 =	sadd.s32 s11, s21;
	[sflag:s0] =	ssyncadd.s32 $0xFFFFD800  }
0xe8: {  	[tilespmem:s3], [sflag:$0x4] =	stream.linear.gather [hbm4b:s12+s3], $0x50, $0x38;
	[tilespmem:$0x19280] =	vst v63  }
0xe9: {  	s12 =	sadd.s32 $0x14, s13  }
0xea: {  	[tilespmem:s17], [sflag:$0x4] =	stream.linear.gather [hbm4b:s12+s3], $0x50, $0x38;
	[tilespmem:$0x19280] =	vst v63  }
0xeb: {  	_ =	swait.ge [sflag:s2], $0x2800  }
0xec: {  	[sflag:s2] =	ssyncset.done $0x0  }
0xed: {  	[sflag:s2] =	ssyncadd.s32 $0xFFFFD800  }
0xee: {  	_ =	swait.ge [sflag:s18], $0x50  }
0xef: {  	[sflag:s18] =	ssyncset.done $0x0  }
0xf0: {  	[sflag:s18] =	ssyncadd.s32 $0xFFFFFFB0  }
0xf1: {  	_ =	swait.ge [sflag:s18], $0x50  }
0xf2: {  	[sflag:s18] =	ssyncset.done $0x0  }
0xf3: {  	[sflag:s18] =	ssyncadd.s32 $0xFFFFFFB0  }
0xf4: {  	[tilespmem:s23], [sflag:$0x1] =	stream.indirect.gather [hbm4b:s5+s20], $0x80, s3, s20, $0xb8;
	[tilespmem:$0x19280] =	vst v63  }
0xf5: {  	_ = 	snop  }
0xf6: {  	[spmem:s1] =	stream.indirect.scatter.add.f32 [tilespmem:s31], [sflag:$0x6], $0x80, s28, s20, $0xb8;
	[tilespmem:$0x19280] =	vst v63  }
.Ltmp2:
0xf7: {  	_ =	swait.ge [sflag:s0], $0x2800;
	(pc) =	sbr.rel @p1 .LBB2_6-.Ltmp2, $4  }
0xf8: {  	[sflag:s0] =	ssyncset.done $0x0  }
0xf9: {  	s11 =	sadd.s32 s11, s24;
	[sflag:s0] =	ssyncadd.s32 $0xFFFFD800  }
0xfa: {  	[tilespmem:s26], [sflag:$0x5] =	stream.linear.gather [hbm4b:s11+s3], $0x50, $0x38;
	[tilespmem:$0x19280] =	vst v63  }
0xfb: {  	s10 =	sadd.s32 $0xA0, s10;
	s11 =	sadd.s32 $0x1E, s13  }
0xfc: {  	[tilespmem:s28], [sflag:$0x5] =	stream.linear.gather [hbm4b:s11+s3], $0x50, $0x38;
	[tilespmem:$0x19280] =	vst v63  }
0xfd: {  	_ =	swait.ge [sflag:s29], $0x2800  }
0xfe: {  	[sflag:s29] =	ssyncset.done $0x0  }
0xff: {  	[sflag:s29] =	ssyncadd.s32 $0xFFFFD800  }
0x100: {  	_ =	swait.ge [sflag:s30], $0x50  }
0x101: {  	[sflag:s30] =	ssyncset.done $0x0  }
0x102: {  	[sflag:s30] =	ssyncadd.s32 $0xFFFFFFB0  }
0x103: {  	_ =	swait.ge [sflag:s30], $0x50  }
0x104: {  	[sflag:s30] =	ssyncset.done $0x0  }
0x105: {  	[sflag:s30] =	ssyncadd.s32 $0xFFFFFFB0  }
0x106: {  	[tilespmem:s31], [sflag:$0x2] =	stream.indirect.gather [hbm4b:s5+s20], $0x80, s26, s20, $0xb8;
	[tilespmem:$0x19280] =	vst v63  }
0x107: {  	_ = 	snop  }
0x108: {  	[spmem:s1] =	stream.indirect.scatter.add.f32 [tilespmem:s23], [sflag:$0x6], $0x80, s17, s20, $0xb8;
	[tilespmem:$0x19280] =	vst v63  }
0x109: {  	_ =	swait.ge [sflag:s0], $0x2800  }
0x10a: {  	[sflag:s0] =	ssyncset.done $0x0  }
0x10b: {  	s9 =	rddreg [dreg:$0xf];
	[sflag:s0] =	ssyncadd.s32 $0xFFFFD800  }
0x10c: {  	[tilespmem:s3], [sflag:$0x4] =	stream.linear.gather [hbm4b:s9+s3], $0x50, $0x38;
	[tilespmem:$0x19280] =	vst v63  }
0x10d: {  	s10 =	rddreg [dreg:$0xe]  }
0x10e: {  	[tilespmem:s17], [sflag:$0x4] =	stream.linear.gather [hbm4b:s10+s3], $0x50, $0x38;
	[tilespmem:$0x19280] =	vst v63  }
0x10f: {  	_ =	swait.ge [sflag:s2], $0x2800  }
0x110: {  	[sflag:s2] =	ssyncset.done $0x0  }
0x111: {  	[sflag:s2] =	ssyncadd.s32 $0xFFFFD800  }
0x112: {  	_ =	swait.ge [sflag:s18], $0x50  }
0x113: {  	[sflag:s18] =	ssyncset.done $0x0  }
0x114: {  	[sflag:s18] =	ssyncadd.s32 $0xFFFFFFB0  }
0x115: {  	_ =	swait.ge [sflag:s18], $0x50  }
0x116: {  	[sflag:s18] =	ssyncset.done $0x0  }
0x117: {  	[sflag:s18] =	ssyncadd.s32 $0xFFFFFFB0  }
0x118: {  	[tilespmem:s23], [sflag:$0x1] =	stream.indirect.gather [hbm4b:s5+s20], $0x80, s3, s20, $0xb8;
	[tilespmem:$0x19280] =	vst v63  }
0x119: {  	_ = 	snop  }
0x11a: {  	[spmem:s1] =	stream.indirect.scatter.add.f32 [tilespmem:s31], [sflag:$0x6], $0x80, s28, s20, $0xb8;
	[tilespmem:$0x19280] =	vst v63  }
0x11b: {  	_ =	swait.ge [sflag:s0], $0x2800  }
0x11c: {  	[sflag:s0] =	ssyncset.done $0x0  }
0x11d: {  	[sflag:s0] =	ssyncadd.s32 $0xFFFFD800  }
0x11e: {  	[tilespmem:s26], [sflag:$0x5] =	stream.linear.gather [hbm4b:s22+s3], $0x50, $0x38;
	[tilespmem:$0x19280] =	vst v63  }
0x11f: {  	_ = 	snop  }
0x120: {  	[tilespmem:s28], [sflag:$0x5] =	stream.linear.gather [hbm4b:s19+s3], $0x50, $0x38;
	[tilespmem:$0x19280] =	vst v63  }
0x121: {  	_ =	swait.ge [sflag:s29], $0x2800  }
0x122: {  	[sflag:s29] =	ssyncset.done $0x0  }
0x123: {  	[sflag:s29] =	ssyncadd.s32 $0xFFFFD800  }
0x124: {  	_ =	swait.ge [sflag:s30], $0x50  }
0x125: {  	[sflag:s30] =	ssyncset.done $0x0  }
0x126: {  	[sflag:s30] =	ssyncadd.s32 $0xFFFFFFB0  }
0x127: {  	_ =	swait.ge [sflag:s30], $0x50  }
0x128: {  	[sflag:s30] =	ssyncset.done $0x0  }
0x129: {  	[sflag:s30] =	ssyncadd.s32 $0xFFFFFFB0  }
0x12a: {  	[tilespmem:s31], [sflag:$0x2] =	stream.indirect.gather [hbm4b:s5+s20], $0x80, s26, s20, $0xb8;
	[tilespmem:$0x19280] =	vst v63  }
0x12b: {  	_ = 	snop  }
0x12c: {  	[spmem:s1] =	stream.indirect.scatter.add.f32 [tilespmem:s23], [sflag:$0x6], $0x80, s17, s20, $0xb8;
	[tilespmem:$0x19280] =	vst v63  }
0x12d: {  	_ =	swait.ge [sflag:s0], $0x2800  }
0x12e: {  	[sflag:s0] =	ssyncset.done $0x0  }
0x12f: {  	[sflag:s0] =	ssyncadd.s32 $0xFFFFD800  }
0x130: {  	[tilespmem:s3], [sflag:$0x4] =	stream.linear.gather [hbm4b:s22+s3], $0x50, $0x38;
	[tilespmem:$0x19280] =	vst v63  }
0x131: {  	_ = 	snop  }
0x132: {  	[tilespmem:s17], [sflag:$0x4] =	stream.linear.gather [hbm4b:s19+s3], $0x50, $0x38;
	[tilespmem:$0x19280] =	vst v63  }
0x133: {  	_ =	swait.ge [sflag:s2], $0x2800  }
0x134: {  	[sflag:s2] =	ssyncset.done $0x0  }
0x135: {  	[sflag:s2] =	ssyncadd.s32 $0xFFFFD800  }
0x136: {  	_ =	swait.ge [sflag:s18], $0x50  }
0x137: {  	[sflag:s18] =	ssyncset.done $0x0  }
0x138: {  	[sflag:s18] =	ssyncadd.s32 $0xFFFFFFB0  }
0x139: {  	_ =	swait.ge [sflag:s18], $0x50  }
0x13a: {  	[sflag:s18] =	ssyncset.done $0x0  }
0x13b: {  	[sflag:s18] =	ssyncadd.s32 $0xFFFFFFB0  }
0x13c: {  	[tilespmem:s23], [sflag:$0x1] =	stream.indirect.gather [hbm4b:s5+s20], $0x80, s3, s20, $0xb8;
	[tilespmem:$0x19280] =	vst v63  }
0x13d: {  	_ = 	snop  }
0x13e: {  	[spmem:s1] =	stream.indirect.scatter.add.f32 [tilespmem:s31], [sflag:$0x6], $0x80, s28, s20, $0xb8;
	[tilespmem:$0x19280] =	vst v63  }
0x13f: {  	_ =	swait.ge [sflag:s0], $0x2800  }
0x140: {  	[sflag:s0] =	ssyncset.done $0x0  }
0x141: {  	[sflag:s0] =	ssyncadd.s32 $0xFFFFD800  }
0x142: {  	[tilespmem:s26], [sflag:$0x5] =	stream.linear.gather [hbm4b:s22+s3], $0x50, $0x38;
	[tilespmem:$0x19280] =	vst v63  }
0x143: {  	_ = 	snop  }
0x144: {  	[tilespmem:s28], [sflag:$0x5] =	stream.linear.gather [hbm4b:s19+s3], $0x50, $0x38;
	[tilespmem:$0x19280] =	vst v63  }
0x145: {  	_ =	swait.ge [sflag:s29], $0x2800  }
0x146: {  	[sflag:s29] =	ssyncset.done $0x0  }
0x147: {  	[sflag:s29] =	ssyncadd.s32 $0xFFFFD800  }
0x148: {  	_ =	swait.ge [sflag:s30], $0x50  }
0x149: {  	[sflag:s30] =	ssyncset.done $0x0  }
0x14a: {  	[sflag:s30] =	ssyncadd.s32 $0xFFFFFFB0  }
0x14b: {  	_ =	swait.ge [sflag:s30], $0x50  }
0x14c: {  	[sflag:s30] =	ssyncset.done $0x0  }
0x14d: {  	s11 =	stileid.u32;
	[sflag:s30] =	ssyncadd.s32 $0xFFFFFFB0  }
0x14e: {  	s9 =	sshll.u32 s11, $0x6;
	[bflag:$0x0] =	sbarrier.arrive $0xFFFF  }
0x14f: {  	s9 =	sor.u32 $0x1C06, s9;
	s10 =	sshrl.u32 s6, $0x3;
	s12 =	rddreg [dreg:$0x7]  }
0x150: {  	[hbm:s12], [sflag:s9] =	dma.local [spmem:s10], $0x2700  }
0x151: {  	_ =	swait.ge [sflag:s0], $0x2700  }
0x152: {  	[sflag:s0] =	ssyncset.done $0x0  }
0x153: {  	s10 =	sshrl.u32 @!p0 s7, $0x3;
	s11 =	rddreg [dreg:$0x8];
	[sflag:s0] =	ssyncadd.s32 $0xFFFFD900  }
0x154: {  	[hbm:s11], [sflag:s9] =	dma.local @!p0 [spmem:s10], $0x100  }
0x155: {  	s9 =	simm.s32 @!p0 $0x6  }
0x156: {  	_ =	swait.ge @!p0 [sflag:s9], $0x100  }
0x157: {  	s8 =	sadd.s32 $0x1, s8;
	s13 =	rddreg [dreg:$0x9]  }
0x158: {  	p1 =	sne.s32 s8, s13  }
.Ltmp3:
0x159: {  	_ = 	snop;
	(pc) =	sbr.rel @p1 .LBB2_1-.Ltmp3, $3  }
0x15a: {  	_ =	sdelay $0x1  }
0x15b: {  	[sflag:s9] =	ssyncset.done @!p0 $0x0  }
0x15c: {  	[sflag:s9] =	ssyncadd.s32 @!p0 $0xFFFFFF00  }
0x15d: {  	_ =	sfence.sel $0x180000  }
0x15e: {  	[bflag:$0x0] =	sbarrier.arrive $0xFFFF  }
0x15f: {  	_ =	strace $0x9000004D  }
0x160: {  	s0 =	stileid.u32;
	[bflag:$0x2] =	sbarrier.arrive $0xFFFF  }
0x161: {  	p0 =	sne.s32 s0, $0x0;
	s0 =	rddreg [dreg:$0x2]  }
0x162: {  	s0 =	sadd.s32 @!p0 $0x100000, s0  }
0x163: {  	[sflag:s0] =	ssyncadd.tile.s32 @!p0 $0x1;
	_ =	shalt  }
.Lfunc_end2:
_tile_overlayer_lowered:
.L_overlay_start_2:
0x164: {  	(tag) =	ssettag $0x2  }
0x165: {  	s0 =	rddreg [dreg:$0x0];
	s2 =	stileid.u32  }
0x166: {  	s1 =	rddreg [dreg:$0x1];
	p0 =	sne.s32 s2, $0x0  }
0x167: {  	s3 =	rddreg [dreg:$0x2];
	[bflag:$0x3] =	sbarrier.arrive $0xFFFF;
	s2 =	simm.s32 @!p0 $0x1C06  }
0x168: {  	[timem:s3], [sflag:s2] =	dma.local @!p0 [hbm:s0], s1  }
0x169: {  	s0 =	simm.s32 @!p0 $0x6  }
0x16a: {  	_ =	swait.ge @!p0 [sflag:s0], s1  }
0x16b: {  	s1 =	ssub.s32 @!p0 $0x0, s1;
	[sflag:s0] =	ssyncset.done @!p0 $0x0  }
0x16c: {  	[sflag:s0] =	ssyncadd.s32 @!p0 s1  }
0x16d: {  	[bflag:$0x3] =	sbarrier.arrive $0xFFFF  }
0x16e: {  	_ =	shalt  }

// kernel: kernel.9.cloned.1.call-start
scs
__scs_entry_jumppad:
0x0: {  	(pc) =	sbr.rel $0x88, $3  }
0x1: {  	(tag) =	ssettag $0x0;
	lr =	simm.s32 $0x1  }
0x2: {  	[smem:$0x3F91] =	sst lr;
	_ =	strace $0xD0000000  }
0x3: {  	_ = 	snop  }
0x4: {  	_ = 	snop  }
0x5: {  	_ = 	snop  }
0x6: {  	_ = 	snop  }
0x7: {  	_ = 	snop  }
__scs_overlays_trampoline_lowered:
0x8: {  	[smem:$0x3FA0] =	sst s0  }
0x9: {  	[smem:$0x3FA1] =	sst s1  }
0xa: {  	[smem:$0x3FA2] =	sst s2  }
0xb: {  	[smem:$0x3FA3] =	sst s3  }
0xc: {  	[smem:$0x3FA4] =	sst s4  }
0xd: {  	[smem:$0x3FA5] =	sst s5  }
0xe: {  	[smem:$0x3FA6] =	sst s6  }
0xf: {  	[smem:$0x3FA7] =	sst s7  }
0x10: {  	[smem:$0x3FA8] =	sst s8  }
0x11: {  	[smem:$0x3FA9] =	sst s9;
	s0 =	simm.s32 @!p0 $0x0  }
0x12: {  	s1 =	sld [smem:$0x3F8F];
	s0 =	simm.s32 @p0 $0x1  }
0x13: {  	[smem:$0x3FAA] =	sst s0;
	s0 =	simm.s32 @!p1 $0x0  }
0x14: {  	s2 =	sld [smem:$0x3F8E];
	s0 =	simm.s32 @p1 $0x1  }
0x15: {  	[smem:$0x3FAB] =	sst s0;
	s0 =	simm.s32 @!p2 $0x0  }
0x16: {  	s3 =	sld [smem:$0x3FDB];
	s0 =	simm.s32 @p2 $0x1  }
0x17: {  	s4 =	simm.s32 $0x1BF5;
	[smem:$0x3FAD] =	sst s0  }
0x18: {  	s0 =	sld [smem:$0x3F90];
	_ =	swait.ge [sflag:s4], $0x0  }
0x19: {  	s7 =	sld [smem:$0x3F91]  }
0x1a: {  	s8 =	sadd.s32 $0xFFFFE003, lr  }
0x1b: {  	s9 =	sadd.s32 $0xFFFFFEF7, lr;
	s5 =	simm.s32 $0xFFFFFFFF;
	p2 =	slt.u32 s8, $0xFFFFF086  }
0x1c: {  	p1 =	slt.u32 s9, $0xF7A;
	s5 =	simm.s32 @!p2 $0x0  }
0x1d: {  	s5 =	simm.s32 @p1 $0x1;
	p0 =	seq.s32 s7, s2  }
0x1e: {  	s7 =	smul.u32 @!p0 $0xF7A, s2;
	p2 =	seq.s32 @!p0 s5, $0x0  }
0x1f: {  	s9 =	smul.u32 $0xF7A, s1;
	s8 =	simm.s32 @!p0 $0x1BF5;
	p2 =	por !p2, p0  }
0x20: {  	[sflag:s8] =	ssyncset.s32 @!p0 $0xFFFFF086;
	s6 =	sadd.s32 @!p0 s3, s7;
	s7 =	simm.s32 @!p0 $0x108  }
0x21: {  	s3 =	sadd.s32 s3, s9;
	s6 =	sadd.s32 @!p0 $0x88, s6;
	s7 =	simm.s32 @p2 $0x1082  }
0x22: {  	[simem:s7], [sflag:s8] =	dma.local @!p0 [hbm:s6], $0xF7A  }
0x23: {  	s9 =	sor.u32 $0xD0000000, s2;
	s6 =	simm.s32 $0x108;
	_ =	swait.ge @!p0 [sflag:s8], $0x0  }
0x24: {  	s3 =	sadd.s32 $0x88, s3;
	s6 =	simm.s32 @!p1 $0x1082;
	[sflag:s4] =	ssyncset.s32 $0xFFFFF086  }
0x25: {  	[simem:s6], [sflag:s4] =	dma.local [hbm:s3], $0xF7A  }
0x26: {  	[smem:$0x3F91] =	sst s1;
	(tag) =	ssettag s2;
	_ =	strace s9  }
0x27: {  	s1 =	sld [smem:$0x3FA1]  }
0x28: {  	s2 =	sld [smem:$0x3FA2]  }
0x29: {  	s4 =	sld [smem:$0x3FA4]  }
0x2a: {  	p0 =	seq.s32 s5, $0x0;
	s5 =	sld [smem:$0x3FA5]  }
0x2b: {  	s6 =	sld [smem:$0x3FA6]  }
0x2c: {  	s7 =	sld [smem:$0x3FA7]  }
0x2d: {  	s3 =	simm.s32 $0x108;
	s8 =	sld [smem:$0x3FA8]  }
0x2e: {  	s3 =	simm.s32 @!p0 $0x1082;
	s9 =	sld [smem:$0x3FA9]  }
0x2f: {  	lr =	sadd.s32 s0, s3;
	s0 =	sld [smem:$0x3FA0]  }
0x30: {  	s3 =	sld [smem:$0x3FA3]  }
0x31: {  	[smem:$0x3FAC] =	sst s10  }
0x32: {  	s10 =	sld [smem:$0x3FAA];
	_ =	sdelay $0x3  }
0x33: {  	p0 =	seq.s32 s10, $0x1;
	s10 =	sld [smem:$0x3FAC];
	_ =	sdelay $0x3  }
0x34: {  	[smem:$0x3FAC] =	sst s10  }
0x35: {  	s10 =	sld [smem:$0x3FAB];
	_ =	sdelay $0x3  }
0x36: {  	p1 =	seq.s32 s10, $0x1;
	s10 =	sld [smem:$0x3FAC];
	_ =	sdelay $0x3  }
0x37: {  	[smem:$0x3FAC] =	sst s10  }
0x38: {  	s10 =	sld [smem:$0x3FAD]  }
0x39: {  	_ = 	snop;
	(pc) =	sbr.ind lr, $3  }
0x3a: {  	_ = 	snop  }
0x3b: {  	_ = 	snop  }
0x3c: {  	p2 =	seq.s32 s10, $0x1;
	s10 =	sld [smem:$0x3FAC]  }
0x3d: {  	_ =	shalt  }
0x3e: {  	_ =	shalt  }
0x3f: {  	_ =	shalt  }
0x40: {  	_ =	shalt  }
0x41: {  	_ =	shalt  }
0x42: {  	_ =	shalt  }
0x43: {  	_ =	shalt  }
0x44: {  	_ =	shalt  }
0x45: {  	_ =	shalt  }
0x46: {  	_ =	shalt  }
0x47: {  	_ =	shalt  }
0x48: {  	_ =	shalt  }
0x49: {  	_ =	shalt  }
0x4a: {  	_ =	shalt  }
0x4b: {  	_ =	shalt  }
0x4c: {  	_ =	shalt  }
0x4d: {  	_ =	shalt  }
0x4e: {  	_ =	shalt  }
0x4f: {  	_ =	shalt  }
0x50: {  	_ =	shalt  }
0x51: {  	_ =	shalt  }
0x52: {  	_ =	shalt  }
0x53: {  	_ =	shalt  }
0x54: {  	_ =	shalt  }
0x55: {  	_ =	shalt  }
0x56: {  	_ =	shalt  }
0x57: {  	_ =	shalt  }
0x58: {  	_ =	shalt  }
0x59: {  	_ =	shalt  }
0x5a: {  	_ =	shalt  }
0x5b: {  	_ =	shalt  }
0x5c: {  	_ =	shalt  }
0x5d: {  	_ =	shalt  }
0x5e: {  	_ =	shalt  }
0x5f: {  	_ =	shalt  }
0x60: {  	_ =	shalt  }
0x61: {  	_ =	shalt  }
0x62: {  	_ =	shalt  }
0x63: {  	_ =	shalt  }
0x64: {  	_ =	shalt  }
0x65: {  	_ =	shalt  }
0x66: {  	_ =	shalt  }
0x67: {  	_ =	shalt  }
0x68: {  	_ =	shalt  }
0x69: {  	_ =	shalt  }
0x6a: {  	_ =	shalt  }
0x6b: {  	_ =	shalt  }
0x6c: {  	_ =	shalt  }
0x6d: {  	_ =	shalt  }
0x6e: {  	_ =	shalt  }
0x6f: {  	_ =	shalt  }
0x70: {  	_ =	shalt  }
0x71: {  	_ =	shalt  }
0x72: {  	_ =	shalt  }
0x73: {  	_ =	shalt  }
0x74: {  	_ =	shalt  }
0x75: {  	_ =	shalt  }
0x76: {  	_ =	shalt  }
0x77: {  	_ =	shalt  }
0x78: {  	_ =	shalt  }
0x79: {  	_ =	shalt  }
0x7a: {  	_ =	shalt  }
0x7b: {  	_ =	shalt  }
0x7c: {  	_ =	shalt  }
0x7d: {  	_ =	shalt  }
0x7e: {  	_ =	shalt  }
0x7f: {  	_ =	shalt  }
0x80: {  	_ =	shalt  }
0x81: {  	_ =	shalt  }
0x82: {  	_ =	shalt  }
0x83: {  	_ =	shalt  }
0x84: {  	_ =	shalt  }
0x85: {  	_ =	shalt  }
0x86: {  	_ =	shalt  }
0x87: {  	_ =	shalt  }
.Lfunc_end0:
.L_simem_size_0:
called_computation_lowered:
.L_overlay_start_0:
0x88: {  	s2 =	sld [smem:$0x3FD9]  }
0x89: {  	s3 =	sld [smem:$0x3FFE];
	_ =	sdelay $0x1  }
0x8a: {  	s1 =	srdreg.scid  }
0x8b: {  	s0 =	sand.u32 $0x1, s1  }
0x8c: {  	s16 =	sshll.u32 s0, $0xA;
	s2 =	sadd.s32 s3, s2  }
0x8d: {  	s2 =	sadd.s32 s2, s16  }
0x8e: {  	[smem:$0x3FB8] =	sst s2  }
0x8f: {  	_ = 	snop  }
0x90: {  	(tm) =	ssettm $0x1  }
0x91: {  	s17 =	sld [smem:$0x3FFB];
	_ =	sdelay $0x3  }
0x92: {  	_ =	strace s17  }
0x93: {  	s2 =	sld [smem:$0x3FFC];
	_ =	sdelay $0x3  }
0x94: {  	_ =	strace s2  }
0x95: {  	s2 =	sld [smem:$0x3FFD];
	_ =	sdelay $0x3  }
0x96: {  	_ =	strace s2  }
0x97: {  	_ =	strace $0x8FFFFFFF  }
0x98: {  	s18 =	sld [smem:$0x3FDB];
	_ =	sdelay $0x1  }
0x99: {  	s19 =	simm.s32 $_scs_section_size  }
0x9a: {  	s4 =	simm.s32 $_size__tile_overlayer_lowered;
	s5 =	simm.s32 $_tile_overlayer_lowered  }
0x9b: {  	s22 =	simm.s32 $0x1BFF;
	s21 =	sshll.u32 s5, $0x1;
	s2 =	sadd.s32 s19, s18  }
0x9c: {  	s6 =	simm.s32 $0x0;
	s20 =	sshll.u32 s4, $0x1;
	s4 =	sadd.s32 s21, s2  }
0x9d: {  	[timem:s6], [sflag:s22] =	dma.local [hbm:s4], s20  }
0x9e: {  	_ =	swait.ge [sflag:s22], s20  }
0x9f: {  	s3 =	ssub.s32 $0x0, s20;
	[sflag:s22] =	ssyncset.done $0x0  }
0xa0: {  	[sflag:s22] =	ssyncadd.s32 s3;
	_ =	sdelay $0x1  }
0xa1: {  	s23 =	simm.s32 $0x1B8B  }
0xa2: {  	_ =	swait.ge [sflag:s23], $0x1  }
0xa3: {  	[sflag:s23] =	ssyncset.done $0x0  }
0xa4: {  	s25 =	simm.s32 $0x1B8E;
	s24 =	sld [smem:$0x3FFE];
	[sflag:s23] =	ssyncadd.s32 $0xFFFFFFFF  }
0xa5: {  	s26 =	simm.s32 $execute0_lowered;
	[smem:$0x3FD2] =	sst s25  }
0xa6: {  	s4 =	sshll.u32 s26, $0x1;
	_ =	strace $0x80000046;
	[dreg:$0x1] =	wrdreg $0xFFFFFFFF  }
0xa7: {  	s28 =	simm.s32 $_size_execute0_lowered;
	s2 =	sadd.s32 s2, s4;
	[dreg:$0x0] =	wrdreg $0x0  }
0xa8: {  	s4 =	sshll.u32 s28, $0x1;
	[dreg:$0x2] =	wrdreg s2  }
0xa9: {  	[dreg:$0x3] =	wrdreg s4  }
0xaa: {  	[dreg:$0x4] =	wrdreg $0xC0  }
0xab: {  	_ =	task [dreg:s6], $0x5FFFF  }
0xac: {  	[dreg:$0x1] =	wrdreg $0xFFFFFFFF  }
0xad: {  	[dreg:$0x0] =	wrdreg $0x60  }
0xae: {  	[dreg:$0x2] =	wrdreg s24  }
0xaf: {  	[dreg:$0x3] =	wrdreg $0x5A000  }
0xb0: {  	[dreg:$0x4] =	wrdreg $0x9  }
0xb1: {  	_ =	task.clear_ibuf [dreg:s6], $0x5FFFF;
	_ =	strace $0x90000046  }
0xb2: {  	s29 =	simm.s32 $0x9;
	_ =	strace $0x80000048  }
0xb3: {  	_ =	swait.ge [sflag:s29], $0x1  }
0xb4: {  	[sflag:s29] =	ssyncadd.s32 $0xFFFFFFFF  }
0xb5: {  	_ =	strace $0x90000048  }
0xb6: {  	_ =	sfence  }
0xb7: {  	s30 =	sld [smem:$0x0];
	_ =	sdelay $0x2  }
0xb8: {  	s31 =	sshll.u32 s1, $0xD;
	s1 =	sshrl.u32 s1, $0x2  }
0xb9: {  	s3 =	sand.u32 $0x4000, s31;
	s1 =	sadd.s32 s1, s30  }
0xba: {  	s0 =	sor.u32 s3, s0;
	s1 =	sshll.u32 s1, $0x11  }
0xbb: {  	s0 =	sor.u32 s1, s0  }
0xbc: {  	s0 =	sadd.s32 $0x8F2B, s0  }
0xbd: {  	[sflag:s0] =	ssyncadd.remote.s32 $0x1  }
0xbe: {  	_ =	sfence.sel $0xFFFF  }
0xbf: {  	[dreg:$0x0] =	wrdreg $0xFFFFFFFF;
	(pc) =	sbr.abs _section_cstart, $3  }
0xc0: {  	[dreg:$0x1] =	wrdreg $0xFFFFFFFF  }
0xc1: {  	_ =	task.clear_ibuf [dreg:s6], $0x2FFFF;
	_ =	strace $0x9FFFFFFF  }
0xc2: {  	(tm) =	ssettm $0x7FFFFFFF  }
0xc3: {  	_ =	shalt  }
tec
execute0_lowered:
.L_overlay_start_1:
0x0: {  	(tag) =	ssettag $0x1  }
0x1: {  	s0 =	rddreg [dreg:$0x0]  }
0x2: {  	s1 =	rddreg [dreg:$0x1]  }
0x3: {  	s3 =	simm.s32 $0x0;
	s2 =	srdreg.scid;
	s18 =	stileid.u32  }
0x4: {  	[smem:$0x7FF] =	sst s3;
	s6 =	smul.u32 $0x4E000, s18  }
0x5: {  	s4 =	sadd.s32 $0xDA00, s0;
	s2 =	sand.u32 $0x1, s2;
	s9 =	smul.u32 $0x4E20, s18  }
0x6: {  	s8 =	sadd.s32 $0x3C00, s0;
	s5 =	sadd.s32 $0x21400, s0;
	s17 =	smul.u32 $0x2700, s18  }
0x7: {  	s0 =	sadd.s32 $0x6F600, s0;
	p0 =	sne.s32 s18, $0xF;
	s11 =	smul.u32 $0x4E200, s2  }
0x8: {  	_ =	strace $0x80000047;
	s7 =	ssub.s32 $0x2, s2;
	s15 =	smul.u32 $0x27100, s2  }
0x9: {  	s2 =	smul.u32 $0x138800, s2;
	s10 =	sshrl.u32 s7, $0x1;
	s6 =	sshrl.u32 s6, $0x2  }
0xa: {  	s14 =	sadd.s32 $0x50, s9;
	s16 =	sshrl.u32 s9, $0x3;
	s10 =	ssub.s32 s7, s10  }
0xb: {  	s16 =	sadd.s32 s8, s16;
	s2 =	sshrl.u32 s2, $0x3;
	s17 =	sadd.s32 s17, s15  }
0xc: {  	[dreg:$0x4] =	wrdreg s16;
	s2 =	sadd.s32 s0, s2;
	s0 =	sadd.s32 s0, s17  }
0xd: {  	s6 =	sadd.s32 s6, s1;
	s20 =	smax.u32 s10, $0x1;
	[dreg:$0x7] =	wrdreg s0  }
0xe: {  	s12 =	sadd.s32 s9, s11;
	s21 =	sadd.s32 $0x800, s6;
	[dreg:$0x9] =	wrdreg s20  }
0xf: {  	s26 =	sadd.s32 s11, s14;
	s23 =	sadd.s32 $0x1000, s6;
	[dreg:$0xa] =	wrdreg s21  }
0x10: {  	s13 =	sshrl.u32 s12, $0x3;
	s24 =	sadd.s32 $0x1800, s6;
	[dreg:$0xb] =	wrdreg s23  }
0x11: {  	s16 =	sshrl.u32 s14, $0x3;
	s10 =	sadd.s32 $0x5800, s6;
	[dreg:$0xc] =	wrdreg s24  }
0x12: {  	s14 =	smul.u32 $0x9C4, s18;
	s18 =	sadd.s32 $0x9800, s6;
	[dreg:$0x16] =	wrdreg s10  }
0x13: {  	s13 =	sadd.s32 s4, s13;
	[dreg:$0x1e] =	wrdreg s18  }
0x14: {  	s19 =	sadd.s32 $0x27000, s2;
	[dreg:$0x3] =	wrdreg s13  }
0x15: {  	s22 =	sadd.s32 $0x4DD0, s9;
	s20 =	sadd.s32 $0x2800, s6;
	[dreg:$0x8] =	wrdreg s19  }
0x16: {  	s25 =	sadd.s32 s11, s22;
	s23 =	sadd.s32 $0x3000, s6;
	[dreg:$0x10] =	wrdreg s20  }
0x17: {  	s2 =	sshrl.u32 s25, $0x3;
	s10 =	sadd.s32 $0xD000, s6;
	[dreg:$0x11] =	wrdreg s23  }
0x18: {  	s0 =	sshrl.u32 s22, $0x3;
	s18 =	sadd.s32 $0x11000, s6;
	[smem:$0x7F2] =	sst s10  }
0x19: {  	s13 =	sshrl.u32 s26, $0x3;
	s26 =	sadd.s32 $0x2000, s6;
	[smem:$0x7FA] =	sst s18  }
0x1a: {  	s22 =	sadd.s32 s4, s2;
	s2 =	sadd.s32 $0x4000, s6;
	[dreg:$0xd] =	wrdreg s26  }
0x1b: {  	s21 =	sadd.s32 s14, s8;
	s14 =	sadd.s32 $0x7800, s6;
	[dreg:$0x13] =	wrdreg s2  }
0x1c: {  	s20 =	sadd.s32 $0xA000, s6;
	[dreg:$0x1a] =	wrdreg s14  }
0x1d: {  	s23 =	sadd.s32 $0xA800, s6;
	[dreg:$0x1f] =	wrdreg s20  }
0x1e: {  	s13 =	sadd.s32 s4, s13;
	[smem:$0x7ED] =	sst s23  }
0x1f: {  	s26 =	sadd.s32 $0x3800, s6;
	[dreg:$0x5] =	wrdreg s13  }
0x20: {  	s2 =	sadd.s32 $0xB800, s6;
	[dreg:$0x12] =	wrdreg s26  }
0x21: {  	s14 =	sadd.s32 $0xF000, s6;
	[smem:$0x7EF] =	sst s2  }
0x22: {  	s28 =	simm.s32 $0x180;
	s20 =	sadd.s32 $0x11800, s6;
	[smem:$0x7F6] =	sst s14  }
0x23: {  	s29 =	simm.s32 $0x1;
	s23 =	sadd.s32 $0x12000, s6;
	[smem:$0x7FB] =	sst s20  }
0x24: {  	s25 =	sadd.s32 $0xA0, s12;
	s13 =	sadd.s32 s8, s16;
	[smem:$0x7FC] =	sst s23  }
0x25: {  	s16 =	sadd.s32 $0xF0, s12;
	s12 =	sadd.s32 $0x6800, s6;
	[dreg:$0x6] =	wrdreg s13  }
0x26: {  	s9 =	sadd.s32 $0x4D80, s9;
	s26 =	sadd.s32 $0xB000, s6;
	[dreg:$0x18] =	wrdreg s12  }
0x27: {  	s13 =	sadd.s32 s11, s9;
	s11 =	sadd.s32 $0x6000, s6;
	[smem:$0x7EE] =	sst s26  }
0x28: {  	s17 =	sshrl.u32 s16, $0x3;
	s16 =	sadd.s32 $0x8800, s6;
	[dreg:$0x17] =	wrdreg s11  }
0x29: {  	s30 =	simm.s32 $0x5;
	s12 =	sadd.s32 $0xE000, s6;
	[dreg:$0x1c] =	wrdreg s16  }
0x2a: {  	s9 =	sshrl.u32 s9, $0x3;
	s26 =	sadd.s32 $0x12800, s6;
	[smem:$0x7F4] =	sst s12  }
0x2b: {  	s31 =	simm.s32 $0x2A00;
	s9 =	sadd.s32 s8, s9;
	[smem:$0x7FD] =	sst s26  }
0x2c: {  	s19 =	sadd.s32 s8, s0;
	s8 =	sadd.s32 $0x4800, s6;
	[dreg:$0xe] =	wrdreg s9  }
0x2d: {  	s15 =	sshrl.u32 s13, $0x3;
	s13 =	sadd.s32 $0x7000, s6;
	[dreg:$0x14] =	wrdreg s8  }
0x2e: {  	s24 =	sadd.s32 s17, s4;
	s17 =	sadd.s32 $0x9000, s6;
	[dreg:$0x19] =	wrdreg s13  }
0x2f: {  	s7 =	sadd.s32 $0x138000, s1;
	s11 =	sadd.s32 $0xD800, s6;
	[dreg:$0x1d] =	wrdreg s17  }
0x30: {  	s18 =	simm.s32 $0x4;
	s16 =	sadd.s32 $0x10000, s6;
	[smem:$0x7F3] =	sst s11  }
0x31: {  	s14 =	sadd.s32 $0x13000, s6;
	s0 =	sadd.s32 s4, s15;
	[smem:$0x7F8] =	sst s16  }
0x32: {  	s20 =	simm.s32 $0x50;
	s9 =	sadd.s32 $0x5000, s6;
	[dreg:$0xf] =	wrdreg s0  }
0x33: {  	s23 =	simm.s32 $0x200;
	s15 =	sadd.s32 $0x8000, s6;
	[dreg:$0x15] =	wrdreg s9  }
0x34: {  	s2 =	simm.s32 $0x2;
	s8 =	sadd.s32 $0xC000, s6;
	[dreg:$0x1b] =	wrdreg s15  }
0x35: {  	s26 =	simm.s32 $0x80;
	s13 =	sadd.s32 $0xE800, s6;
	[smem:$0x7F0] =	sst s8  }
0x36: {  	s17 =	sadd.s32 $0x10800, s6;
	s16 =	simm.s32 $0x3;
	[smem:$0x7F5] =	sst s13  }
0x37: {  	s9 =	sadd.s32 $0xC800, s6;
	s15 =	sadd.s32 $0xF800, s6;
	[smem:$0x7F9] =	sst s17  }
0x38: {  	s17 =	simm.s32 $0x100;
	s0 =	simm.s32 $0x6;
	[smem:$0x7F1] =	sst s9  }
0x39: {  	v0 =	vimm.f32 $0.0e+00;
	s8 =	simm.s32 $0x0;
	[smem:$0x7F7] =	sst s15;
	s15 =	simm.s32 $0x5200  }
.LBB2_1:
0x3a: {  	s9 =	simm.s32 $0x0;
	s10 =	simm.s32 $0x200  }
.LBB2_2:
0x3b: {  	p1 =	sne.s32 s10, $0x1E00;
	[tilespmem:s9+$0x5270] =	vst v0  }
0x3c: {  	[tilespmem:s9+$0x5200] =	vst v0  }
0x3d: {  	[tilespmem:s9+$0x5210] =	vst v0  }
.Ltmp0:
0x3e: {  	[tilespmem:s9+$0x5220] =	vst v0;
	(pc) =	sbr.rel @p1 .LBB2_2-.Ltmp0, $4  }
0x3f: {  	[tilespmem:s9+$0x5230] =	vst v0  }
0x40: {  	[tilespmem:s9+$0x5240] =	vst v0  }
0x41: {  	[tilespmem:s9+$0x5250] =	vst v0  }
0x42: {  	[tilespmem:s9+$0x5260] =	vst v0;
	s9 =	sshra.s32 s10, $0x2;
	s10 =	sadd.s32 $0x200, s10  }
0x43: {  	[tilespmem:s9+$0x5270] =	vst v0  }
0x44: {  	[tilespmem:s9+$0x5200] =	vst v0  }
0x45: {  	[tilespmem:s9+$0x5210] =	vst v0  }
0x46: {  	[tilespmem:s9+$0x5220] =	vst v0  }
0x47: {  	[tilespmem:s9+$0x5230] =	vst v0  }
0x48: {  	[tilespmem:s9+$0x5240] =	vst v0  }
0x49: {  	[tilespmem:s9+$0x5250] =	vst v0  }
0x4a: {  	[tilespmem:s9+$0x5260] =	vst v0;
	s13 =	rddreg [dreg:$0xa]  }
0x4b: {  	[spmem:s6] =	stream.linear.scatter [tilespmem:s15], [sflag:$0x3], $0x800, $0x38;
	[tilespmem:$0x19280] =	vst v63  }
0x4c: {  	s10 =	rddreg [dreg:$0xb]  }
0x4d: {  	[spmem:s13] =	stream.linear.scatter [tilespmem:s15], [sflag:$0x3], $0x800, $0x38;
	[tilespmem:$0x19280] =	vst v63  }
0x4e: {  	s11 =	rddreg [dreg:$0xc]  }
0x4f: {  	[spmem:s10] =	stream.linear.scatter [tilespmem:s15], [sflag:$0x3], $0x800, $0x38;
	[tilespmem:$0x19280] =	vst v63  }
0x50: {  	s12 =	rddreg [dreg:$0xd]  }
0x51: {  	[spmem:s11] =	stream.linear.scatter [tilespmem:s15], [sflag:$0x3], $0x800, $0x38;
	[tilespmem:$0x19280] =	vst v63  }
0x52: {  	s13 =	rddreg [dreg:$0x10]  }
0x53: {  	[spmem:s12] =	stream.linear.scatter [tilespmem:s15], [sflag:$0x3], $0x800, $0x38;
	[tilespmem:$0x19280] =	vst v63  }
0x54: {  	s10 =	rddreg [dreg:$0x11]  }
0x55: {  	[spmem:s13] =	stream.linear.scatter [tilespmem:s15], [sflag:$0x3], $0x800, $0x38;
	[tilespmem:$0x19280] =	vst v63  }
0x56: {  	s11 =	rddreg [dreg:$0x12]  }
0x57: {  	[spmem:s10] =	stream.linear.scatter [tilespmem:s15], [sflag:$0x3], $0x800, $0x38;
	[tilespmem:$0x19280] =	vst v63  }
0x58: {  	s12 =	rddreg [dreg:$0x13]  }
0x59: {  	[spmem:s11] =	stream.linear.scatter [tilespmem:s15], [sflag:$0x3], $0x800, $0x38;
	[tilespmem:$0x19280] =	vst v63  }
0x5a: {  	s13 =	rddreg [dreg:$0x14]  }
0x5b: {  	[spmem:s12] =	stream.linear.scatter [tilespmem:s15], [sflag:$0x3], $0x800, $0x38;
	[tilespmem:$0x19280] =	vst v63  }
0x5c: {  	s10 =	rddreg [dreg:$0x15]  }
0x5d: {  	[spmem:s13] =	stream.linear.scatter [tilespmem:s15], [sflag:$0x3], $0x800, $0x38;
	[tilespmem:$0x19280] =	vst v63  }
0x5e: {  	s11 =	rddreg [dreg:$0x16]  }
0x5f: {  	[spmem:s10] =	stream.linear.scatter [tilespmem:s15], [sflag:$0x3], $0x800, $0x38;
	[tilespmem:$0x19280] =	vst v63  }
0x60: {  	s12 =	rddreg [dreg:$0x17]  }
0x61: {  	[spmem:s11] =	stream.linear.scatter [tilespmem:s15], [sflag:$0x3], $0x800, $0x38;
	[tilespmem:$0x19280] =	vst v63  }
0x62: {  	s13 =	rddreg [dreg:$0x18]  }
0x63: {  	[spmem:s12] =	stream.linear.scatter [tilespmem:s15], [sflag:$0x3], $0x800, $0x38;
	[tilespmem:$0x19280] =	vst v63  }
0x64: {  	s10 =	rddreg [dreg:$0x19]  }
0x65: {  	[spmem:s13] =	stream.linear.scatter [tilespmem:s15], [sflag:$0x3], $0x800, $0x38;
	[tilespmem:$0x19280] =	vst v63  }
0x66: {  	s11 =	rddreg [dreg:$0x1a]  }
0x67: {  	[spmem:s10] =	stream.linear.scatter [tilespmem:s15], [sflag:$0x3], $0x800, $0x38;
	[tilespmem:$0x19280] =	vst v63  }
0x68: {  	s12 =	rddreg [dreg:$0x1b]  }
0x69: {  	[spmem:s11] =	stream.linear.scatter [tilespmem:s15], [sflag:$0x3], $0x800, $0x38;
	[tilespmem:$0x19280] =	vst v63  }
0x6a: {  	s13 =	rddreg [dreg:$0x1c]  }
0x6b: {  	[spmem:s12] =	stream.linear.scatter [tilespmem:s15], [sflag:$0x3], $0x800, $0x38;
	[tilespmem:$0x19280] =	vst v63  }
0x6c: {  	s10 =	rddreg [dreg:$0x1d]  }
0x6d: {  	[spmem:s13] =	stream.linear.scatter [tilespmem:s15], [sflag:$0x3], $0x800, $0x38;
	[tilespmem:$0x19280] =	vst v63  }
0x6e: {  	s11 =	rddreg [dreg:$0x1e]  }
0x6f: {  	[spmem:s10] =	stream.linear.scatter [tilespmem:s15], [sflag:$0x3], $0x800, $0x38;
	[tilespmem:$0x19280] =	vst v63  }
0x70: {  	s12 =	rddreg [dreg:$0x1f]  }
0x71: {  	[spmem:s11] =	stream.linear.scatter [tilespmem:s15], [sflag:$0x3], $0x800, $0x38;
	[tilespmem:$0x19280] =	vst v63  }
0x72: {  	s13 =	sld [smem:$0x7ED]  }
0x73: {  	[spmem:s12] =	stream.linear.scatter [tilespmem:s15], [sflag:$0x3], $0x800, $0x38;
	[tilespmem:$0x19280] =	vst v63  }
0x74: {  	s10 =	sld [smem:$0x7EE]  }
0x75: {  	[spmem:s13] =	stream.linear.scatter [tilespmem:s15], [sflag:$0x3], $0x800, $0x38;
	[tilespmem:$0x19280] =	vst v63  }
0x76: {  	s11 =	sld [smem:$0x7EF]  }
0x77: {  	[spmem:s10] =	stream.linear.scatter [tilespmem:s15], [sflag:$0x3], $0x800, $0x38;
	[tilespmem:$0x19280] =	vst v63  }
0x78: {  	s12 =	sld [smem:$0x7F0]  }
0x79: {  	[spmem:s11] =	stream.linear.scatter [tilespmem:s15], [sflag:$0x3], $0x800, $0x38;
	[tilespmem:$0x19280] =	vst v63  }
0x7a: {  	s13 =	sld [smem:$0x7F1]  }
0x7b: {  	[spmem:s12] =	stream.linear.scatter [tilespmem:s15], [sflag:$0x3], $0x800, $0x38;
	[tilespmem:$0x19280] =	vst v63  }
0x7c: {  	s10 =	sld [smem:$0x7F2]  }
0x7d: {  	[spmem:s13] =	stream.linear.scatter [tilespmem:s15], [sflag:$0x3], $0x800, $0x38;
	[tilespmem:$0x19280] =	vst v63  }
0x7e: {  	s11 =	sld [smem:$0x7F3]  }
0x7f: {  	[spmem:s10] =	stream.linear.scatter [tilespmem:s15], [sflag:$0x3], $0x800, $0x38;
	[tilespmem:$0x19280] =	vst v63  }
0x80: {  	s12 =	sld [smem:$0x7F4]  }
0x81: {  	[spmem:s11] =	stream.linear.scatter [tilespmem:s15], [sflag:$0x3], $0x800, $0x38;
	[tilespmem:$0x19280] =	vst v63  }
0x82: {  	s13 =	sld [smem:$0x7F5]  }
0x83: {  	[spmem:s12] =	stream.linear.scatter [tilespmem:s15], [sflag:$0x3], $0x800, $0x38;
	[tilespmem:$0x19280] =	vst v63  }
0x84: {  	s10 =	sld [smem:$0x7F6]  }
0x85: {  	[spmem:s13] =	stream.linear.scatter [tilespmem:s15], [sflag:$0x3], $0x800, $0x38;
	[tilespmem:$0x19280] =	vst v63  }
0x86: {  	s11 =	sld [smem:$0x7F7]  }
0x87: {  	[spmem:s10] =	stream.linear.scatter [tilespmem:s15], [sflag:$0x3], $0x800, $0x38;
	[tilespmem:$0x19280] =	vst v63  }
0x88: {  	s12 =	sld [smem:$0x7F8]  }
0x89: {  	[spmem:s11] =	stream.linear.scatter [tilespmem:s15], [sflag:$0x3], $0x800, $0x38;
	[tilespmem:$0x19280] =	vst v63  }
0x8a: {  	s13 =	sld [smem:$0x7F9]  }
0x8b: {  	[spmem:s12] =	stream.linear.scatter [tilespmem:s15], [sflag:$0x3], $0x800, $0x38;
	[tilespmem:$0x19280] =	vst v63  }
0x8c: {  	s10 =	sld [smem:$0x7FA]  }
0x8d: {  	[spmem:s13] =	stream.linear.scatter [tilespmem:s15], [sflag:$0x3], $0x800, $0x38;
	[tilespmem:$0x19280] =	vst v63  }
0x8e: {  	s11 =	sld [smem:$0x7FB]  }
0x8f: {  	[spmem:s10] =	stream.linear.scatter [tilespmem:s15], [sflag:$0x3], $0x800, $0x38;
	[tilespmem:$0x19280] =	vst v63  }
0x90: {  	s12 =	sld [smem:$0x7FC]  }
0x91: {  	[spmem:s11] =	stream.linear.scatter [tilespmem:s15], [sflag:$0x3], $0x800, $0x38;
	[tilespmem:$0x19280] =	vst v63  }
0x92: {  	s13 =	sld [smem:$0x7FD]  }
0x93: {  	[spmem:s12] =	stream.linear.scatter [tilespmem:s15], [sflag:$0x3], $0x800, $0x38;
	[tilespmem:$0x19280] =	vst v63  }
0x94: {  	_ = 	snop  }
0x95: {  	[spmem:s13] =	stream.linear.scatter [tilespmem:s15], [sflag:$0x3], $0x800, $0x38;
	[tilespmem:$0x19280] =	vst v63  }
0x96: {  	_ = 	snop  }
0x97: {  	[spmem:s14] =	stream.linear.scatter [tilespmem:s15], [sflag:$0x3], $0x800, $0x38;
	[tilespmem:$0x19280] =	vst v63  }
0x98: {  	s9 =	simm.s32 @!p0 $0x5200  }
0x99: {  	[spmem:s7] =	stream.linear.scatter @!p0 [tilespmem:s9], [sflag:$0x3], $0x800, $0x38;
	[tilespmem:$0x19280] =	vst v63  }
0x9a: {  	_ =	swait.ge [sflag:s16], $0x800  }
0x9b: {  	s9 =	simm.s32 $0x26;
	[sflag:s16] =	ssyncset.done $0x0  }
.LBB2_4:
0x9c: {  	p1 =	sne.s32 s9, $0x1;
	s9 =	sadd.s32 $0xFFFFFFFF, s9;
	[sflag:s16] =	ssyncadd.s32 $0xFFFFF800  }
.Ltmp1:
0x9d: {  	(pc) =	sbr.rel @p1 .LBB2_4-.Ltmp1, $3  }
0x9e: {  	_ =	sdelay $0x1  }
0x9f: {  	_ =	swait.ge [sflag:s16], $0x800  }
0xa0: {  	[sflag:s16] =	ssyncset.done $0x0  }
0xa1: {  	[sflag:s16] =	ssyncadd.s32 $0xFFFFF800;
	s9 =	simm.s32 @!p0 $0x3  }
0xa2: {  	_ =	swait.ge @!p0 [sflag:s9], $0x800  }
0xa3: {  	[sflag:s9] =	ssyncset.done @!p0 $0x0  }
0xa4: {  	[sflag:s9] =	ssyncadd.s32 @!p0 $0xFFFFF800  }
0xa5: {  	[bflag:$0x0] =	sbarrier.arrive $0xFFFF  }
0xa6: {  	s9 =	simm.s32 $0x0;
	s10 =	rddreg [dreg:$0x3]  }
0xa7: {  	[tilespmem:s9], [sflag:$0x4] =	stream.linear.gather [hbm4b:s10+s9], $0x50, $0x38;
	[tilespmem:$0x19280] =	vst v63  }
0xa8: {  	s11 =	rddreg [dreg:$0x4]  }
0xa9: {  	[tilespmem:s17], [sflag:$0x4] =	stream.linear.gather [hbm4b:s11+s9], $0x50, $0x38;
	[tilespmem:$0x19280] =	vst v63  }
0xaa: {  	_ =	swait.ge [sflag:s18], $0x50  }
0xab: {  	[sflag:s18] =	ssyncset.done $0x0  }
0xac: {  	[sflag:s18] =	ssyncadd.s32 $0xFFFFFFB0  }
0xad: {  	_ =	swait.ge [sflag:s18], $0x50  }
0xae: {  	[sflag:s18] =	ssyncset.done $0x0  }
0xaf: {  	[sflag:s18] =	ssyncadd.s32 $0xFFFFFFB0  }
0xb0: {  	[tilespmem:s23], [sflag:$0x1] =	stream.indirect.gather [hbm4b:s5+s20], $0x80, s9, s20, $0xb8;
	[tilespmem:$0x19280] =	vst v63  }
0xb1: {  	s12 =	rddreg [dreg:$0x5]  }
0xb2: {  	[tilespmem:s26], [sflag:$0x5] =	stream.linear.gather [hbm4b:s12+s9], $0x50, $0x38;
	[tilespmem:$0x19280] =	vst v63  }
0xb3: {  	s13 =	rddreg [dreg:$0x6]  }
0xb4: {  	[tilespmem:s28], [sflag:$0x5] =	stream.linear.gather [hbm4b:s13+s9], $0x50, $0x38;
	[tilespmem:$0x19280] =	vst v63  }
0xb5: {  	_ =	swait.ge [sflag:s29], $0x2800  }
0xb6: {  	[sflag:s29] =	ssyncset.done $0x0  }
0xb7: {  	[sflag:s29] =	ssyncadd.s32 $0xFFFFD800  }
0xb8: {  	_ =	swait.ge [sflag:s30], $0x50  }
0xb9: {  	[sflag:s30] =	ssyncset.done $0x0  }
0xba: {  	[sflag:s30] =	ssyncadd.s32 $0xFFFFFFB0  }
0xbb: {  	_ =	swait.ge [sflag:s30], $0x50  }
0xbc: {  	[sflag:s30] =	ssyncset.done $0x0  }
0xbd: {  	[sflag:s30] =	ssyncadd.s32 $0xFFFFFFB0  }
0xbe: {  	[tilespmem:s31], [sflag:$0x2] =	stream.indirect.gather [hbm4b:s5+s20], $0x80, s26, s20, $0xb8;
	[tilespmem:$0x19280] =	vst v63  }
0xbf: {  	_ = 	snop  }
0xc0: {  	[spmem:s1] =	stream.indirect.scatter.add.f32 [tilespmem:s23], [sflag:$0x6], $0x80, s17, s20, $0xb8;
	[tilespmem:$0x19280] =	vst v63  }
0xc1: {  	_ =	swait.ge [sflag:s0], $0x2800  }
0xc2: {  	s10 =	sshrl.u32 s25, $0x3;
	[sflag:s0] =	ssyncset.done $0x0  }
0xc3: {  	s11 =	sadd.s32 $0x0, s21;
	s9 =	sadd.s32 s4, s10;
	[sflag:s0] =	ssyncadd.s32 $0xFFFFD800  }
0xc4: {  	[tilespmem:s3], [sflag:$0x4] =	stream.linear.gather [hbm4b:s9+s3], $0x50, $0x38;
	[tilespmem:$0x19280] =	vst v63  }
0xc5: {  	s12 =	sadd.s32 $0x14, s11  }
0xc6: {  	[tilespmem:s17], [sflag:$0x4] =	stream.linear.gather [hbm4b:s12+s3], $0x50, $0x38;
	[tilespmem:$0x19280] =	vst v63  }
0xc7: {  	_ =	swait.ge [sflag:s2], $0x2800  }
0xc8: {  	[sflag:s2] =	ssyncset.done $0x0  }
0xc9: {  	[sflag:s2] =	ssyncadd.s32 $0xFFFFD800  }
0xca: {  	_ =	swait.ge [sflag:s18], $0x50  }
0xcb: {  	[sflag:s18] =	ssyncset.done $0x0  }
0xcc: {  	[sflag:s18] =	ssyncadd.s32 $0xFFFFFFB0  }
0xcd: {  	_ =	swait.ge [sflag:s18], $0x50  }
0xce: {  	[sflag:s18] =	ssyncset.done $0x0  }
0xcf: {  	[sflag:s18] =	ssyncadd.s32 $0xFFFFFFB0  }
0xd0: {  	[tilespmem:s23], [sflag:$0x1] =	stream.indirect.gather [hbm4b:s5+s20], $0x80, s3, s20, $0xb8;
	[tilespmem:$0x19280] =	vst v63  }
0xd1: {  	_ = 	snop  }
0xd2: {  	[spmem:s1] =	stream.indirect.scatter.add.f32 [tilespmem:s31], [sflag:$0x6], $0x80, s28, s20, $0xb8;
	[tilespmem:$0x19280] =	vst v63  }
0xd3: {  	_ =	swait.ge [sflag:s0], $0x2800  }
0xd4: {  	s11 =	sadd.s32 $0x1E, s11;
	s13 =	sadd.s32 $0x0, s24;
	[sflag:s0] =	ssyncset.done $0x0  }
0xd5: {  	s10 =	sadd.s32 $0xA0, s25;
	s9 =	simm.s32 $0x14;
	[sflag:s0] =	ssyncadd.s32 $0xFFFFD800  }
0xd6: {  	[tilespmem:s26], [sflag:$0x5] =	stream.linear.gather [hbm4b:s13+s3], $0x50, $0x38;
	[tilespmem:$0x19280] =	vst v63  }
.LBB2_6:
0xd7: {  	[tilespmem:s28], [sflag:$0x5] =	stream.linear.gather [hbm4b:s11+s3], $0x50, $0x38;
	[tilespmem:$0x19280] =	vst v63  }
0xd8: {  	s11 =	smov.u32 s9  }
0xd9: {  	p1 =	sne.s32 s9, $0x988;
	s9 =	sadd.s32 $0x14, s9;
	_ =	swait.ge [sflag:s29], $0x2800  }
0xda: {  	[sflag:s29] =	ssyncset.done $0x0  }
0xdb: {  	[sflag:s29] =	ssyncadd.s32 $0xFFFFD800  }
0xdc: {  	_ =	swait.ge [sflag:s30], $0x50  }
0xdd: {  	[sflag:s30] =	ssyncset.done $0x0  }
0xde: {  	[sflag:s30] =	ssyncadd.s32 $0xFFFFFFB0  }
0xdf: {  	_ =	swait.ge [sflag:s30], $0x50  }
0xe0: {  	[sflag:s30] =	ssyncset.done $0x0  }
0xe1: {  	[sflag:s30] =	ssyncadd.s32 $0xFFFFFFB0  }
0xe2: {  	[tilespmem:s31], [sflag:$0x2] =	stream.indirect.gather [hbm4b:s5+s20], $0x80, s26, s20, $0xb8;
	[tilespmem:$0x19280] =	vst v63  }
0xe3: {  	_ = 	snop  }
0xe4: {  	[spmem:s1] =	stream.indirect.scatter.add.f32 [tilespmem:s23], [sflag:$0x6], $0x80, s17, s20, $0xb8;
	[tilespmem:$0x19280] =	vst v63  }
0xe5: {  	_ =	swait.ge [sflag:s0], $0x2800  }
0xe6: {  	s12 =	sshrl.u32 s10, $0x3;
	[sflag:s0] =	ssyncset.done $0x0  }
0xe7: {  	s12 =	sadd.s32 s4, s12;
	s13 =	sadd.s32 s11, s21;
	[sflag:s0] =	ssyncadd.s32 $0xFFFFD800  }
0xe8: {  	[tilespmem:s3], [sflag:$0x4] =	stream.linear.gather [hbm4b:s12+s3], $0x50, $0x38;
	[tilespmem:$0x19280] =	vst v63  }
0xe9: {  	s12 =	sadd.s32 $0x14, s13  }
0xea: {  	[tilespmem:s17], [sflag:$0x4] =	stream.linear.gather [hbm4b:s12+s3], $0x50, $0x38;
	[tilespmem:$0x19280] =	vst v63  }
0xeb: {  	_ =	swait.ge [sflag:s2], $0x2800  }
0xec: {  	[sflag:s2] =	ssyncset.done $0x0  }
0xed: {  	[sflag:s2] =	ssyncadd.s32 $0xFFFFD800  }
0xee: {  	_ =	swait.ge [sflag:s18], $0x50  }
0xef: {  	[sflag:s18] =	ssyncset.done $0x0  }
0xf0: {  	[sflag:s18] =	ssyncadd.s32 $0xFFFFFFB0  }
0xf1: {  	_ =	swait.ge [sflag:s18], $0x50  }
0xf2: {  	[sflag:s18] =	ssyncset.done $0x0  }
0xf3: {  	[sflag:s18] =	ssyncadd.s32 $0xFFFFFFB0  }
0xf4: {  	[tilespmem:s23], [sflag:$0x1] =	stream.indirect.gather [hbm4b:s5+s20], $0x80, s3, s20, $0xb8;
	[tilespmem:$0x19280] =	vst v63  }
0xf5: {  	_ = 	snop  }
0xf6: {  	[spmem:s1] =	stream.indirect.scatter.add.f32 [tilespmem:s31], [sflag:$0x6], $0x80, s28, s20, $0xb8;
	[tilespmem:$0x19280] =	vst v63  }
.Ltmp2:
0xf7: {  	_ =	swait.ge [sflag:s0], $0x2800;
	(pc) =	sbr.rel @p1 .LBB2_6-.Ltmp2, $4  }
0xf8: {  	[sflag:s0] =	ssyncset.done $0x0  }
0xf9: {  	s11 =	sadd.s32 s11, s24;
	[sflag:s0] =	ssyncadd.s32 $0xFFFFD800  }
0xfa: {  	[tilespmem:s26], [sflag:$0x5] =	stream.linear.gather [hbm4b:s11+s3], $0x50, $0x38;
	[tilespmem:$0x19280] =	vst v63  }
0xfb: {  	s10 =	sadd.s32 $0xA0, s10;
	s11 =	sadd.s32 $0x1E, s13  }
0xfc: {  	[tilespmem:s28], [sflag:$0x5] =	stream.linear.gather [hbm4b:s11+s3], $0x50, $0x38;
	[tilespmem:$0x19280] =	vst v63  }
0xfd: {  	_ =	swait.ge [sflag:s29], $0x2800  }
0xfe: {  	[sflag:s29] =	ssyncset.done $0x0  }
0xff: {  	[sflag:s29] =	ssyncadd.s32 $0xFFFFD800  }
0x100: {  	_ =	swait.ge [sflag:s30], $0x50  }
0x101: {  	[sflag:s30] =	ssyncset.done $0x0  }
0x102: {  	[sflag:s30] =	ssyncadd.s32 $0xFFFFFFB0  }
0x103: {  	_ =	swait.ge [sflag:s30], $0x50  }
0x104: {  	[sflag:s30] =	ssyncset.done $0x0  }
0x105: {  	[sflag:s30] =	ssyncadd.s32 $0xFFFFFFB0  }
0x106: {  	[tilespmem:s31], [sflag:$0x2] =	stream.indirect.gather [hbm4b:s5+s20], $0x80, s26, s20, $0xb8;
	[tilespmem:$0x19280] =	vst v63  }
0x107: {  	_ = 	snop  }
0x108: {  	[spmem:s1] =	stream.indirect.scatter.add.f32 [tilespmem:s23], [sflag:$0x6], $0x80, s17, s20, $0xb8;
	[tilespmem:$0x19280] =	vst v63  }
0x109: {  	_ =	swait.ge [sflag:s0], $0x2800  }
0x10a: {  	[sflag:s0] =	ssyncset.done $0x0  }
0x10b: {  	s9 =	rddreg [dreg:$0xf];
	[sflag:s0] =	ssyncadd.s32 $0xFFFFD800  }
0x10c: {  	[tilespmem:s3], [sflag:$0x4] =	stream.linear.gather [hbm4b:s9+s3], $0x50, $0x38;
	[tilespmem:$0x19280] =	vst v63  }
0x10d: {  	s10 =	rddreg [dreg:$0xe]  }
0x10e: {  	[tilespmem:s17], [sflag:$0x4] =	stream.linear.gather [hbm4b:s10+s3], $0x50, $0x38;
	[tilespmem:$0x19280] =	vst v63  }
0x10f: {  	_ =	swait.ge [sflag:s2], $0x2800  }
0x110: {  	[sflag:s2] =	ssyncset.done $0x0  }
0x111: {  	[sflag:s2] =	ssyncadd.s32 $0xFFFFD800  }
0x112: {  	_ =	swait.ge [sflag:s18], $0x50  }
0x113: {  	[sflag:s18] =	ssyncset.done $0x0  }
0x114: {  	[sflag:s18] =	ssyncadd.s32 $0xFFFFFFB0  }
0x115: {  	_ =	swait.ge [sflag:s18], $0x50  }
0x116: {  	[sflag:s18] =	ssyncset.done $0x0  }
0x117: {  	[sflag:s18] =	ssyncadd.s32 $0xFFFFFFB0  }
0x118: {  	[tilespmem:s23], [sflag:$0x1] =	stream.indirect.gather [hbm4b:s5+s20], $0x80, s3, s20, $0xb8;
	[tilespmem:$0x19280] =	vst v63  }
0x119: {  	_ = 	snop  }
0x11a: {  	[spmem:s1] =	stream.indirect.scatter.add.f32 [tilespmem:s31], [sflag:$0x6], $0x80, s28, s20, $0xb8;
	[tilespmem:$0x19280] =	vst v63  }
0x11b: {  	_ =	swait.ge [sflag:s0], $0x2800  }
0x11c: {  	[sflag:s0] =	ssyncset.done $0x0  }
0x11d: {  	[sflag:s0] =	ssyncadd.s32 $0xFFFFD800  }
0x11e: {  	[tilespmem:s26], [sflag:$0x5] =	stream.linear.gather [hbm4b:s22+s3], $0x50, $0x38;
	[tilespmem:$0x19280] =	vst v63  }
0x11f: {  	_ = 	snop  }
0x120: {  	[tilespmem:s28], [sflag:$0x5] =	stream.linear.gather [hbm4b:s19+s3], $0x50, $0x38;
	[tilespmem:$0x19280] =	vst v63  }
0x121: {  	_ =	swait.ge [sflag:s29], $0x2800  }
0x122: {  	[sflag:s29] =	ssyncset.done $0x0  }
0x123: {  	[sflag:s29] =	ssyncadd.s32 $0xFFFFD800  }
0x124: {  	_ =	swait.ge [sflag:s30], $0x50  }
0x125: {  	[sflag:s30] =	ssyncset.done $0x0  }
0x126: {  	[sflag:s30] =	ssyncadd.s32 $0xFFFFFFB0  }
0x127: {  	_ =	swait.ge [sflag:s30], $0x50  }
0x128: {  	[sflag:s30] =	ssyncset.done $0x0  }
0x129: {  	[sflag:s30] =	ssyncadd.s32 $0xFFFFFFB0  }
0x12a: {  	[tilespmem:s31], [sflag:$0x2] =	stream.indirect.gather [hbm4b:s5+s20], $0x80, s26, s20, $0xb8;
	[tilespmem:$0x19280] =	vst v63  }
0x12b: {  	_ = 	snop  }
0x12c: {  	[spmem:s1] =	stream.indirect.scatter.add.f32 [tilespmem:s23], [sflag:$0x6], $0x80, s17, s20, $0xb8;
	[tilespmem:$0x19280] =	vst v63  }
0x12d: {  	_ =	swait.ge [sflag:s0], $0x2800  }
0x12e: {  	[sflag:s0] =	ssyncset.done $0x0  }
0x12f: {  	[sflag:s0] =	ssyncadd.s32 $0xFFFFD800  }
0x130: {  	[tilespmem:s3], [sflag:$0x4] =	stream.linear.gather [hbm4b:s22+s3], $0x50, $0x38;
	[tilespmem:$0x19280] =	vst v63  }
0x131: {  	_ = 	snop  }
0x132: {  	[tilespmem:s17], [sflag:$0x4] =	stream.linear.gather [hbm4b:s19+s3], $0x50, $0x38;
	[tilespmem:$0x19280] =	vst v63  }
0x133: {  	_ =	swait.ge [sflag:s2], $0x2800  }
0x134: {  	[sflag:s2] =	ssyncset.done $0x0  }
0x135: {  	[sflag:s2] =	ssyncadd.s32 $0xFFFFD800  }
0x136: {  	_ =	swait.ge [sflag:s18], $0x50  }
0x137: {  	[sflag:s18] =	ssyncset.done $0x0  }
0x138: {  	[sflag:s18] =	ssyncadd.s32 $0xFFFFFFB0  }
0x139: {  	_ =	swait.ge [sflag:s18], $0x50  }
0x13a: {  	[sflag:s18] =	ssyncset.done $0x0  }
0x13b: {  	[sflag:s18] =	ssyncadd.s32 $0xFFFFFFB0  }
0x13c: {  	[tilespmem:s23], [sflag:$0x1] =	stream.indirect.gather [hbm4b:s5+s20], $0x80, s3, s20, $0xb8;
	[tilespmem:$0x19280] =	vst v63  }
0x13d: {  	_ = 	snop  }
0x13e: {  	[spmem:s1] =	stream.indirect.scatter.add.f32 [tilespmem:s31], [sflag:$0x6], $0x80, s28, s20, $0xb8;
	[tilespmem:$0x19280] =	vst v63  }
0x13f: {  	_ =	swait.ge [sflag:s0], $0x2800  }
0x140: {  	[sflag:s0] =	ssyncset.done $0x0  }
0x141: {  	[sflag:s0] =	ssyncadd.s32 $0xFFFFD800  }
0x142: {  	[tilespmem:s26], [sflag:$0x5] =	stream.linear.gather [hbm4b:s22+s3], $0x50, $0x38;
	[tilespmem:$0x19280] =	vst v63  }
0x143: {  	_ = 	snop  }
0x144: {  	[tilespmem:s28], [sflag:$0x5] =	stream.linear.gather [hbm4b:s19+s3], $0x50, $0x38;
	[tilespmem:$0x19280] =	vst v63  }
0x145: {  	_ =	swait.ge [sflag:s29], $0x2800  }
0x146: {  	[sflag:s29] =	ssyncset.done $0x0  }
0x147: {  	[sflag:s29] =	ssyncadd.s32 $0xFFFFD800  }
0x148: {  	_ =	swait.ge [sflag:s30], $0x50  }
0x149: {  	[sflag:s30] =	ssyncset.done $0x0  }
0x14a: {  	[sflag:s30] =	ssyncadd.s32 $0xFFFFFFB0  }
0x14b: {  	_ =	swait.ge [sflag:s30], $0x50  }
0x14c: {  	[sflag:s30] =	ssyncset.done $0x0  }
0x14d: {  	s11 =	stileid.u32;
	[sflag:s30] =	ssyncadd.s32 $0xFFFFFFB0  }
0x14e: {  	s9 =	sshll.u32 s11, $0x6;
	[bflag:$0x0] =	sbarrier.arrive $0xFFFF  }
0x14f: {  	s9 =	sor.u32 $0x1C06, s9;
	s10 =	sshrl.u32 s6, $0x3;
	s12 =	rddreg [dreg:$0x7]  }
0x150: {  	[hbm:s12], [sflag:s9] =	dma.local [spmem:s10], $0x2700  }
0x151: {  	_ =	swait.ge [sflag:s0], $0x2700  }
0x152: {  	[sflag:s0] =	ssyncset.done $0x0  }
0x153: {  	s10 =	sshrl.u32 @!p0 s7, $0x3;
	s11 =	rddreg [dreg:$0x8];
	[sflag:s0] =	ssyncadd.s32 $0xFFFFD900  }
0x154: {  	[hbm:s11], [sflag:s9] =	dma.local @!p0 [spmem:s10], $0x100  }
0x155: {  	s9 =	simm.s32 @!p0 $0x6  }
0x156: {  	_ =	swait.ge @!p0 [sflag:s9], $0x100  }
0x157: {  	s8 =	sadd.s32 $0x1, s8;
	s13 =	rddreg [dreg:$0x9]  }
0x158: {  	p1 =	sne.s32 s8, s13  }
.Ltmp3:
0x159: {  	_ = 	snop;
	(pc) =	sbr.rel @p1 .LBB2_1-.Ltmp3, $3  }
0x15a: {  	_ =	sdelay $0x1  }
0x15b: {  	[sflag:s9] =	ssyncset.done @!p0 $0x0  }
0x15c: {  	[sflag:s9] =	ssyncadd.s32 @!p0 $0xFFFFFF00  }
0x15d: {  	_ =	sfence.sel $0x180000  }
0x15e: {  	[bflag:$0x0] =	sbarrier.arrive $0xFFFF  }
0x15f: {  	_ =	strace $0x90000047  }
0x160: {  	s0 =	stileid.u32;
	[bflag:$0x2] =	sbarrier.arrive $0xFFFF  }
0x161: {  	p0 =	sne.s32 s0, $0x0;
	s0 =	rddreg [dreg:$0x2]  }
0x162: {  	s0 =	sadd.s32 @!p0 $0x100000, s0  }
0x163: {  	[sflag:s0] =	ssyncadd.tile.s32 @!p0 $0x1;
	_ =	shalt  }
.Lfunc_end2:
_tile_overlayer_lowered:
.L_overlay_start_2:
0x164: {  	(tag) =	ssettag $0x2  }
0x165: {  	s0 =	rddreg [dreg:$0x0];
	s2 =	stileid.u32  }
0x166: {  	s1 =	rddreg [dreg:$0x1];
	p0 =	sne.s32 s2, $0x0  }
0x167: {  	s3 =	rddreg [dreg:$0x2];
	[bflag:$0x3] =	sbarrier.arrive $0xFFFF;
	s2 =	simm.s32 @!p0 $0x1C06  }
0x168: {  	[timem:s3], [sflag:s2] =	dma.local @!p0 [hbm:s0], s1  }
0x169: {  	s0 =	simm.s32 @!p0 $0x6  }
0x16a: {  	_ =	swait.ge @!p0 [sflag:s0], s1  }
0x16b: {  	s1 =	ssub.s32 @!p0 $0x0, s1;
	[sflag:s0] =	ssyncset.done @!p0 $0x0  }
0x16c: {  	[sflag:s0] =	ssyncadd.s32 @!p0 s1  }
0x16d: {  	[bflag:$0x3] =	sbarrier.arrive $0xFFFF  }
0x16e: {  	_ =	shalt  }

</sc_bundles>
